<compile_context>
chip_gen: v7x
topology: tpu7x:2x2x1
jax: 0.10.2.dev20260603
libtpu: 0.0.44.dev20260713+nightly
codegen_flags: <defaults>
</compile_context>

<pallas_src>
import functools

import jax
import jax.numpy as jnp
from jax import lax
from jax.experimental import pallas as pl
from jax.experimental.pallas import tpu as pltpu
from jax.experimental.pallas import tpu_sc as plsc

_NUM_WORKERS = 32
_NBUF = 8
_INIT_AHEAD = 4
_GATHER_AHEAD = 2
_POSB_W = 32


def kernel(inputs, token_table, pos_table):
    B, L = inputs.shape
    V, E = token_table.shape
    BBLK = B // _NUM_WORKERS
    neg = E // 16

    inputs_t = jnp.swapaxes(inputs, 0, 1)

    mesh = plsc.VectorSubcoreMesh(core_axis_name="c", subcore_axis_name="s")

    @functools.partial(
        pl.kernel,
        mesh=mesh,
        compiler_params=pltpu.CompilerParams(use_tc_tiling_on_sc=False,
                                             needs_layout_passes=False),
        out_type=jax.ShapeDtypeStruct((L, B, E), jnp.float32),
        scratch_types=[
            pltpu.VMEM((L, BBLK), jnp.int32),
            pltpu.VMEM((L, E), jnp.float32),
            pltpu.VMEM_SHARED((L, _POSB_W, E), jnp.float32),
            [pltpu.VMEM((BBLK, E), jnp.float32)] * _NBUF,
            [pltpu.SemaphoreType.DMA] * _NBUF,
            [pltpu.SemaphoreType.DMA] * _NBUF,
            [pltpu.SemaphoreType.DMA] * _NBUF,
        ],
    )
    def emb_kernel(inputs_hbm, table_hbm, pos_hbm, out_hbm,
                   idx_v, pos_v, posb_sh, bufs, isems, gsems, wsems):
        sid = lax.axis_index("s")
        wid = sid * 2 + lax.axis_index("c")
        bbase = wid * BBLK

        pltpu.sync_copy(inputs_hbm.at[:, pl.ds(bbase, BBLK)], idx_v)
        pltpu.sync_copy(pos_hbm, pos_v)

        def build(l, carry):
            prow = [pos_v[l, pl.ds(16 * q, 16)] for q in range(neg)]

            @plsc.parallel_loop(0, _POSB_W, step=1)
            def _fill(j):
                for q in range(neg):
                    bufs[0][j, pl.ds(16 * q, 16)] = prow[q]

            pltpu.sync_copy(bufs[0].at[pl.ds(0, _POSB_W)], posb_sh.at[l])
            return carry

        lax.fori_loop((sid * L) // 16, ((sid + 1) * L) // 16, build, 0)
        plsc.subcore_barrier()

        def init_cps(l, k):
            return [
                pltpu.make_async_copy(
                    posb_sh.at[l],
                    bufs[k].at[pl.ds(i * _POSB_W, _POSB_W)], isems[k])
                for i in range(BBLK // _POSB_W)
            ]

        def gather_cp(l, k):
            return pltpu.make_async_copy(
                table_hbm.at[idx_v.at[l, :]], bufs[k], gsems[k])

        def wb_cp(l, k):
            return pltpu.make_async_copy(
                bufs[k], out_hbm.at[l, pl.ds(bbase, BBLK)], wsems[k])

        def dispatch(kdyn, fn):
            for kk in range(_NBUF):
                @pl.when(kdyn == kk)
                def _go():
                    fn(kk)
            return None

        for l0 in range(_INIT_AHEAD):
            for cp in init_cps(l0, l0):
                cp.start()
        for l0 in range(_GATHER_AHEAD):
            for cp in init_cps(l0, l0):
                cp.wait()
            gather_cp(l0, l0).start(add=True)

        def body(l, carry):
            @pl.when(l + _INIT_AHEAD < L)
            def _init_ahead():
                li = l + _INIT_AHEAD

                def go(kk):
                    @pl.when(li >= _NBUF)
                    def _drain_wb():
                        wb_cp(li - _NBUF, kk).wait()
                    for cp in init_cps(li, kk):
                        cp.start()

                dispatch(lax.rem(li, _NBUF), go)

            @pl.when(l + _GATHER_AHEAD < L)
            def _gather_ahead():
                lg = l + _GATHER_AHEAD

                def go(kk):
                    for cp in init_cps(lg, kk):
                        cp.wait()
                    gather_cp(lg, kk).start(add=True)

                dispatch(lax.rem(lg, _NBUF), go)

            def go(kk):
                gather_cp(l, kk).wait()
                wb_cp(l, kk).start()

            dispatch(lax.rem(l, _NBUF), go)
            return carry

        lax.fori_loop(0, L, body, 0)
        for l in range(L - _NBUF, L):
            wb_cp(l, l % _NBUF).wait()

    out = emb_kernel(inputs_t, token_table, pos_table)
    return jnp.transpose(out, (1, 0, 2))

# --- scband reference (transcript-rebuilt; emitter-appended) ---
"""Pipeline reference for scband-positional-embedding-68083821576688 (READ-ONLY COPY).

The authoritative reference and input builder live on the scoring server;
editing this copy changes nothing except your own understanding.
"""

import jax, jax.numpy as jnp
import numpy as np

SEQ_LEN = 200
VOCAB = 1000000
EMBED = 64
BATCH = 4096

def setup_inputs(seed: int = 0) -> dict:
    key = jax.random.key(seed)
    k1, k2, k3 = jax.random.split(key, 3)
    inputs = jax.random.randint(k1, (BATCH, SEQ_LEN), 0, VOCAB, dtype=jnp.int64 if jax.config.jax_enable_x64 else jnp.int32)
    token_table = jax.random.normal(k2, (VOCAB, EMBED), dtype=jnp.float32) * 0.05
    pos_table = jax.random.normal(k3, (SEQ_LEN, EMBED), dtype=jnp.float32) * 0.05
    return {"inputs": inputs, "token_table": token_table, "pos_table": pos_table}

def reference(inputs, token_table, pos_table):
    # length = shape(inputs)[-1]
    length = inputs.shape[-1]
    positions = jnp.arange(0, length, 1)
    embedtoks = jnp.take(token_table, inputs, axis=0)          # [B, L, E] gather
    embedpos = jnp.take(pos_table, positions, axis=0)          # [L, E]
    return embedtoks + embedpos

if __name__ == "__main__":
    import jax
    _d = setup_inputs()
    print(jax.jit(kernel)(*tuple(_d.values())))

</pallas_src>

<mosaic_0001>
#map = affine_map<(d0, d1) -> (0, 0)>
#map1 = affine_map<(d0, d1) -> (0, 0, 0)>
module attributes {stable_mosaic.version = 14 : i64} {
  func.func @emb_kernel(%arg0: i32, %arg1: i32, %arg2: memref<200x4096xi32, #tpu.memory_space<hbm>>, %arg3: memref<1000000x64xf32, #tpu.memory_space<hbm>>, %arg4: memref<200x64xf32, #tpu.memory_space<hbm>>, %arg5: memref<200x4096x64xf32, #tpu.memory_space<hbm>>, %arg6: memref<200x128xi32, #tpu.memory_space<vmem>>, %arg7: memref<200x64xf32, #tpu.memory_space<vmem>>, %arg8: memref<200x32x64xf32, #tpu.memory_space<vmem_shared>>, %arg9: memref<128x64xf32, #tpu.memory_space<vmem>>, %arg10: memref<128x64xf32, #tpu.memory_space<vmem>>, %arg11: memref<128x64xf32, #tpu.memory_space<vmem>>, %arg12: memref<128x64xf32, #tpu.memory_space<vmem>>, %arg13: memref<128x64xf32, #tpu.memory_space<vmem>>, %arg14: memref<128x64xf32, #tpu.memory_space<vmem>>, %arg15: memref<128x64xf32, #tpu.memory_space<vmem>>, %arg16: memref<128x64xf32, #tpu.memory_space<vmem>>, %arg17: memref<!tpu.dma_semaphore, #tpu.memory_space<semaphore_mem>>, %arg18: memref<!tpu.dma_semaphore, #tpu.memory_space<semaphore_mem>>, %arg19: memref<!tpu.dma_semaphore, #tpu.memory_space<semaphore_mem>>, %arg20: memref<!tpu.dma_semaphore, #tpu.memory_space<semaphore_mem>>, %arg21: memref<!tpu.dma_semaphore, #tpu.memory_space<semaphore_mem>>, %arg22: memref<!tpu.dma_semaphore, #tpu.memory_space<semaphore_mem>>, %arg23: memref<!tpu.dma_semaphore, #tpu.memory_space<semaphore_mem>>, %arg24: memref<!tpu.dma_semaphore, #tpu.memory_space<semaphore_mem>>, %arg25: memref<!tpu.dma_semaphore, #tpu.memory_space<semaphore_mem>>, %arg26: memref<!tpu.dma_semaphore, #tpu.memory_space<semaphore_mem>>, %arg27: memref<!tpu.dma_semaphore, #tpu.memory_space<semaphore_mem>>, %arg28: memref<!tpu.dma_semaphore, #tpu.memory_space<semaphore_mem>>, %arg29: memref<!tpu.dma_semaphore, #tpu.memory_space<semaphore_mem>>, %arg30: memref<!tpu.dma_semaphore, #tpu.memory_space<semaphore_mem>>, %arg31: memref<!tpu.dma_semaphore, #tpu.memory_space<semaphore_mem>>, %arg32: memref<!tpu.dma_semaphore, #tpu.memory_space<semaphore_mem>>, %arg33: memref<!tpu.dma_semaphore, #tpu.memory_space<semaphore_mem>>, %arg34: memref<!tpu.dma_semaphore, #tpu.memory_space<semaphore_mem>>, %arg35: memref<!tpu.dma_semaphore, #tpu.memory_space<semaphore_mem>>, %arg36: memref<!tpu.dma_semaphore, #tpu.memory_space<semaphore_mem>>, %arg37: memref<!tpu.dma_semaphore, #tpu.memory_space<semaphore_mem>>, %arg38: memref<!tpu.dma_semaphore, #tpu.memory_space<semaphore_mem>>, %arg39: memref<!tpu.dma_semaphore, #tpu.memory_space<semaphore_mem>>, %arg40: memref<!tpu.dma_semaphore, #tpu.memory_space<semaphore_mem>>) attributes {dimension_semantics = [#tpu.dimension_semantics<core_parallel>, #tpu.dimension_semantics<subcore_parallel>], iteration_bounds = array<i64: 2, 16>, scalar_prefetch = 0 : i64, scratch_operands = 35 : i64, tpu.core_type = #tpu.core_type<sc_vector_subcore>, window_params = [{transform_indices = #map}, {transform_indices = #map}, {transform_indices = #map}, {transform_indices = #map1}]} {
    %mul3A = arith.constant 2 : i32
    %mul3A_0 = arith.muli %arg1, %mul3A : i32
    %add3A = arith.addi %mul3A_0, %arg0 : i32
    %mul3A_1 = arith.constant 128 : i32
    %mul3A_2 = arith.muli %add3A, %mul3A_1 : i32
    "tpu.region"() ({
      %run_scoped3A = tpu.sem_alloc : memref<!tpu.dma_semaphore, #tpu.memory_space<semaphore_mem>>
      %dma_start3A_490 = arith.constant 0 : i32
      %dma_start3A_491 = tpu.memref_slice %arg2[%dma_start3A_490, %mul3A_2] : memref<200x4096xi32, #tpu.memory_space<hbm>> -> memref<200x128xi32, #tpu.memory_space<hbm>>
      %dma_start3A_492 = arith.constant 0 : i32
      %dma_start3A_493 = tpu.memref_slice %arg2[%dma_start3A_492, %mul3A_2] : memref<200x4096xi32, #tpu.memory_space<hbm>> -> memref<200x128xi32, #tpu.memory_space<hbm>>
      tpu.enqueue_dma source(%dma_start3A_493 : memref<200x128xi32, #tpu.memory_space<hbm>>) target(%arg6 : memref<200x128xi32, #tpu.memory_space<vmem>>) target_semaphore(%run_scoped3A : memref<!tpu.dma_semaphore, #tpu.memory_space<semaphore_mem>>)
      %dma_wait3A_494 = arith.constant 0 : i32
      %dma_wait3A_495 = tpu.memref_slice %arg2[%dma_wait3A_494, %mul3A_2] : memref<200x4096xi32, #tpu.memory_space<hbm>> -> memref<200x128xi32, #tpu.memory_space<hbm>>
      %dma_wait3A_496 = arith.constant 0 : i32
      %dma_wait3A_497 = tpu.memref_slice %arg2[%dma_wait3A_496, %mul3A_2] : memref<200x4096xi32, #tpu.memory_space<hbm>> -> memref<200x128xi32, #tpu.memory_space<hbm>>
      tpu.wait_dma2 semaphore(%run_scoped3A : memref<!tpu.dma_semaphore, #tpu.memory_space<semaphore_mem>>) src(%dma_wait3A_497 : memref<200x128xi32, #tpu.memory_space<hbm>>) dst(%arg6 : memref<200x128xi32, #tpu.memory_space<vmem>>)
      tpu.yield
    }) : () -> ()
    "tpu.region"() ({
      %run_scoped3A = tpu.sem_alloc : memref<!tpu.dma_semaphore, #tpu.memory_space<semaphore_mem>>
      tpu.enqueue_dma source(%arg4 : memref<200x64xf32, #tpu.memory_space<hbm>>) target(%arg7 : memref<200x64xf32, #tpu.memory_space<vmem>>) target_semaphore(%run_scoped3A : memref<!tpu.dma_semaphore, #tpu.memory_space<semaphore_mem>>)
      tpu.wait_dma2 semaphore(%run_scoped3A : memref<!tpu.dma_semaphore, #tpu.memory_space<semaphore_mem>>) src(%arg4 : memref<200x64xf32, #tpu.memory_space<hbm>>) dst(%arg7 : memref<200x64xf32, #tpu.memory_space<vmem>>)
      tpu.yield
    }) : () -> ()
    %mul3A_3 = arith.constant 200 : i32
    %mul3A_4 = arith.muli %arg1, %mul3A_3 : i32
    %jit3A = arith.constant 16 : i32
    %div3A = arith.divsi %mul3A_4, %jit3A : i32
    %sign3A = arith.constant 0 : i32
    %sign3A_5 = arith.cmpi sgt, %mul3A_4, %sign3A : i32
    %sign3A_6 = arith.extui %sign3A_5 : i1 to i32
    %sign3A_7 = arith.constant 0 : i32
    %sign3A_8 = arith.cmpi slt, %mul3A_4, %sign3A_7 : i32
    %sign3A_9 = arith.extui %sign3A_8 : i1 to i32
    %sign3A_10 = arith.subi %sign3A_6, %sign3A_9 : i32
    %sign3A_11 = arith.constant 0 : i32
    %sign3A_12 = arith.cmpi sgt, %jit3A, %sign3A_11 : i32
    %sign3A_13 = arith.extui %sign3A_12 : i1 to i32
    %sign3A_14 = arith.constant 0 : i32
    %sign3A_15 = arith.cmpi slt, %jit3A, %sign3A_14 : i32
    %sign3A_16 = arith.extui %sign3A_15 : i1 to i32
    %sign3A_17 = arith.subi %sign3A_13, %sign3A_16 : i32
    %ne3A = arith.cmpi ne, %sign3A_10, %sign3A_17 : i32
    %rem3A = arith.remsi %mul3A_4, %jit3A : i32
    %ne3A_18 = arith.constant 0 : i32
    %ne3A_19 = arith.cmpi ne, %rem3A, %ne3A_18 : i32
    %and3A = arith.andi %ne3A, %ne3A_19 : i1
    %sub3A = arith.constant 1 : i32
    %sub3A_20 = arith.subi %div3A, %sub3A : i32
    %select_n3A = arith.select %and3A, %sub3A_20, %div3A : i32
    %add3A_21 = arith.constant 1 : i32
    %add3A_22 = arith.addi %arg1, %add3A_21 : i32
    %mul3A_23 = arith.constant 200 : i32
    %mul3A_24 = arith.muli %add3A_22, %mul3A_23 : i32
    %jit3A_25 = arith.constant 16 : i32
    %div3A_26 = arith.divsi %mul3A_24, %jit3A_25 : i32
    %sign3A_27 = arith.constant 0 : i32
    %sign3A_28 = arith.cmpi sgt, %mul3A_24, %sign3A_27 : i32
    %sign3A_29 = arith.extui %sign3A_28 : i1 to i32
    %sign3A_30 = arith.constant 0 : i32
    %sign3A_31 = arith.cmpi slt, %mul3A_24, %sign3A_30 : i32
    %sign3A_32 = arith.extui %sign3A_31 : i1 to i32
    %sign3A_33 = arith.subi %sign3A_29, %sign3A_32 : i32
    %sign3A_34 = arith.constant 0 : i32
    %sign3A_35 = arith.cmpi sgt, %jit3A_25, %sign3A_34 : i32
    %sign3A_36 = arith.extui %sign3A_35 : i1 to i32
    %sign3A_37 = arith.constant 0 : i32
    %sign3A_38 = arith.cmpi slt, %jit3A_25, %sign3A_37 : i32
    %sign3A_39 = arith.extui %sign3A_38 : i1 to i32
    %sign3A_40 = arith.subi %sign3A_36, %sign3A_39 : i32
    %ne3A_41 = arith.cmpi ne, %sign3A_33, %sign3A_40 : i32
    %rem3A_42 = arith.remsi %mul3A_24, %jit3A_25 : i32
    %ne3A_43 = arith.constant 0 : i32
    %ne3A_44 = arith.cmpi ne, %rem3A_42, %ne3A_43 : i32
    %and3A_45 = arith.andi %ne3A_41, %ne3A_44 : i1
    %sub3A_46 = arith.constant 1 : i32
    %sub3A_47 = arith.subi %div3A_26, %sub3A_46 : i32
    %select_n3A_48 = arith.select %and3A_45, %sub3A_47, %div3A_26 : i32
    %while3A = arith.constant 0 : i32
    %while3A_49 = arith.subi %select_n3A_48, %select_n3A : i32
    %while3A_50 = arith.addi %select_n3A, %while3A_49 : i32
    %while3A_51 = arith.constant 1 : i32
    %while3A_52 = arith.divsi %while3A_49, %while3A_51 : i32
    %while3A_53 = arith.muli %while3A_52, %while3A_51 : i32
    %while3A_54 = arith.addi %select_n3A, %while3A_53 : i32
    %while3A_55 = arith.constant 1 : i32
    scf.for %while3A_490 = %select_n3A to %while3A_54 step %while3A_55  : i32 {
      %get3A = arith.index_cast %while3A_490 : i32 to index
      %get3A_491 = arith.constant 0 : index
      %get3A_492 = tpu.vector_load %arg7[%get3A, %get3A_491] {strides = array<i32>} : memref<200x64xf32, #tpu.memory_space<vmem>>, vector<16xf32>,
      %get3A_493 = arith.index_cast %while3A_490 : i32 to index
      %get3A_494 = arith.constant 16 : index
      %get3A_495 = tpu.vector_load %arg7[%get3A_493, %get3A_494] {strides = array<i32>} : memref<200x64xf32, #tpu.memory_space<vmem>>, vector<16xf32>,
      %get3A_496 = arith.index_cast %while3A_490 : i32 to index
      %get3A_497 = arith.constant 32 : index
      %get3A_498 = tpu.vector_load %arg7[%get3A_496, %get3A_497] {strides = array<i32>} : memref<200x64xf32, #tpu.memory_space<vmem>>, vector<16xf32>,
      %get3A_499 = arith.index_cast %while3A_490 : i32 to index
      %get3A_500 = arith.constant 48 : index
      %get3A_501 = tpu.vector_load %arg7[%get3A_499, %get3A_500] {strides = array<i32>} : memref<200x64xf32, #tpu.memory_space<vmem>>, vector<16xf32>,
      %parallel_loop3A = arith.constant 0 : i32
      %parallel_loop3A_502 = arith.constant 32 : i32
      %parallel_loop3A_503 = arith.constant 1 : i32
      scf.for %parallel_loop3A_504 = %parallel_loop3A to %parallel_loop3A_502 step %parallel_loop3A_503  : i32 {
        %parallel_loop3A_505 = arith.index_cast %parallel_loop3A_504 : i32 to index
        %parallel_loop3A_506 = arith.constant 0 : index
        %parallel_loop3A_507 = tpu.vector_load %arg9[%parallel_loop3A_505, %parallel_loop3A_506] {strides = array<i32>} : memref<128x64xf32, #tpu.memory_space<vmem>>, vector<16xf32>,
        tpu.vector_store %arg9[%parallel_loop3A_505, %parallel_loop3A_506], %get3A_492 {strides = array<i32>} : memref<128x64xf32, #tpu.memory_space<vmem>>, vector<16xf32>,
        %parallel_loop3A_508 = arith.index_cast %parallel_loop3A_504 : i32 to index
        %parallel_loop3A_509 = arith.constant 16 : index
        %parallel_loop3A_510 = tpu.vector_load %arg9[%parallel_loop3A_508, %parallel_loop3A_509] {strides = array<i32>} : memref<128x64xf32, #tpu.memory_space<vmem>>, vector<16xf32>,
        tpu.vector_store %arg9[%parallel_loop3A_508, %parallel_loop3A_509], %get3A_495 {strides = array<i32>} : memref<128x64xf32, #tpu.memory_space<vmem>>, vector<16xf32>,
        %parallel_loop3A_511 = arith.index_cast %parallel_loop3A_504 : i32 to index
        %parallel_loop3A_512 = arith.constant 32 : index
        %parallel_loop3A_513 = tpu.vector_load %arg9[%parallel_loop3A_511, %parallel_loop3A_512] {strides = array<i32>} : memref<128x64xf32, #tpu.memory_space<vmem>>, vector<16xf32>,
        tpu.vector_store %arg9[%parallel_loop3A_511, %parallel_loop3A_512], %get3A_498 {strides = array<i32>} : memref<128x64xf32, #tpu.memory_space<vmem>>, vector<16xf32>,
        %parallel_loop3A_514 = arith.index_cast %parallel_loop3A_504 : i32 to index
        %parallel_loop3A_515 = arith.constant 48 : index
        %parallel_loop3A_516 = tpu.vector_load %arg9[%parallel_loop3A_514, %parallel_loop3A_515] {strides = array<i32>} : memref<128x64xf32, #tpu.memory_space<vmem>>, vector<16xf32>,
        tpu.vector_store %arg9[%parallel_loop3A_514, %parallel_loop3A_515], %get3A_501 {strides = array<i32>} : memref<128x64xf32, #tpu.memory_space<vmem>>, vector<16xf32>,
      } {sc.loop_unroll_factor = 1 : i64, sc.parallel_access}
      "tpu.region"() ({
        %run_scoped3A = tpu.sem_alloc : memref<!tpu.dma_semaphore, #tpu.memory_space<semaphore_mem>>
        %dma_start3A_504 = arith.constant 0 : i32
        %dma_start3A_505 = arith.constant 0 : i32
        %dma_start3A_506 = tpu.memref_slice %arg9[%dma_start3A_504, %dma_start3A_505] : memref<128x64xf32, #tpu.memory_space<vmem>> -> memref<32x64xf32, #tpu.memory_space<vmem>>
        %dma_start3A_507 = arith.constant 0 : i32
        %dma_start3A_508 = arith.constant 0 : i32
        %dma_start3A_509 = tpu.memref_slice %arg8[%while3A_490, %dma_start3A_507, %dma_start3A_508] : memref<200x32x64xf32, #tpu.memory_space<vmem_shared>> -> memref<1x32x64xf32, #tpu.memory_space<vmem_shared>>
        %dma_start3A_510 = tpu.memref_squeeze %dma_start3A_509 : memref<1x32x64xf32, #tpu.memory_space<vmem_shared>> -> memref<32x64xf32, #tpu.memory_space<vmem_shared>>
        %dma_start3A_511 = arith.constant 0 : i32
        %dma_start3A_512 = arith.constant 0 : i32
        %dma_start3A_513 = tpu.memref_slice %arg8[%while3A_490, %dma_start3A_511, %dma_start3A_512] : memref<200x32x64xf32, #tpu.memory_space<vmem_shared>> -> memref<1x32x64xf32, #tpu.memory_space<vmem_shared>>
        %dma_start3A_514 = tpu.memref_squeeze %dma_start3A_513 : memref<1x32x64xf32, #tpu.memory_space<vmem_shared>> -> memref<32x64xf32, #tpu.memory_space<vmem_shared>>
        %dma_start3A_515 = arith.constant 0 : i32
        %dma_start3A_516 = arith.constant 0 : i32
        %dma_start3A_517 = tpu.memref_slice %arg9[%dma_start3A_515, %dma_start3A_516] : memref<128x64xf32, #tpu.memory_space<vmem>> -> memref<32x64xf32, #tpu.memory_space<vmem>>
        tpu.enqueue_dma source(%dma_start3A_517 : memref<32x64xf32, #tpu.memory_space<vmem>>) target(%dma_start3A_514 : memref<32x64xf32, #tpu.memory_space<vmem_shared>>) target_semaphore(%run_scoped3A : memref<!tpu.dma_semaphore, #tpu.memory_space<semaphore_mem>>)
        %dma_wait3A_518 = arith.constant 0 : i32
        %dma_wait3A_519 = arith.constant 0 : i32
        %dma_wait3A_520 = tpu.memref_slice %arg9[%dma_wait3A_518, %dma_wait3A_519] : memref<128x64xf32, #tpu.memory_space<vmem>> -> memref<32x64xf32, #tpu.memory_space<vmem>>
        %dma_wait3A_521 = arith.constant 0 : i32
        %dma_wait3A_522 = arith.constant 0 : i32
        %dma_wait3A_523 = tpu.memref_slice %arg8[%while3A_490, %dma_wait3A_521, %dma_wait3A_522] : memref<200x32x64xf32, #tpu.memory_space<vmem_shared>> -> memref<1x32x64xf32, #tpu.memory_space<vmem_shared>>
        %dma_wait3A_524 = tpu.memref_squeeze %dma_wait3A_523 : memref<1x32x64xf32, #tpu.memory_space<vmem_shared>> -> memref<32x64xf32, #tpu.memory_space<vmem_shared>>
        %dma_wait3A_525 = arith.constant 0 : i32
        %dma_wait3A_526 = arith.constant 0 : i32
        %dma_wait3A_527 = tpu.memref_slice %arg8[%while3A_490, %dma_wait3A_525, %dma_wait3A_526] : memref<200x32x64xf32, #tpu.memory_space<vmem_shared>> -> memref<1x32x64xf32, #tpu.memory_space<vmem_shared>>
        %dma_wait3A_528 = tpu.memref_squeeze %dma_wait3A_527 : memref<1x32x64xf32, #tpu.memory_space<vmem_shared>> -> memref<32x64xf32, #tpu.memory_space<vmem_shared>>
        %dma_wait3A_529 = arith.constant 0 : i32
        %dma_wait3A_530 = arith.constant 0 : i32
        %dma_wait3A_531 = tpu.memref_slice %arg9[%dma_wait3A_529, %dma_wait3A_530] : memref<128x64xf32, #tpu.memory_space<vmem>> -> memref<32x64xf32, #tpu.memory_space<vmem>>
        tpu.wait_dma2 semaphore(%run_scoped3A : memref<!tpu.dma_semaphore, #tpu.memory_space<semaphore_mem>>) src(%dma_wait3A_531 : memref<32x64xf32, #tpu.memory_space<vmem>>) dst(%dma_wait3A_528 : memref<32x64xf32, #tpu.memory_space<vmem_shared>>)
        tpu.yield
      }) : () -> ()
    }
    %while3A_56 = arith.constant 1 : i32
    scf.for %while3A_490 = %while3A_54 to %while3A_50 step %while3A_56  : i32 {
      %get3A = arith.index_cast %while3A_490 : i32 to index
      %get3A_491 = arith.constant 0 : index
      %get3A_492 = tpu.vector_load %arg7[%get3A, %get3A_491] {strides = array<i32>} : memref<200x64xf32, #tpu.memory_space<vmem>>, vector<16xf32>,
      %get3A_493 = arith.index_cast %while3A_490 : i32 to index
      %get3A_494 = arith.constant 16 : index
      %get3A_495 = tpu.vector_load %arg7[%get3A_493, %get3A_494] {strides = array<i32>} : memref<200x64xf32, #tpu.memory_space<vmem>>, vector<16xf32>,
      %get3A_496 = arith.index_cast %while3A_490 : i32 to index
      %get3A_497 = arith.constant 32 : index
      %get3A_498 = tpu.vector_load %arg7[%get3A_496, %get3A_497] {strides = array<i32>} : memref<200x64xf32, #tpu.memory_space<vmem>>, vector<16xf32>,
      %get3A_499 = arith.index_cast %while3A_490 : i32 to index
      %get3A_500 = arith.constant 48 : index
      %get3A_501 = tpu.vector_load %arg7[%get3A_499, %get3A_500] {strides = array<i32>} : memref<200x64xf32, #tpu.memory_space<vmem>>, vector<16xf32>,
      %parallel_loop3A = arith.constant 0 : i32
      %parallel_loop3A_502 = arith.constant 32 : i32
      %parallel_loop3A_503 = arith.constant 1 : i32
      scf.for %parallel_loop3A_504 = %parallel_loop3A to %parallel_loop3A_502 step %parallel_loop3A_503  : i32 {
        %parallel_loop3A_505 = arith.index_cast %parallel_loop3A_504 : i32 to index
        %parallel_loop3A_506 = arith.constant 0 : index
        %parallel_loop3A_507 = tpu.vector_load %arg9[%parallel_loop3A_505, %parallel_loop3A_506] {strides = array<i32>} : memref<128x64xf32, #tpu.memory_space<vmem>>, vector<16xf32>,
        tpu.vector_store %arg9[%parallel_loop3A_505, %parallel_loop3A_506], %get3A_492 {strides = array<i32>} : memref<128x64xf32, #tpu.memory_space<vmem>>, vector<16xf32>,
        %parallel_loop3A_508 = arith.index_cast %parallel_loop3A_504 : i32 to index
        %parallel_loop3A_509 = arith.constant 16 : index
        %parallel_loop3A_510 = tpu.vector_load %arg9[%parallel_loop3A_508, %parallel_loop3A_509] {strides = array<i32>} : memref<128x64xf32, #tpu.memory_space<vmem>>, vector<16xf32>,
        tpu.vector_store %arg9[%parallel_loop3A_508, %parallel_loop3A_509], %get3A_495 {strides = array<i32>} : memref<128x64xf32, #tpu.memory_space<vmem>>, vector<16xf32>,
        %parallel_loop3A_511 = arith.index_cast %parallel_loop3A_504 : i32 to index
        %parallel_loop3A_512 = arith.constant 32 : index
        %parallel_loop3A_513 = tpu.vector_load %arg9[%parallel_loop3A_511, %parallel_loop3A_512] {strides = array<i32>} : memref<128x64xf32, #tpu.memory_space<vmem>>, vector<16xf32>,
        tpu.vector_store %arg9[%parallel_loop3A_511, %parallel_loop3A_512], %get3A_498 {strides = array<i32>} : memref<128x64xf32, #tpu.memory_space<vmem>>, vector<16xf32>,
        %parallel_loop3A_514 = arith.index_cast %parallel_loop3A_504 : i32 to index
        %parallel_loop3A_515 = arith.constant 48 : index
        %parallel_loop3A_516 = tpu.vector_load %arg9[%parallel_loop3A_514, %parallel_loop3A_515] {strides = array<i32>} : memref<128x64xf32, #tpu.memory_space<vmem>>, vector<16xf32>,
        tpu.vector_store %arg9[%parallel_loop3A_514, %parallel_loop3A_515], %get3A_501 {strides = array<i32>} : memref<128x64xf32, #tpu.memory_space<vmem>>, vector<16xf32>,
      } {sc.loop_unroll_factor = 1 : i64, sc.parallel_access}
      "tpu.region"() ({
        %run_scoped3A = tpu.sem_alloc : memref<!tpu.dma_semaphore, #tpu.memory_space<semaphore_mem>>
        %dma_start3A_504 = arith.constant 0 : i32
        %dma_start3A_505 = arith.constant 0 : i32
        %dma_start3A_506 = tpu.memref_slice %arg9[%dma_start3A_504, %dma_start3A_505] : memref<128x64xf32, #tpu.memory_space<vmem>> -> memref<32x64xf32, #tpu.memory_space<vmem>>
        %dma_start3A_507 = arith.constant 0 : i32
        %dma_start3A_508 = arith.constant 0 : i32
        %dma_start3A_509 = tpu.memref_slice %arg8[%while3A_490, %dma_start3A_507, %dma_start3A_508] : memref<200x32x64xf32, #tpu.memory_space<vmem_shared>> -> memref<1x32x64xf32, #tpu.memory_space<vmem_shared>>
        %dma_start3A_510 = tpu.memref_squeeze %dma_start3A_509 : memref<1x32x64xf32, #tpu.memory_space<vmem_shared>> -> memref<32x64xf32, #tpu.memory_space<vmem_shared>>
        %dma_start3A_511 = arith.constant 0 : i32
        %dma_start3A_512 = arith.constant 0 : i32
        %dma_start3A_513 = tpu.memref_slice %arg8[%while3A_490, %dma_start3A_511, %dma_start3A_512] : memref<200x32x64xf32, #tpu.memory_space<vmem_shared>> -> memref<1x32x64xf32, #tpu.memory_space<vmem_shared>>
        %dma_start3A_514 = tpu.memref_squeeze %dma_start3A_513 : memref<1x32x64xf32, #tpu.memory_space<vmem_shared>> -> memref<32x64xf32, #tpu.memory_space<vmem_shared>>
        %dma_start3A_515 = arith.constant 0 : i32
        %dma_start3A_516 = arith.constant 0 : i32
        %dma_start3A_517 = tpu.memref_slice %arg9[%dma_start3A_515, %dma_start3A_516] : memref<128x64xf32, #tpu.memory_space<vmem>> -> memref<32x64xf32, #tpu.memory_space<vmem>>
        tpu.enqueue_dma source(%dma_start3A_517 : memref<32x64xf32, #tpu.memory_space<vmem>>) target(%dma_start3A_514 : memref<32x64xf32, #tpu.memory_space<vmem_shared>>) target_semaphore(%run_scoped3A : memref<!tpu.dma_semaphore, #tpu.memory_space<semaphore_mem>>)
        %dma_wait3A_518 = arith.constant 0 : i32
        %dma_wait3A_519 = arith.constant 0 : i32
        %dma_wait3A_520 = tpu.memref_slice %arg9[%dma_wait3A_518, %dma_wait3A_519] : memref<128x64xf32, #tpu.memory_space<vmem>> -> memref<32x64xf32, #tpu.memory_space<vmem>>
        %dma_wait3A_521 = arith.constant 0 : i32
        %dma_wait3A_522 = arith.constant 0 : i32
        %dma_wait3A_523 = tpu.memref_slice %arg8[%while3A_490, %dma_wait3A_521, %dma_wait3A_522] : memref<200x32x64xf32, #tpu.memory_space<vmem_shared>> -> memref<1x32x64xf32, #tpu.memory_space<vmem_shared>>
        %dma_wait3A_524 = tpu.memref_squeeze %dma_wait3A_523 : memref<1x32x64xf32, #tpu.memory_space<vmem_shared>> -> memref<32x64xf32, #tpu.memory_space<vmem_shared>>
        %dma_wait3A_525 = arith.constant 0 : i32
        %dma_wait3A_526 = arith.constant 0 : i32
        %dma_wait3A_527 = tpu.memref_slice %arg8[%while3A_490, %dma_wait3A_525, %dma_wait3A_526] : memref<200x32x64xf32, #tpu.memory_space<vmem_shared>> -> memref<1x32x64xf32, #tpu.memory_space<vmem_shared>>
        %dma_wait3A_528 = tpu.memref_squeeze %dma_wait3A_527 : memref<1x32x64xf32, #tpu.memory_space<vmem_shared>> -> memref<32x64xf32, #tpu.memory_space<vmem_shared>>
        %dma_wait3A_529 = arith.constant 0 : i32
        %dma_wait3A_530 = arith.constant 0 : i32
        %dma_wait3A_531 = tpu.memref_slice %arg9[%dma_wait3A_529, %dma_wait3A_530] : memref<128x64xf32, #tpu.memory_space<vmem>> -> memref<32x64xf32, #tpu.memory_space<vmem>>
        tpu.wait_dma2 semaphore(%run_scoped3A : memref<!tpu.dma_semaphore, #tpu.memory_space<semaphore_mem>>) src(%dma_wait3A_531 : memref<32x64xf32, #tpu.memory_space<vmem>>) dst(%dma_wait3A_528 : memref<32x64xf32, #tpu.memory_space<vmem_shared>>)
        tpu.yield
      }) : () -> ()
    }
    %barrier3A = arith.constant 0 : index
    tpu.barrier barrier_id(%barrier3A)
    %dma_start3A = arith.constant 0 : i32
    %dma_start3A_57 = arith.constant 0 : i32
    %dma_start3A_58 = arith.constant 0 : i32
    %dma_start3A_59 = tpu.memref_slice %arg9[%dma_start3A_57, %dma_start3A_58] : memref<128x64xf32, #tpu.memory_space<vmem>> -> memref<32x64xf32, #tpu.memory_space<vmem>>
    %dma_start3A_60 = arith.constant 0 : i32
    %dma_start3A_61 = arith.constant 0 : i32
    %dma_start3A_62 = tpu.memref_slice %arg8[%dma_start3A, %dma_start3A_60, %dma_start3A_61] : memref<200x32x64xf32, #tpu.memory_space<vmem_shared>> -> memref<1x32x64xf32, #tpu.memory_space<vmem_shared>>
    %dma_start3A_63 = tpu.memref_squeeze %dma_start3A_62 : memref<1x32x64xf32, #tpu.memory_space<vmem_shared>> -> memref<32x64xf32, #tpu.memory_space<vmem_shared>>
    %dma_start3A_64 = arith.constant 0 : i32
    %dma_start3A_65 = arith.constant 0 : i32
    %dma_start3A_66 = tpu.memref_slice %arg9[%dma_start3A_64, %dma_start3A_65] : memref<128x64xf32, #tpu.memory_space<vmem>> -> memref<32x64xf32, #tpu.memory_space<vmem>>
    %dma_start3A_67 = arith.constant 0 : i32
    %dma_start3A_68 = arith.constant 0 : i32
    %dma_start3A_69 = tpu.memref_slice %arg8[%dma_start3A, %dma_start3A_67, %dma_start3A_68] : memref<200x32x64xf32, #tpu.memory_space<vmem_shared>> -> memref<1x32x64xf32, #tpu.memory_space<vmem_shared>>
    %dma_start3A_70 = tpu.memref_squeeze %dma_start3A_69 : memref<1x32x64xf32, #tpu.memory_space<vmem_shared>> -> memref<32x64xf32, #tpu.memory_space<vmem_shared>>
    tpu.enqueue_dma source(%dma_start3A_70 : memref<32x64xf32, #tpu.memory_space<vmem_shared>>) target(%dma_start3A_66 : memref<32x64xf32, #tpu.memory_space<vmem>>) target_semaphore(%arg17 : memref<!tpu.dma_semaphore, #tpu.memory_space<semaphore_mem>>)
    %dma_start3A_71 = arith.constant 0 : i32
    %dma_start3A_72 = arith.constant 32 : i32
    %dma_start3A_73 = arith.constant 0 : i32
    %dma_start3A_74 = tpu.memref_slice %arg9[%dma_start3A_72, %dma_start3A_73] : memref<128x64xf32, #tpu.memory_space<vmem>> -> memref<32x64xf32, #tpu.memory_space<vmem>>
    %dma_start3A_75 = arith.constant 0 : i32
    %dma_start3A_76 = arith.constant 0 : i32
    %dma_start3A_77 = tpu.memref_slice %arg8[%dma_start3A_71, %dma_start3A_75, %dma_start3A_76] : memref<200x32x64xf32, #tpu.memory_space<vmem_shared>> -> memref<1x32x64xf32, #tpu.memory_space<vmem_shared>>
    %dma_start3A_78 = tpu.memref_squeeze %dma_start3A_77 : memref<1x32x64xf32, #tpu.memory_space<vmem_shared>> -> memref<32x64xf32, #tpu.memory_space<vmem_shared>>
    %dma_start3A_79 = arith.constant 32 : i32
    %dma_start3A_80 = arith.constant 0 : i32
    %dma_start3A_81 = tpu.memref_slice %arg9[%dma_start3A_79, %dma_start3A_80] : memref<128x64xf32, #tpu.memory_space<vmem>> -> memref<32x64xf32, #tpu.memory_space<vmem>>
    %dma_start3A_82 = arith.constant 0 : i32
    %dma_start3A_83 = arith.constant 0 : i32
    %dma_start3A_84 = tpu.memref_slice %arg8[%dma_start3A_71, %dma_start3A_82, %dma_start3A_83] : memref<200x32x64xf32, #tpu.memory_space<vmem_shared>> -> memref<1x32x64xf32, #tpu.memory_space<vmem_shared>>
    %dma_start3A_85 = tpu.memref_squeeze %dma_start3A_84 : memref<1x32x64xf32, #tpu.memory_space<vmem_shared>> -> memref<32x64xf32, #tpu.memory_space<vmem_shared>>
    tpu.enqueue_dma source(%dma_start3A_85 : memref<32x64xf32, #tpu.memory_space<vmem_shared>>) target(%dma_start3A_81 : memref<32x64xf32, #tpu.memory_space<vmem>>) target_semaphore(%arg17 : memref<!tpu.dma_semaphore, #tpu.memory_space<semaphore_mem>>)
    %dma_start3A_86 = arith.constant 0 : i32
    %dma_start3A_87 = arith.constant 64 : i32
    %dma_start3A_88 = arith.constant 0 : i32
    %dma_start3A_89 = tpu.memref_slice %arg9[%dma_start3A_87, %dma_start3A_88] : memref<128x64xf32, #tpu.memory_space<vmem>> -> memref<32x64xf32, #tpu.memory_space<vmem>>
    %dma_start3A_90 = arith.constant 0 : i32
    %dma_start3A_91 = arith.constant 0 : i32
    %dma_start3A_92 = tpu.memref_slice %arg8[%dma_start3A_86, %dma_start3A_90, %dma_start3A_91] : memref<200x32x64xf32, #tpu.memory_space<vmem_shared>> -> memref<1x32x64xf32, #tpu.memory_space<vmem_shared>>
    %dma_start3A_93 = tpu.memref_squeeze %dma_start3A_92 : memref<1x32x64xf32, #tpu.memory_space<vmem_shared>> -> memref<32x64xf32, #tpu.memory_space<vmem_shared>>
    %dma_start3A_94 = arith.constant 64 : i32
    %dma_start3A_95 = arith.constant 0 : i32
    %dma_start3A_96 = tpu.memref_slice %arg9[%dma_start3A_94, %dma_start3A_95] : memref<128x64xf32, #tpu.memory_space<vmem>> -> memref<32x64xf32, #tpu.memory_space<vmem>>
    %dma_start3A_97 = arith.constant 0 : i32
    %dma_start3A_98 = arith.constant 0 : i32
    %dma_start3A_99 = tpu.memref_slice %arg8[%dma_start3A_86, %dma_start3A_97, %dma_start3A_98] : memref<200x32x64xf32, #tpu.memory_space<vmem_shared>> -> memref<1x32x64xf32, #tpu.memory_space<vmem_shared>>
    %dma_start3A_100 = tpu.memref_squeeze %dma_start3A_99 : memref<1x32x64xf32, #tpu.memory_space<vmem_shared>> -> memref<32x64xf32, #tpu.memory_space<vmem_shared>>
    tpu.enqueue_dma source(%dma_start3A_100 : memref<32x64xf32, #tpu.memory_space<vmem_shared>>) target(%dma_start3A_96 : memref<32x64xf32, #tpu.memory_space<vmem>>) target_semaphore(%arg17 : memref<!tpu.dma_semaphore, #tpu.memory_space<semaphore_mem>>)
    %dma_start3A_101 = arith.constant 0 : i32
    %dma_start3A_102 = arith.constant 96 : i32
    %dma_start3A_103 = arith.constant 0 : i32
    %dma_start3A_104 = tpu.memref_slice %arg9[%dma_start3A_102, %dma_start3A_103] : memref<128x64xf32, #tpu.memory_space<vmem>> -> memref<32x64xf32, #tpu.memory_space<vmem>>
    %dma_start3A_105 = arith.constant 0 : i32
    %dma_start3A_106 = arith.constant 0 : i32
    %dma_start3A_107 = tpu.memref_slice %arg8[%dma_start3A_101, %dma_start3A_105, %dma_start3A_106] : memref<200x32x64xf32, #tpu.memory_space<vmem_shared>> -> memref<1x32x64xf32, #tpu.memory_space<vmem_shared>>
    %dma_start3A_108 = tpu.memref_squeeze %dma_start3A_107 : memref<1x32x64xf32, #tpu.memory_space<vmem_shared>> -> memref<32x64xf32, #tpu.memory_space<vmem_shared>>
    %dma_start3A_109 = arith.constant 96 : i32
    %dma_start3A_110 = arith.constant 0 : i32
    %dma_start3A_111 = tpu.memref_slice %arg9[%dma_start3A_109, %dma_start3A_110] : memref<128x64xf32, #tpu.memory_space<vmem>> -> memref<32x64xf32, #tpu.memory_space<vmem>>
    %dma_start3A_112 = arith.constant 0 : i32
    %dma_start3A_113 = arith.constant 0 : i32
    %dma_start3A_114 = tpu.memref_slice %arg8[%dma_start3A_101, %dma_start3A_112, %dma_start3A_113] : memref<200x32x64xf32, #tpu.memory_space<vmem_shared>> -> memref<1x32x64xf32, #tpu.memory_space<vmem_shared>>
    %dma_start3A_115 = tpu.memref_squeeze %dma_start3A_114 : memref<1x32x64xf32, #tpu.memory_space<vmem_shared>> -> memref<32x64xf32, #tpu.memory_space<vmem_shared>>
    tpu.enqueue_dma source(%dma_start3A_115 : memref<32x64xf32, #tpu.memory_space<vmem_shared>>) target(%dma_start3A_111 : memref<32x64xf32, #tpu.memory_space<vmem>>) target_semaphore(%arg17 : memref<!tpu.dma_semaphore, #tpu.memory_space<semaphore_mem>>)
    %dma_start3A_116 = arith.constant 1 : i32
    %dma_start3A_117 = arith.constant 0 : i32
    %dma_start3A_118 = arith.constant 0 : i32
    %dma_start3A_119 = tpu.memref_slice %arg10[%dma_start3A_117, %dma_start3A_118] : memref<128x64xf32, #tpu.memory_space<vmem>> -> memref<32x64xf32, #tpu.memory_space<vmem>>
    %dma_start3A_120 = arith.constant 0 : i32
    %dma_start3A_121 = arith.constant 0 : i32
    %dma_start3A_122 = tpu.memref_slice %arg8[%dma_start3A_116, %dma_start3A_120, %dma_start3A_121] : memref<200x32x64xf32, #tpu.memory_space<vmem_shared>> -> memref<1x32x64xf32, #tpu.memory_space<vmem_shared>>
    %dma_start3A_123 = tpu.memref_squeeze %dma_start3A_122 : memref<1x32x64xf32, #tpu.memory_space<vmem_shared>> -> memref<32x64xf32, #tpu.memory_space<vmem_shared>>
    %dma_start3A_124 = arith.constant 0 : i32
    %dma_start3A_125 = arith.constant 0 : i32
    %dma_start3A_126 = tpu.memref_slice %arg10[%dma_start3A_124, %dma_start3A_125] : memref<128x64xf32, #tpu.memory_space<vmem>> -> memref<32x64xf32, #tpu.memory_space<vmem>>
    %dma_start3A_127 = arith.constant 0 : i32
    %dma_start3A_128 = arith.constant 0 : i32
    %dma_start3A_129 = tpu.memref_slice %arg8[%dma_start3A_116, %dma_start3A_127, %dma_start3A_128] : memref<200x32x64xf32, #tpu.memory_space<vmem_shared>> -> memref<1x32x64xf32, #tpu.memory_space<vmem_shared>>
    %dma_start3A_130 = tpu.memref_squeeze %dma_start3A_129 : memref<1x32x64xf32, #tpu.memory_space<vmem_shared>> -> memref<32x64xf32, #tpu.memory_space<vmem_shared>>
    tpu.enqueue_dma source(%dma_start3A_130 : memref<32x64xf32, #tpu.memory_space<vmem_shared>>) target(%dma_start3A_126 : memref<32x64xf32, #tpu.memory_space<vmem>>) target_semaphore(%arg18 : memref<!tpu.dma_semaphore, #tpu.memory_space<semaphore_mem>>)
    %dma_start3A_131 = arith.constant 1 : i32
    %dma_start3A_132 = arith.constant 32 : i32
    %dma_start3A_133 = arith.constant 0 : i32
    %dma_start3A_134 = tpu.memref_slice %arg10[%dma_start3A_132, %dma_start3A_133] : memref<128x64xf32, #tpu.memory_space<vmem>> -> memref<32x64xf32, #tpu.memory_space<vmem>>
    %dma_start3A_135 = arith.constant 0 : i32
    %dma_start3A_136 = arith.constant 0 : i32
    %dma_start3A_137 = tpu.memref_slice %arg8[%dma_start3A_131, %dma_start3A_135, %dma_start3A_136] : memref<200x32x64xf32, #tpu.memory_space<vmem_shared>> -> memref<1x32x64xf32, #tpu.memory_space<vmem_shared>>
    %dma_start3A_138 = tpu.memref_squeeze %dma_start3A_137 : memref<1x32x64xf32, #tpu.memory_space<vmem_shared>> -> memref<32x64xf32, #tpu.memory_space<vmem_shared>>
    %dma_start3A_139 = arith.constant 32 : i32
    %dma_start3A_140 = arith.constant 0 : i32
    %dma_start3A_141 = tpu.memref_slice %arg10[%dma_start3A_139, %dma_start3A_140] : memref<128x64xf32, #tpu.memory_space<vmem>> -> memref<32x64xf32, #tpu.memory_space<vmem>>
    %dma_start3A_142 = arith.constant 0 : i32
    %dma_start3A_143 = arith.constant 0 : i32
    %dma_start3A_144 = tpu.memref_slice %arg8[%dma_start3A_131, %dma_start3A_142, %dma_start3A_143] : memref<200x32x64xf32, #tpu.memory_space<vmem_shared>> -> memref<1x32x64xf32, #tpu.memory_space<vmem_shared>>
    %dma_start3A_145 = tpu.memref_squeeze %dma_start3A_144 : memref<1x32x64xf32, #tpu.memory_space<vmem_shared>> -> memref<32x64xf32, #tpu.memory_space<vmem_shared>>
    tpu.enqueue_dma source(%dma_start3A_145 : memref<32x64xf32, #tpu.memory_space<vmem_shared>>) target(%dma_start3A_141 : memref<32x64xf32, #tpu.memory_space<vmem>>) target_semaphore(%arg18 : memref<!tpu.dma_semaphore, #tpu.memory_space<semaphore_mem>>)
    %dma_start3A_146 = arith.constant 1 : i32
    %dma_start3A_147 = arith.constant 64 : i32
    %dma_start3A_148 = arith.constant 0 : i32
    %dma_start3A_149 = tpu.memref_slice %arg10[%dma_start3A_147, %dma_start3A_148] : memref<128x64xf32, #tpu.memory_space<vmem>> -> memref<32x64xf32, #tpu.memory_space<vmem>>
    %dma_start3A_150 = arith.constant 0 : i32
    %dma_start3A_151 = arith.constant 0 : i32
    %dma_start3A_152 = tpu.memref_slice %arg8[%dma_start3A_146, %dma_start3A_150, %dma_start3A_151] : memref<200x32x64xf32, #tpu.memory_space<vmem_shared>> -> memref<1x32x64xf32, #tpu.memory_space<vmem_shared>>
    %dma_start3A_153 = tpu.memref_squeeze %dma_start3A_152 : memref<1x32x64xf32, #tpu.memory_space<vmem_shared>> -> memref<32x64xf32, #tpu.memory_space<vmem_shared>>
    %dma_start3A_154 = arith.constant 64 : i32
    %dma_start3A_155 = arith.constant 0 : i32
    %dma_start3A_156 = tpu.memref_slice %arg10[%dma_start3A_154, %dma_start3A_155] : memref<128x64xf32, #tpu.memory_space<vmem>> -> memref<32x64xf32, #tpu.memory_space<vmem>>
    %dma_start3A_157 = arith.constant 0 : i32
    %dma_start3A_158 = arith.constant 0 : i32
    %dma_start3A_159 = tpu.memref_slice %arg8[%dma_start3A_146, %dma_start3A_157, %dma_start3A_158] : memref<200x32x64xf32, #tpu.memory_space<vmem_shared>> -> memref<1x32x64xf32, #tpu.memory_space<vmem_shared>>
    %dma_start3A_160 = tpu.memref_squeeze %dma_start3A_159 : memref<1x32x64xf32, #tpu.memory_space<vmem_shared>> -> memref<32x64xf32, #tpu.memory_space<vmem_shared>>
    tpu.enqueue_dma source(%dma_start3A_160 : memref<32x64xf32, #tpu.memory_space<vmem_shared>>) target(%dma_start3A_156 : memref<32x64xf32, #tpu.memory_space<vmem>>) target_semaphore(%arg18 : memref<!tpu.dma_semaphore, #tpu.memory_space<semaphore_mem>>)
    %dma_start3A_161 = arith.constant 1 : i32
    %dma_start3A_162 = arith.constant 96 : i32
    %dma_start3A_163 = arith.constant 0 : i32
    %dma_start3A_164 = tpu.memref_slice %arg10[%dma_start3A_162, %dma_start3A_163] : memref<128x64xf32, #tpu.memory_space<vmem>> -> memref<32x64xf32, #tpu.memory_space<vmem>>
    %dma_start3A_165 = arith.constant 0 : i32
    %dma_start3A_166 = arith.constant 0 : i32
    %dma_start3A_167 = tpu.memref_slice %arg8[%dma_start3A_161, %dma_start3A_165, %dma_start3A_166] : memref<200x32x64xf32, #tpu.memory_space<vmem_shared>> -> memref<1x32x64xf32, #tpu.memory_space<vmem_shared>>
    %dma_start3A_168 = tpu.memref_squeeze %dma_start3A_167 : memref<1x32x64xf32, #tpu.memory_space<vmem_shared>> -> memref<32x64xf32, #tpu.memory_space<vmem_shared>>
    %dma_start3A_169 = arith.constant 96 : i32
    %dma_start3A_170 = arith.constant 0 : i32
    %dma_start3A_171 = tpu.memref_slice %arg10[%dma_start3A_169, %dma_start3A_170] : memref<128x64xf32, #tpu.memory_space<vmem>> -> memref<32x64xf32, #tpu.memory_space<vmem>>
    %dma_start3A_172 = arith.constant 0 : i32
    %dma_start3A_173 = arith.constant 0 : i32
    %dma_start3A_174 = tpu.memref_slice %arg8[%dma_start3A_161, %dma_start3A_172, %dma_start3A_173] : memref<200x32x64xf32, #tpu.memory_space<vmem_shared>> -> memref<1x32x64xf32, #tpu.memory_space<vmem_shared>>
    %dma_start3A_175 = tpu.memref_squeeze %dma_start3A_174 : memref<1x32x64xf32, #tpu.memory_space<vmem_shared>> -> memref<32x64xf32, #tpu.memory_space<vmem_shared>>
    tpu.enqueue_dma source(%dma_start3A_175 : memref<32x64xf32, #tpu.memory_space<vmem_shared>>) target(%dma_start3A_171 : memref<32x64xf32, #tpu.memory_space<vmem>>) target_semaphore(%arg18 : memref<!tpu.dma_semaphore, #tpu.memory_space<semaphore_mem>>)
    %dma_start3A_176 = arith.constant 2 : i32
    %dma_start3A_177 = arith.constant 0 : i32
    %dma_start3A_178 = arith.constant 0 : i32
    %dma_start3A_179 = tpu.memref_slice %arg11[%dma_start3A_177, %dma_start3A_178] : memref<128x64xf32, #tpu.memory_space<vmem>> -> memref<32x64xf32, #tpu.memory_space<vmem>>
    %dma_start3A_180 = arith.constant 0 : i32
    %dma_start3A_181 = arith.constant 0 : i32
    %dma_start3A_182 = tpu.memref_slice %arg8[%dma_start3A_176, %dma_start3A_180, %dma_start3A_181] : memref<200x32x64xf32, #tpu.memory_space<vmem_shared>> -> memref<1x32x64xf32, #tpu.memory_space<vmem_shared>>
    %dma_start3A_183 = tpu.memref_squeeze %dma_start3A_182 : memref<1x32x64xf32, #tpu.memory_space<vmem_shared>> -> memref<32x64xf32, #tpu.memory_space<vmem_shared>>
    %dma_start3A_184 = arith.constant 0 : i32
    %dma_start3A_185 = arith.constant 0 : i32
    %dma_start3A_186 = tpu.memref_slice %arg11[%dma_start3A_184, %dma_start3A_185] : memref<128x64xf32, #tpu.memory_space<vmem>> -> memref<32x64xf32, #tpu.memory_space<vmem>>
    %dma_start3A_187 = arith.constant 0 : i32
    %dma_start3A_188 = arith.constant 0 : i32
    %dma_start3A_189 = tpu.memref_slice %arg8[%dma_start3A_176, %dma_start3A_187, %dma_start3A_188] : memref<200x32x64xf32, #tpu.memory_space<vmem_shared>> -> memref<1x32x64xf32, #tpu.memory_space<vmem_shared>>
    %dma_start3A_190 = tpu.memref_squeeze %dma_start3A_189 : memref<1x32x64xf32, #tpu.memory_space<vmem_shared>> -> memref<32x64xf32, #tpu.memory_space<vmem_shared>>
    tpu.enqueue_dma source(%dma_start3A_190 : memref<32x64xf32, #tpu.memory_space<vmem_shared>>) target(%dma_start3A_186 : memref<32x64xf32, #tpu.memory_space<vmem>>) target_semaphore(%arg19 : memref<!tpu.dma_semaphore, #tpu.memory_space<semaphore_mem>>)
    %dma_start3A_191 = arith.constant 2 : i32
    %dma_start3A_192 = arith.constant 32 : i32
    %dma_start3A_193 = arith.constant 0 : i32
    %dma_start3A_194 = tpu.memref_slice %arg11[%dma_start3A_192, %dma_start3A_193] : memref<128x64xf32, #tpu.memory_space<vmem>> -> memref<32x64xf32, #tpu.memory_space<vmem>>
    %dma_start3A_195 = arith.constant 0 : i32
    %dma_start3A_196 = arith.constant 0 : i32
    %dma_start3A_197 = tpu.memref_slice %arg8[%dma_start3A_191, %dma_start3A_195, %dma_start3A_196] : memref<200x32x64xf32, #tpu.memory_space<vmem_shared>> -> memref<1x32x64xf32, #tpu.memory_space<vmem_shared>>
    %dma_start3A_198 = tpu.memref_squeeze %dma_start3A_197 : memref<1x32x64xf32, #tpu.memory_space<vmem_shared>> -> memref<32x64xf32, #tpu.memory_space<vmem_shared>>
    %dma_start3A_199 = arith.constant 32 : i32
    %dma_start3A_200 = arith.constant 0 : i32
    %dma_start3A_201 = tpu.memref_slice %arg11[%dma_start3A_199, %dma_start3A_200] : memref<128x64xf32, #tpu.memory_space<vmem>> -> memref<32x64xf32, #tpu.memory_space<vmem>>
    %dma_start3A_202 = arith.constant 0 : i32
    %dma_start3A_203 = arith.constant 0 : i32
    %dma_start3A_204 = tpu.memref_slice %arg8[%dma_start3A_191, %dma_start3A_202, %dma_start3A_203] : memref<200x32x64xf32, #tpu.memory_space<vmem_shared>> -> memref<1x32x64xf32, #tpu.memory_space<vmem_shared>>
    %dma_start3A_205 = tpu.memref_squeeze %dma_start3A_204 : memref<1x32x64xf32, #tpu.memory_space<vmem_shared>> -> memref<32x64xf32, #tpu.memory_space<vmem_shared>>
    tpu.enqueue_dma source(%dma_start3A_205 : memref<32x64xf32, #tpu.memory_space<vmem_shared>>) target(%dma_start3A_201 : memref<32x64xf32, #tpu.memory_space<vmem>>) target_semaphore(%arg19 : memref<!tpu.dma_semaphore, #tpu.memory_space<semaphore_mem>>)
    %dma_start3A_206 = arith.constant 2 : i32
    %dma_start3A_207 = arith.constant 64 : i32
    %dma_start3A_208 = arith.constant 0 : i32
    %dma_start3A_209 = tpu.memref_slice %arg11[%dma_start3A_207, %dma_start3A_208] : memref<128x64xf32, #tpu.memory_space<vmem>> -> memref<32x64xf32, #tpu.memory_space<vmem>>
    %dma_start3A_210 = arith.constant 0 : i32
    %dma_start3A_211 = arith.constant 0 : i32
    %dma_start3A_212 = tpu.memref_slice %arg8[%dma_start3A_206, %dma_start3A_210, %dma_start3A_211] : memref<200x32x64xf32, #tpu.memory_space<vmem_shared>> -> memref<1x32x64xf32, #tpu.memory_space<vmem_shared>>
    %dma_start3A_213 = tpu.memref_squeeze %dma_start3A_212 : memref<1x32x64xf32, #tpu.memory_space<vmem_shared>> -> memref<32x64xf32, #tpu.memory_space<vmem_shared>>
    %dma_start3A_214 = arith.constant 64 : i32
    %dma_start3A_215 = arith.constant 0 : i32
    %dma_start3A_216 = tpu.memref_slice %arg11[%dma_start3A_214, %dma_start3A_215] : memref<128x64xf32, #tpu.memory_space<vmem>> -> memref<32x64xf32, #tpu.memory_space<vmem>>
    %dma_start3A_217 = arith.constant 0 : i32
    %dma_start3A_218 = arith.constant 0 : i32
    %dma_start3A_219 = tpu.memref_slice %arg8[%dma_start3A_206, %dma_start3A_217, %dma_start3A_218] : memref<200x32x64xf32, #tpu.memory_space<vmem_shared>> -> memref<1x32x64xf32, #tpu.memory_space<vmem_shared>>
    %dma_start3A_220 = tpu.memref_squeeze %dma_start3A_219 : memref<1x32x64xf32, #tpu.memory_space<vmem_shared>> -> memref<32x64xf32, #tpu.memory_space<vmem_shared>>
    tpu.enqueue_dma source(%dma_start3A_220 : memref<32x64xf32, #tpu.memory_space<vmem_shared>>) target(%dma_start3A_216 : memref<32x64xf32, #tpu.memory_space<vmem>>) target_semaphore(%arg19 : memref<!tpu.dma_semaphore, #tpu.memory_space<semaphore_mem>>)
    %dma_start3A_221 = arith.constant 2 : i32
    %dma_start3A_222 = arith.constant 96 : i32
    %dma_start3A_223 = arith.constant 0 : i32
    %dma_start3A_224 = tpu.memref_slice %arg11[%dma_start3A_222, %dma_start3A_223] : memref<128x64xf32, #tpu.memory_space<vmem>> -> memref<32x64xf32, #tpu.memory_space<vmem>>
    %dma_start3A_225 = arith.constant 0 : i32
    %dma_start3A_226 = arith.constant 0 : i32
    %dma_start3A_227 = tpu.memref_slice %arg8[%dma_start3A_221, %dma_start3A_225, %dma_start3A_226] : memref<200x32x64xf32, #tpu.memory_space<vmem_shared>> -> memref<1x32x64xf32, #tpu.memory_space<vmem_shared>>
    %dma_start3A_228 = tpu.memref_squeeze %dma_start3A_227 : memref<1x32x64xf32, #tpu.memory_space<vmem_shared>> -> memref<32x64xf32, #tpu.memory_space<vmem_shared>>
    %dma_start3A_229 = arith.constant 96 : i32
    %dma_start3A_230 = arith.constant 0 : i32
    %dma_start3A_231 = tpu.memref_slice %arg11[%dma_start3A_229, %dma_start3A_230] : memref<128x64xf32, #tpu.memory_space<vmem>> -> memref<32x64xf32, #tpu.memory_space<vmem>>
    %dma_start3A_232 = arith.constant 0 : i32
    %dma_start3A_233 = arith.constant 0 : i32
    %dma_start3A_234 = tpu.memref_slice %arg8[%dma_start3A_221, %dma_start3A_232, %dma_start3A_233] : memref<200x32x64xf32, #tpu.memory_space<vmem_shared>> -> memref<1x32x64xf32, #tpu.memory_space<vmem_shared>>
    %dma_start3A_235 = tpu.memref_squeeze %dma_start3A_234 : memref<1x32x64xf32, #tpu.memory_space<vmem_shared>> -> memref<32x64xf32, #tpu.memory_space<vmem_shared>>
    tpu.enqueue_dma source(%dma_start3A_235 : memref<32x64xf32, #tpu.memory_space<vmem_shared>>) target(%dma_start3A_231 : memref<32x64xf32, #tpu.memory_space<vmem>>) target_semaphore(%arg19 : memref<!tpu.dma_semaphore, #tpu.memory_space<semaphore_mem>>)
    %dma_start3A_236 = arith.constant 3 : i32
    %dma_start3A_237 = arith.constant 0 : i32
    %dma_start3A_238 = arith.constant 0 : i32
    %dma_start3A_239 = tpu.memref_slice %arg12[%dma_start3A_237, %dma_start3A_238] : memref<128x64xf32, #tpu.memory_space<vmem>> -> memref<32x64xf32, #tpu.memory_space<vmem>>
    %dma_start3A_240 = arith.constant 0 : i32
    %dma_start3A_241 = arith.constant 0 : i32
    %dma_start3A_242 = tpu.memref_slice %arg8[%dma_start3A_236, %dma_start3A_240, %dma_start3A_241] : memref<200x32x64xf32, #tpu.memory_space<vmem_shared>> -> memref<1x32x64xf32, #tpu.memory_space<vmem_shared>>
    %dma_start3A_243 = tpu.memref_squeeze %dma_start3A_242 : memref<1x32x64xf32, #tpu.memory_space<vmem_shared>> -> memref<32x64xf32, #tpu.memory_space<vmem_shared>>
    %dma_start3A_244 = arith.constant 0 : i32
    %dma_start3A_245 = arith.constant 0 : i32
    %dma_start3A_246 = tpu.memref_slice %arg12[%dma_start3A_244, %dma_start3A_245] : memref<128x64xf32, #tpu.memory_space<vmem>> -> memref<32x64xf32, #tpu.memory_space<vmem>>
    %dma_start3A_247 = arith.constant 0 : i32
    %dma_start3A_248 = arith.constant 0 : i32
    %dma_start3A_249 = tpu.memref_slice %arg8[%dma_start3A_236, %dma_start3A_247, %dma_start3A_248] : memref<200x32x64xf32, #tpu.memory_space<vmem_shared>> -> memref<1x32x64xf32, #tpu.memory_space<vmem_shared>>
    %dma_start3A_250 = tpu.memref_squeeze %dma_start3A_249 : memref<1x32x64xf32, #tpu.memory_space<vmem_shared>> -> memref<32x64xf32, #tpu.memory_space<vmem_shared>>
    tpu.enqueue_dma source(%dma_start3A_250 : memref<32x64xf32, #tpu.memory_space<vmem_shared>>) target(%dma_start3A_246 : memref<32x64xf32, #tpu.memory_space<vmem>>) target_semaphore(%arg20 : memref<!tpu.dma_semaphore, #tpu.memory_space<semaphore_mem>>)
    %dma_start3A_251 = arith.constant 3 : i32
    %dma_start3A_252 = arith.constant 32 : i32
    %dma_start3A_253 = arith.constant 0 : i32
    %dma_start3A_254 = tpu.memref_slice %arg12[%dma_start3A_252, %dma_start3A_253] : memref<128x64xf32, #tpu.memory_space<vmem>> -> memref<32x64xf32, #tpu.memory_space<vmem>>
    %dma_start3A_255 = arith.constant 0 : i32
    %dma_start3A_256 = arith.constant 0 : i32
    %dma_start3A_257 = tpu.memref_slice %arg8[%dma_start3A_251, %dma_start3A_255, %dma_start3A_256] : memref<200x32x64xf32, #tpu.memory_space<vmem_shared>> -> memref<1x32x64xf32, #tpu.memory_space<vmem_shared>>
    %dma_start3A_258 = tpu.memref_squeeze %dma_start3A_257 : memref<1x32x64xf32, #tpu.memory_space<vmem_shared>> -> memref<32x64xf32, #tpu.memory_space<vmem_shared>>
    %dma_start3A_259 = arith.constant 32 : i32
    %dma_start3A_260 = arith.constant 0 : i32
    %dma_start3A_261 = tpu.memref_slice %arg12[%dma_start3A_259, %dma_start3A_260] : memref<128x64xf32, #tpu.memory_space<vmem>> -> memref<32x64xf32, #tpu.memory_space<vmem>>
    %dma_start3A_262 = arith.constant 0 : i32
    %dma_start3A_263 = arith.constant 0 : i32
    %dma_start3A_264 = tpu.memref_slice %arg8[%dma_start3A_251, %dma_start3A_262, %dma_start3A_263] : memref<200x32x64xf32, #tpu.memory_space<vmem_shared>> -> memref<1x32x64xf32, #tpu.memory_space<vmem_shared>>
    %dma_start3A_265 = tpu.memref_squeeze %dma_start3A_264 : memref<1x32x64xf32, #tpu.memory_space<vmem_shared>> -> memref<32x64xf32, #tpu.memory_space<vmem_shared>>
    tpu.enqueue_dma source(%dma_start3A_265 : memref<32x64xf32, #tpu.memory_space<vmem_shared>>) target(%dma_start3A_261 : memref<32x64xf32, #tpu.memory_space<vmem>>) target_semaphore(%arg20 : memref<!tpu.dma_semaphore, #tpu.memory_space<semaphore_mem>>)
    %dma_start3A_266 = arith.constant 3 : i32
    %dma_start3A_267 = arith.constant 64 : i32
    %dma_start3A_268 = arith.constant 0 : i32
    %dma_start3A_269 = tpu.memref_slice %arg12[%dma_start3A_267, %dma_start3A_268] : memref<128x64xf32, #tpu.memory_space<vmem>> -> memref<32x64xf32, #tpu.memory_space<vmem>>
    %dma_start3A_270 = arith.constant 0 : i32
    %dma_start3A_271 = arith.constant 0 : i32
    %dma_start3A_272 = tpu.memref_slice %arg8[%dma_start3A_266, %dma_start3A_270, %dma_start3A_271] : memref<200x32x64xf32, #tpu.memory_space<vmem_shared>> -> memref<1x32x64xf32, #tpu.memory_space<vmem_shared>>
    %dma_start3A_273 = tpu.memref_squeeze %dma_start3A_272 : memref<1x32x64xf32, #tpu.memory_space<vmem_shared>> -> memref<32x64xf32, #tpu.memory_space<vmem_shared>>
    %dma_start3A_274 = arith.constant 64 : i32
    %dma_start3A_275 = arith.constant 0 : i32
    %dma_start3A_276 = tpu.memref_slice %arg12[%dma_start3A_274, %dma_start3A_275] : memref<128x64xf32, #tpu.memory_space<vmem>> -> memref<32x64xf32, #tpu.memory_space<vmem>>
    %dma_start3A_277 = arith.constant 0 : i32
    %dma_start3A_278 = arith.constant 0 : i32
    %dma_start3A_279 = tpu.memref_slice %arg8[%dma_start3A_266, %dma_start3A_277, %dma_start3A_278] : memref<200x32x64xf32, #tpu.memory_space<vmem_shared>> -> memref<1x32x64xf32, #tpu.memory_space<vmem_shared>>
    %dma_start3A_280 = tpu.memref_squeeze %dma_start3A_279 : memref<1x32x64xf32, #tpu.memory_space<vmem_shared>> -> memref<32x64xf32, #tpu.memory_space<vmem_shared>>
    tpu.enqueue_dma source(%dma_start3A_280 : memref<32x64xf32, #tpu.memory_space<vmem_shared>>) target(%dma_start3A_276 : memref<32x64xf32, #tpu.memory_space<vmem>>) target_semaphore(%arg20 : memref<!tpu.dma_semaphore, #tpu.memory_space<semaphore_mem>>)
    %dma_start3A_281 = arith.constant 3 : i32
    %dma_start3A_282 = arith.constant 96 : i32
    %dma_start3A_283 = arith.constant 0 : i32
    %dma_start3A_284 = tpu.memref_slice %arg12[%dma_start3A_282, %dma_start3A_283] : memref<128x64xf32, #tpu.memory_space<vmem>> -> memref<32x64xf32, #tpu.memory_space<vmem>>
    %dma_start3A_285 = arith.constant 0 : i32
    %dma_start3A_286 = arith.constant 0 : i32
    %dma_start3A_287 = tpu.memref_slice %arg8[%dma_start3A_281, %dma_start3A_285, %dma_start3A_286] : memref<200x32x64xf32, #tpu.memory_space<vmem_shared>> -> memref<1x32x64xf32, #tpu.memory_space<vmem_shared>>
    %dma_start3A_288 = tpu.memref_squeeze %dma_start3A_287 : memref<1x32x64xf32, #tpu.memory_space<vmem_shared>> -> memref<32x64xf32, #tpu.memory_space<vmem_shared>>
    %dma_start3A_289 = arith.constant 96 : i32
    %dma_start3A_290 = arith.constant 0 : i32
    %dma_start3A_291 = tpu.memref_slice %arg12[%dma_start3A_289, %dma_start3A_290] : memref<128x64xf32, #tpu.memory_space<vmem>> -> memref<32x64xf32, #tpu.memory_space<vmem>>
    %dma_start3A_292 = arith.constant 0 : i32
    %dma_start3A_293 = arith.constant 0 : i32
    %dma_start3A_294 = tpu.memref_slice %arg8[%dma_start3A_281, %dma_start3A_292, %dma_start3A_293] : memref<200x32x64xf32, #tpu.memory_space<vmem_shared>> -> memref<1x32x64xf32, #tpu.memory_space<vmem_shared>>
    %dma_start3A_295 = tpu.memref_squeeze %dma_start3A_294 : memref<1x32x64xf32, #tpu.memory_space<vmem_shared>> -> memref<32x64xf32, #tpu.memory_space<vmem_shared>>
    tpu.enqueue_dma source(%dma_start3A_295 : memref<32x64xf32, #tpu.memory_space<vmem_shared>>) target(%dma_start3A_291 : memref<32x64xf32, #tpu.memory_space<vmem>>) target_semaphore(%arg20 : memref<!tpu.dma_semaphore, #tpu.memory_space<semaphore_mem>>)
    %dma_wait3A = arith.constant 0 : i32
    %dma_wait3A_296 = arith.constant 0 : i32
    %dma_wait3A_297 = arith.constant 0 : i32
    %dma_wait3A_298 = tpu.memref_slice %arg9[%dma_wait3A_296, %dma_wait3A_297] : memref<128x64xf32, #tpu.memory_space<vmem>> -> memref<32x64xf32, #tpu.memory_space<vmem>>
    %dma_wait3A_299 = arith.constant 0 : i32
    %dma_wait3A_300 = arith.constant 0 : i32
    %dma_wait3A_301 = tpu.memref_slice %arg8[%dma_wait3A, %dma_wait3A_299, %dma_wait3A_300] : memref<200x32x64xf32, #tpu.memory_space<vmem_shared>> -> memref<1x32x64xf32, #tpu.memory_space<vmem_shared>>
    %dma_wait3A_302 = tpu.memref_squeeze %dma_wait3A_301 : memref<1x32x64xf32, #tpu.memory_space<vmem_shared>> -> memref<32x64xf32, #tpu.memory_space<vmem_shared>>
    %dma_wait3A_303 = arith.constant 0 : i32
    %dma_wait3A_304 = arith.constant 0 : i32
    %dma_wait3A_305 = tpu.memref_slice %arg9[%dma_wait3A_303, %dma_wait3A_304] : memref<128x64xf32, #tpu.memory_space<vmem>> -> memref<32x64xf32, #tpu.memory_space<vmem>>
    %dma_wait3A_306 = arith.constant 0 : i32
    %dma_wait3A_307 = arith.constant 0 : i32
    %dma_wait3A_308 = tpu.memref_slice %arg8[%dma_wait3A, %dma_wait3A_306, %dma_wait3A_307] : memref<200x32x64xf32, #tpu.memory_space<vmem_shared>> -> memref<1x32x64xf32, #tpu.memory_space<vmem_shared>>
    %dma_wait3A_309 = tpu.memref_squeeze %dma_wait3A_308 : memref<1x32x64xf32, #tpu.memory_space<vmem_shared>> -> memref<32x64xf32, #tpu.memory_space<vmem_shared>>
    tpu.wait_dma2 semaphore(%arg17 : memref<!tpu.dma_semaphore, #tpu.memory_space<semaphore_mem>>) src(%dma_wait3A_309 : memref<32x64xf32, #tpu.memory_space<vmem_shared>>) dst(%dma_wait3A_305 : memref<32x64xf32, #tpu.memory_space<vmem>>)
    %dma_wait3A_310 = arith.constant 0 : i32
    %dma_wait3A_311 = arith.constant 32 : i32
    %dma_wait3A_312 = arith.constant 0 : i32
    %dma_wait3A_313 = tpu.memref_slice %arg9[%dma_wait3A_311, %dma_wait3A_312] : memref<128x64xf32, #tpu.memory_space<vmem>> -> memref<32x64xf32, #tpu.memory_space<vmem>>
    %dma_wait3A_314 = arith.constant 0 : i32
    %dma_wait3A_315 = arith.constant 0 : i32
    %dma_wait3A_316 = tpu.memref_slice %arg8[%dma_wait3A_310, %dma_wait3A_314, %dma_wait3A_315] : memref<200x32x64xf32, #tpu.memory_space<vmem_shared>> -> memref<1x32x64xf32, #tpu.memory_space<vmem_shared>>
    %dma_wait3A_317 = tpu.memref_squeeze %dma_wait3A_316 : memref<1x32x64xf32, #tpu.memory_space<vmem_shared>> -> memref<32x64xf32, #tpu.memory_space<vmem_shared>>
    %dma_wait3A_318 = arith.constant 32 : i32
    %dma_wait3A_319 = arith.constant 0 : i32
    %dma_wait3A_320 = tpu.memref_slice %arg9[%dma_wait3A_318, %dma_wait3A_319] : memref<128x64xf32, #tpu.memory_space<vmem>> -> memref<32x64xf32, #tpu.memory_space<vmem>>
    %dma_wait3A_321 = arith.constant 0 : i32
    %dma_wait3A_322 = arith.constant 0 : i32
    %dma_wait3A_323 = tpu.memref_slice %arg8[%dma_wait3A_310, %dma_wait3A_321, %dma_wait3A_322] : memref<200x32x64xf32, #tpu.memory_space<vmem_shared>> -> memref<1x32x64xf32, #tpu.memory_space<vmem_shared>>
    %dma_wait3A_324 = tpu.memref_squeeze %dma_wait3A_323 : memref<1x32x64xf32, #tpu.memory_space<vmem_shared>> -> memref<32x64xf32, #tpu.memory_space<vmem_shared>>
    tpu.wait_dma2 semaphore(%arg17 : memref<!tpu.dma_semaphore, #tpu.memory_space<semaphore_mem>>) src(%dma_wait3A_324 : memref<32x64xf32, #tpu.memory_space<vmem_shared>>) dst(%dma_wait3A_320 : memref<32x64xf32, #tpu.memory_space<vmem>>)
    %dma_wait3A_325 = arith.constant 0 : i32
    %dma_wait3A_326 = arith.constant 64 : i32
    %dma_wait3A_327 = arith.constant 0 : i32
    %dma_wait3A_328 = tpu.memref_slice %arg9[%dma_wait3A_326, %dma_wait3A_327] : memref<128x64xf32, #tpu.memory_space<vmem>> -> memref<32x64xf32, #tpu.memory_space<vmem>>
    %dma_wait3A_329 = arith.constant 0 : i32
    %dma_wait3A_330 = arith.constant 0 : i32
    %dma_wait3A_331 = tpu.memref_slice %arg8[%dma_wait3A_325, %dma_wait3A_329, %dma_wait3A_330] : memref<200x32x64xf32, #tpu.memory_space<vmem_shared>> -> memref<1x32x64xf32, #tpu.memory_space<vmem_shared>>
    %dma_wait3A_332 = tpu.memref_squeeze %dma_wait3A_331 : memref<1x32x64xf32, #tpu.memory_space<vmem_shared>> -> memref<32x64xf32, #tpu.memory_space<vmem_shared>>
    %dma_wait3A_333 = arith.constant 64 : i32
    %dma_wait3A_334 = arith.constant 0 : i32
    %dma_wait3A_335 = tpu.memref_slice %arg9[%dma_wait3A_333, %dma_wait3A_334] : memref<128x64xf32, #tpu.memory_space<vmem>> -> memref<32x64xf32, #tpu.memory_space<vmem>>
    %dma_wait3A_336 = arith.constant 0 : i32
    %dma_wait3A_337 = arith.constant 0 : i32
    %dma_wait3A_338 = tpu.memref_slice %arg8[%dma_wait3A_325, %dma_wait3A_336, %dma_wait3A_337] : memref<200x32x64xf32, #tpu.memory_space<vmem_shared>> -> memref<1x32x64xf32, #tpu.memory_space<vmem_shared>>
    %dma_wait3A_339 = tpu.memref_squeeze %dma_wait3A_338 : memref<1x32x64xf32, #tpu.memory_space<vmem_shared>> -> memref<32x64xf32, #tpu.memory_space<vmem_shared>>
    tpu.wait_dma2 semaphore(%arg17 : memref<!tpu.dma_semaphore, #tpu.memory_space<semaphore_mem>>) src(%dma_wait3A_339 : memref<32x64xf32, #tpu.memory_space<vmem_shared>>) dst(%dma_wait3A_335 : memref<32x64xf32, #tpu.memory_space<vmem>>)
    %dma_wait3A_340 = arith.constant 0 : i32
    %dma_wait3A_341 = arith.constant 96 : i32
    %dma_wait3A_342 = arith.constant 0 : i32
    %dma_wait3A_343 = tpu.memref_slice %arg9[%dma_wait3A_341, %dma_wait3A_342] : memref<128x64xf32, #tpu.memory_space<vmem>> -> memref<32x64xf32, #tpu.memory_space<vmem>>
    %dma_wait3A_344 = arith.constant 0 : i32
    %dma_wait3A_345 = arith.constant 0 : i32
    %dma_wait3A_346 = tpu.memref_slice %arg8[%dma_wait3A_340, %dma_wait3A_344, %dma_wait3A_345] : memref<200x32x64xf32, #tpu.memory_space<vmem_shared>> -> memref<1x32x64xf32, #tpu.memory_space<vmem_shared>>
    %dma_wait3A_347 = tpu.memref_squeeze %dma_wait3A_346 : memref<1x32x64xf32, #tpu.memory_space<vmem_shared>> -> memref<32x64xf32, #tpu.memory_space<vmem_shared>>
    %dma_wait3A_348 = arith.constant 96 : i32
    %dma_wait3A_349 = arith.constant 0 : i32
    %dma_wait3A_350 = tpu.memref_slice %arg9[%dma_wait3A_348, %dma_wait3A_349] : memref<128x64xf32, #tpu.memory_space<vmem>> -> memref<32x64xf32, #tpu.memory_space<vmem>>
    %dma_wait3A_351 = arith.constant 0 : i32
    %dma_wait3A_352 = arith.constant 0 : i32
    %dma_wait3A_353 = tpu.memref_slice %arg8[%dma_wait3A_340, %dma_wait3A_351, %dma_wait3A_352] : memref<200x32x64xf32, #tpu.memory_space<vmem_shared>> -> memref<1x32x64xf32, #tpu.memory_space<vmem_shared>>
    %dma_wait3A_354 = tpu.memref_squeeze %dma_wait3A_353 : memref<1x32x64xf32, #tpu.memory_space<vmem_shared>> -> memref<32x64xf32, #tpu.memory_space<vmem_shared>>
    tpu.wait_dma2 semaphore(%arg17 : memref<!tpu.dma_semaphore, #tpu.memory_space<semaphore_mem>>) src(%dma_wait3A_354 : memref<32x64xf32, #tpu.memory_space<vmem_shared>>) dst(%dma_wait3A_350 : memref<32x64xf32, #tpu.memory_space<vmem>>)
    %dma_start3A_355 = arith.constant 0 : i32
    %dma_start3A_356 = arith.constant 0 : i32
    %dma_start3A_357 = tpu.memref_slice %arg6[%dma_start3A_355, %dma_start3A_356] : memref<200x128xi32, #tpu.memory_space<vmem>> -> memref<1x128xi32, #tpu.memory_space<vmem>>
    %dma_start3A_358 = tpu.memref_squeeze %dma_start3A_357 : memref<1x128xi32, #tpu.memory_space<vmem>> -> memref<128xi32, #tpu.memory_space<vmem>>
    %dma_start3A_359 = arith.constant 0 : i32
    %dma_start3A_360 = arith.constant 0 : i32
    %dma_start3A_361 = tpu.memref_slice %arg3[%dma_start3A_359, %dma_start3A_360] : memref<1000000x64xf32, #tpu.memory_space<hbm>> -> memref<1000000x64xf32, #tpu.memory_space<hbm>>
    tpu.enqueue_indirect_dma source(%dma_start3A_361 : memref<1000000x64xf32, #tpu.memory_space<hbm>>) target(%arg9 : memref<128x64xf32, #tpu.memory_space<vmem>>) offsets(%dma_start3A_358 : memref<128xi32, #tpu.memory_space<vmem>>) semaphore(%arg25 : memref<!tpu.dma_semaphore, #tpu.memory_space<semaphore_mem>>) {add = true}
    %dma_wait3A_362 = arith.constant 1 : i32
    %dma_wait3A_363 = arith.constant 0 : i32
    %dma_wait3A_364 = arith.constant 0 : i32
    %dma_wait3A_365 = tpu.memref_slice %arg10[%dma_wait3A_363, %dma_wait3A_364] : memref<128x64xf32, #tpu.memory_space<vmem>> -> memref<32x64xf32, #tpu.memory_space<vmem>>
    %dma_wait3A_366 = arith.constant 0 : i32
    %dma_wait3A_367 = arith.constant 0 : i32
    %dma_wait3A_368 = tpu.memref_slice %arg8[%dma_wait3A_362, %dma_wait3A_366, %dma_wait3A_367] : memref<200x32x64xf32, #tpu.memory_space<vmem_shared>> -> memref<1x32x64xf32, #tpu.memory_space<vmem_shared>>
    %dma_wait3A_369 = tpu.memref_squeeze %dma_wait3A_368 : memref<1x32x64xf32, #tpu.memory_space<vmem_shared>> -> memref<32x64xf32, #tpu.memory_space<vmem_shared>>
    %dma_wait3A_370 = arith.constant 0 : i32
    %dma_wait3A_371 = arith.constant 0 : i32
    %dma_wait3A_372 = tpu.memref_slice %arg10[%dma_wait3A_370, %dma_wait3A_371] : memref<128x64xf32, #tpu.memory_space<vmem>> -> memref<32x64xf32, #tpu.memory_space<vmem>>
    %dma_wait3A_373 = arith.constant 0 : i32
    %dma_wait3A_374 = arith.constant 0 : i32
    %dma_wait3A_375 = tpu.memref_slice %arg8[%dma_wait3A_362, %dma_wait3A_373, %dma_wait3A_374] : memref<200x32x64xf32, #tpu.memory_space<vmem_shared>> -> memref<1x32x64xf32, #tpu.memory_space<vmem_shared>>
    %dma_wait3A_376 = tpu.memref_squeeze %dma_wait3A_375 : memref<1x32x64xf32, #tpu.memory_space<vmem_shared>> -> memref<32x64xf32, #tpu.memory_space<vmem_shared>>
    tpu.wait_dma2 semaphore(%arg18 : memref<!tpu.dma_semaphore, #tpu.memory_space<semaphore_mem>>) src(%dma_wait3A_376 : memref<32x64xf32, #tpu.memory_space<vmem_shared>>) dst(%dma_wait3A_372 : memref<32x64xf32, #tpu.memory_space<vmem>>)
    %dma_wait3A_377 = arith.constant 1 : i32
    %dma_wait3A_378 = arith.constant 32 : i32
    %dma_wait3A_379 = arith.constant 0 : i32
    %dma_wait3A_380 = tpu.memref_slice %arg10[%dma_wait3A_378, %dma_wait3A_379] : memref<128x64xf32, #tpu.memory_space<vmem>> -> memref<32x64xf32, #tpu.memory_space<vmem>>
    %dma_wait3A_381 = arith.constant 0 : i32
    %dma_wait3A_382 = arith.constant 0 : i32
    %dma_wait3A_383 = tpu.memref_slice %arg8[%dma_wait3A_377, %dma_wait3A_381, %dma_wait3A_382] : memref<200x32x64xf32, #tpu.memory_space<vmem_shared>> -> memref<1x32x64xf32, #tpu.memory_space<vmem_shared>>
    %dma_wait3A_384 = tpu.memref_squeeze %dma_wait3A_383 : memref<1x32x64xf32, #tpu.memory_space<vmem_shared>> -> memref<32x64xf32, #tpu.memory_space<vmem_shared>>
    %dma_wait3A_385 = arith.constant 32 : i32
    %dma_wait3A_386 = arith.constant 0 : i32
    %dma_wait3A_387 = tpu.memref_slice %arg10[%dma_wait3A_385, %dma_wait3A_386] : memref<128x64xf32, #tpu.memory_space<vmem>> -> memref<32x64xf32, #tpu.memory_space<vmem>>
    %dma_wait3A_388 = arith.constant 0 : i32
    %dma_wait3A_389 = arith.constant 0 : i32
    %dma_wait3A_390 = tpu.memref_slice %arg8[%dma_wait3A_377, %dma_wait3A_388, %dma_wait3A_389] : memref<200x32x64xf32, #tpu.memory_space<vmem_shared>> -> memref<1x32x64xf32, #tpu.memory_space<vmem_shared>>
    %dma_wait3A_391 = tpu.memref_squeeze %dma_wait3A_390 : memref<1x32x64xf32, #tpu.memory_space<vmem_shared>> -> memref<32x64xf32, #tpu.memory_space<vmem_shared>>
    tpu.wait_dma2 semaphore(%arg18 : memref<!tpu.dma_semaphore, #tpu.memory_space<semaphore_mem>>) src(%dma_wait3A_391 : memref<32x64xf32, #tpu.memory_space<vmem_shared>>) dst(%dma_wait3A_387 : memref<32x64xf32, #tpu.memory_space<vmem>>)
    %dma_wait3A_392 = arith.constant 1 : i32
    %dma_wait3A_393 = arith.constant 64 : i32
    %dma_wait3A_394 = arith.constant 0 : i32
    %dma_wait3A_395 = tpu.memref_slice %arg10[%dma_wait3A_393, %dma_wait3A_394] : memref<128x64xf32, #tpu.memory_space<vmem>> -> memref<32x64xf32, #tpu.memory_space<vmem>>
    %dma_wait3A_396 = arith.constant 0 : i32
    %dma_wait3A_397 = arith.constant 0 : i32
    %dma_wait3A_398 = tpu.memref_slice %arg8[%dma_wait3A_392, %dma_wait3A_396, %dma_wait3A_397] : memref<200x32x64xf32, #tpu.memory_space<vmem_shared>> -> memref<1x32x64xf32, #tpu.memory_space<vmem_shared>>
    %dma_wait3A_399 = tpu.memref_squeeze %dma_wait3A_398 : memref<1x32x64xf32, #tpu.memory_space<vmem_shared>> -> memref<32x64xf32, #tpu.memory_space<vmem_shared>>
    %dma_wait3A_400 = arith.constant 64 : i32
    %dma_wait3A_401 = arith.constant 0 : i32
    %dma_wait3A_402 = tpu.memref_slice %arg10[%dma_wait3A_400, %dma_wait3A_401] : memref<128x64xf32, #tpu.memory_space<vmem>> -> memref<32x64xf32, #tpu.memory_space<vmem>>
    %dma_wait3A_403 = arith.constant 0 : i32
    %dma_wait3A_404 = arith.constant 0 : i32
    %dma_wait3A_405 = tpu.memref_slice %arg8[%dma_wait3A_392, %dma_wait3A_403, %dma_wait3A_404] : memref<200x32x64xf32, #tpu.memory_space<vmem_shared>> -> memref<1x32x64xf32, #tpu.memory_space<vmem_shared>>
    %dma_wait3A_406 = tpu.memref_squeeze %dma_wait3A_405 : memref<1x32x64xf32, #tpu.memory_space<vmem_shared>> -> memref<32x64xf32, #tpu.memory_space<vmem_shared>>
    tpu.wait_dma2 semaphore(%arg18 : memref<!tpu.dma_semaphore, #tpu.memory_space<semaphore_mem>>) src(%dma_wait3A_406 : memref<32x64xf32, #tpu.memory_space<vmem_shared>>) dst(%dma_wait3A_402 : memref<32x64xf32, #tpu.memory_space<vmem>>)
    %dma_wait3A_407 = arith.constant 1 : i32
    %dma_wait3A_408 = arith.constant 96 : i32
    %dma_wait3A_409 = arith.constant 0 : i32
    %dma_wait3A_410 = tpu.memref_slice %arg10[%dma_wait3A_408, %dma_wait3A_409] : memref<128x64xf32, #tpu.memory_space<vmem>> -> memref<32x64xf32, #tpu.memory_space<vmem>>
    %dma_wait3A_411 = arith.constant 0 : i32
    %dma_wait3A_412 = arith.constant 0 : i32
    %dma_wait3A_413 = tpu.memref_slice %arg8[%dma_wait3A_407, %dma_wait3A_411, %dma_wait3A_412] : memref<200x32x64xf32, #tpu.memory_space<vmem_shared>> -> memref<1x32x64xf32, #tpu.memory_space<vmem_shared>>
    %dma_wait3A_414 = tpu.memref_squeeze %dma_wait3A_413 : memref<1x32x64xf32, #tpu.memory_space<vmem_shared>> -> memref<32x64xf32, #tpu.memory_space<vmem_shared>>
    %dma_wait3A_415 = arith.constant 96 : i32
    %dma_wait3A_416 = arith.constant 0 : i32
    %dma_wait3A_417 = tpu.memref_slice %arg10[%dma_wait3A_415, %dma_wait3A_416] : memref<128x64xf32, #tpu.memory_space<vmem>> -> memref<32x64xf32, #tpu.memory_space<vmem>>
    %dma_wait3A_418 = arith.constant 0 : i32
    %dma_wait3A_419 = arith.constant 0 : i32
    %dma_wait3A_420 = tpu.memref_slice %arg8[%dma_wait3A_407, %dma_wait3A_418, %dma_wait3A_419] : memref<200x32x64xf32, #tpu.memory_space<vmem_shared>> -> memref<1x32x64xf32, #tpu.memory_space<vmem_shared>>
    %dma_wait3A_421 = tpu.memref_squeeze %dma_wait3A_420 : memref<1x32x64xf32, #tpu.memory_space<vmem_shared>> -> memref<32x64xf32, #tpu.memory_space<vmem_shared>>
    tpu.wait_dma2 semaphore(%arg18 : memref<!tpu.dma_semaphore, #tpu.memory_space<semaphore_mem>>) src(%dma_wait3A_421 : memref<32x64xf32, #tpu.memory_space<vmem_shared>>) dst(%dma_wait3A_417 : memref<32x64xf32, #tpu.memory_space<vmem>>)
    %dma_start3A_422 = arith.constant 1 : i32
    %dma_start3A_423 = arith.constant 0 : i32
    %dma_start3A_424 = tpu.memref_slice %arg6[%dma_start3A_422, %dma_start3A_423] : memref<200x128xi32, #tpu.memory_space<vmem>> -> memref<1x128xi32, #tpu.memory_space<vmem>>
    %dma_start3A_425 = tpu.memref_squeeze %dma_start3A_424 : memref<1x128xi32, #tpu.memory_space<vmem>> -> memref<128xi32, #tpu.memory_space<vmem>>
    %dma_start3A_426 = arith.constant 0 : i32
    %dma_start3A_427 = arith.constant 0 : i32
    %dma_start3A_428 = tpu.memref_slice %arg3[%dma_start3A_426, %dma_start3A_427] : memref<1000000x64xf32, #tpu.memory_space<hbm>> -> memref<1000000x64xf32, #tpu.memory_space<hbm>>
    tpu.enqueue_indirect_dma source(%dma_start3A_428 : memref<1000000x64xf32, #tpu.memory_space<hbm>>) target(%arg10 : memref<128x64xf32, #tpu.memory_space<vmem>>) offsets(%dma_start3A_425 : memref<128xi32, #tpu.memory_space<vmem>>) semaphore(%arg26 : memref<!tpu.dma_semaphore, #tpu.memory_space<semaphore_mem>>) {add = true}
    %scan3A = arith.constant 0 : i32
    %scan3A_429 = arith.constant 0 : i32
    %scan3A_430 = arith.constant 200 : i32
    %scan3A_431 = arith.addi %scan3A_429, %scan3A_430 : i32
    %scan3A_432 = arith.constant 1 : i32
    scf.for %scan3A_490 = %scan3A_429 to %scan3A_431 step %scan3A_432  : i32 {
      %add3A_491 = arith.constant 4 : i32
      %add3A_492 = arith.addi %scan3A_490, %add3A_491 : i32
      %lt3A = arith.constant 200 : i32
      %lt3A_493 = arith.cmpi slt, %add3A_492, %lt3A : i32
      %convert_element_type3A = arith.extui %lt3A_493 : i1 to i32
      %cond3A = arith.constant 0 : i32
      %cond3A_494 = arith.cmpi ne, %convert_element_type3A, %cond3A : i32
      scf.if %cond3A_494 {
        %add3A_543 = arith.constant 4 : i32
        %add3A_544 = arith.addi %scan3A_490, %add3A_543 : i32
        %rem3A_545 = arith.constant 8 : i32
        %rem3A_546 = arith.remsi %add3A_544, %rem3A_545 : i32
        %eq3A_547 = arith.constant 0 : i32
        %eq3A_548 = arith.cmpi eq, %rem3A_546, %eq3A_547 : i32
        %convert_element_type3A_549 = arith.extui %eq3A_548 : i1 to i32
        %cond3A_550 = arith.constant 0 : i32
        %cond3A_551 = arith.cmpi ne, %convert_element_type3A_549, %cond3A_550 : i32
        scf.if %cond3A_551 {
          %ge3A = arith.constant 8 : i32
          %ge3A_587 = arith.cmpi sge, %add3A_544, %ge3A : i32
          %convert_element_type3A_588 = arith.extui %ge3A_587 : i1 to i32
          %cond3A_589 = arith.constant 0 : i32
          %cond3A_590 = arith.cmpi ne, %convert_element_type3A_588, %cond3A_589 : i32
          scf.if %cond3A_590 {
            %sub3A_647 = arith.constant 8 : i32
            %sub3A_648 = arith.subi %add3A_544, %sub3A_647 : i32
            %dma_wait3A_649 = arith.constant 0 : i32
            %dma_wait3A_650 = tpu.memref_slice %arg5[%sub3A_648, %mul3A_2, %dma_wait3A_649] : memref<200x4096x64xf32, #tpu.memory_space<hbm>> -> memref<1x128x64xf32, #tpu.memory_space<hbm>>
            %dma_wait3A_651 = tpu.memref_squeeze %dma_wait3A_650 : memref<1x128x64xf32, #tpu.memory_space<hbm>> -> memref<128x64xf32, #tpu.memory_space<hbm>>
            %dma_wait3A_652 = arith.constant 0 : i32
            %dma_wait3A_653 = tpu.memref_slice %arg5[%sub3A_648, %mul3A_2, %dma_wait3A_652] : memref<200x4096x64xf32, #tpu.memory_space<hbm>> -> memref<1x128x64xf32, #tpu.memory_space<hbm>>
            %dma_wait3A_654 = tpu.memref_squeeze %dma_wait3A_653 : memref<1x128x64xf32, #tpu.memory_space<hbm>> -> memref<128x64xf32, #tpu.memory_space<hbm>>
            tpu.wait_dma2 semaphore(%arg33 : memref<!tpu.dma_semaphore, #tpu.memory_space<semaphore_mem>>) src(%arg9 : memref<128x64xf32, #tpu.memory_space<vmem>>) dst(%dma_wait3A_654 : memref<128x64xf32, #tpu.memory_space<hbm>>)
          } else {
          }
          %dma_start3A_591 = arith.constant 0 : i32
          %dma_start3A_592 = arith.constant 0 : i32
          %dma_start3A_593 = tpu.memref_slice %arg9[%dma_start3A_591, %dma_start3A_592] : memref<128x64xf32, #tpu.memory_space<vmem>> -> memref<32x64xf32, #tpu.memory_space<vmem>>
          %dma_start3A_594 = arith.constant 0 : i32
          %dma_start3A_595 = arith.constant 0 : i32
          %dma_start3A_596 = tpu.memref_slice %arg8[%add3A_544, %dma_start3A_594, %dma_start3A_595] : memref<200x32x64xf32, #tpu.memory_space<vmem_shared>> -> memref<1x32x64xf32, #tpu.memory_space<vmem_shared>>
          %dma_start3A_597 = tpu.memref_squeeze %dma_start3A_596 : memref<1x32x64xf32, #tpu.memory_space<vmem_shared>> -> memref<32x64xf32, #tpu.memory_space<vmem_shared>>
          %dma_start3A_598 = arith.constant 0 : i32
          %dma_start3A_599 = arith.constant 0 : i32
          %dma_start3A_600 = tpu.memref_slice %arg9[%dma_start3A_598, %dma_start3A_599] : memref<128x64xf32, #tpu.memory_space<vmem>> -> memref<32x64xf32, #tpu.memory_space<vmem>>
          %dma_start3A_601 = arith.constant 0 : i32
          %dma_start3A_602 = arith.constant 0 : i32
          %dma_start3A_603 = tpu.memref_slice %arg8[%add3A_544, %dma_start3A_601, %dma_start3A_602] : memref<200x32x64xf32, #tpu.memory_space<vmem_shared>> -> memref<1x32x64xf32, #tpu.memory_space<vmem_shared>>
          %dma_start3A_604 = tpu.memref_squeeze %dma_start3A_603 : memref<1x32x64xf32, #tpu.memory_space<vmem_shared>> -> memref<32x64xf32, #tpu.memory_space<vmem_shared>>
          tpu.enqueue_dma source(%dma_start3A_604 : memref<32x64xf32, #tpu.memory_space<vmem_shared>>) target(%dma_start3A_600 : memref<32x64xf32, #tpu.memory_space<vmem>>) target_semaphore(%arg17 : memref<!tpu.dma_semaphore, #tpu.memory_space<semaphore_mem>>)
          %dma_start3A_605 = arith.constant 32 : i32
          %dma_start3A_606 = arith.constant 0 : i32
          %dma_start3A_607 = tpu.memref_slice %arg9[%dma_start3A_605, %dma_start3A_606] : memref<128x64xf32, #tpu.memory_space<vmem>> -> memref<32x64xf32, #tpu.memory_space<vmem>>
          %dma_start3A_608 = arith.constant 0 : i32
          %dma_start3A_609 = arith.constant 0 : i32
          %dma_start3A_610 = tpu.memref_slice %arg8[%add3A_544, %dma_start3A_608, %dma_start3A_609] : memref<200x32x64xf32, #tpu.memory_space<vmem_shared>> -> memref<1x32x64xf32, #tpu.memory_space<vmem_shared>>
          %dma_start3A_611 = tpu.memref_squeeze %dma_start3A_610 : memref<1x32x64xf32, #tpu.memory_space<vmem_shared>> -> memref<32x64xf32, #tpu.memory_space<vmem_shared>>
          %dma_start3A_612 = arith.constant 32 : i32
          %dma_start3A_613 = arith.constant 0 : i32
          %dma_start3A_614 = tpu.memref_slice %arg9[%dma_start3A_612, %dma_start3A_613] : memref<128x64xf32, #tpu.memory_space<vmem>> -> memref<32x64xf32, #tpu.memory_space<vmem>>
          %dma_start3A_615 = arith.constant 0 : i32
          %dma_start3A_616 = arith.constant 0 : i32
          %dma_start3A_617 = tpu.memref_slice %arg8[%add3A_544, %dma_start3A_615, %dma_start3A_616] : memref<200x32x64xf32, #tpu.memory_space<vmem_shared>> -> memref<1x32x64xf32, #tpu.memory_space<vmem_shared>>
          %dma_start3A_618 = tpu.memref_squeeze %dma_start3A_617 : memref<1x32x64xf32, #tpu.memory_space<vmem_shared>> -> memref<32x64xf32, #tpu.memory_space<vmem_shared>>
          tpu.enqueue_dma source(%dma_start3A_618 : memref<32x64xf32, #tpu.memory_space<vmem_shared>>) target(%dma_start3A_614 : memref<32x64xf32, #tpu.memory_space<vmem>>) target_semaphore(%arg17 : memref<!tpu.dma_semaphore, #tpu.memory_space<semaphore_mem>>)
          %dma_start3A_619 = arith.constant 64 : i32
          %dma_start3A_620 = arith.constant 0 : i32
          %dma_start3A_621 = tpu.memref_slice %arg9[%dma_start3A_619, %dma_start3A_620] : memref<128x64xf32, #tpu.memory_space<vmem>> -> memref<32x64xf32, #tpu.memory_space<vmem>>
          %dma_start3A_622 = arith.constant 0 : i32
          %dma_start3A_623 = arith.constant 0 : i32
          %dma_start3A_624 = tpu.memref_slice %arg8[%add3A_544, %dma_start3A_622, %dma_start3A_623] : memref<200x32x64xf32, #tpu.memory_space<vmem_shared>> -> memref<1x32x64xf32, #tpu.memory_space<vmem_shared>>
          %dma_start3A_625 = tpu.memref_squeeze %dma_start3A_624 : memref<1x32x64xf32, #tpu.memory_space<vmem_shared>> -> memref<32x64xf32, #tpu.memory_space<vmem_shared>>
          %dma_start3A_626 = arith.constant 64 : i32
          %dma_start3A_627 = arith.constant 0 : i32
          %dma_start3A_628 = tpu.memref_slice %arg9[%dma_start3A_626, %dma_start3A_627] : memref<128x64xf32, #tpu.memory_space<vmem>> -> memref<32x64xf32, #tpu.memory_space<vmem>>
          %dma_start3A_629 = arith.constant 0 : i32
          %dma_start3A_630 = arith.constant 0 : i32
          %dma_start3A_631 = tpu.memref_slice %arg8[%add3A_544, %dma_start3A_629, %dma_start3A_630] : memref<200x32x64xf32, #tpu.memory_space<vmem_shared>> -> memref<1x32x64xf32, #tpu.memory_space<vmem_shared>>
          %dma_start3A_632 = tpu.memref_squeeze %dma_start3A_631 : memref<1x32x64xf32, #tpu.memory_space<vmem_shared>> -> memref<32x64xf32, #tpu.memory_space<vmem_shared>>
          tpu.enqueue_dma source(%dma_start3A_632 : memref<32x64xf32, #tpu.memory_space<vmem_shared>>) target(%dma_start3A_628 : memref<32x64xf32, #tpu.memory_space<vmem>>) target_semaphore(%arg17 : memref<!tpu.dma_semaphore, #tpu.memory_space<semaphore_mem>>)
          %dma_start3A_633 = arith.constant 96 : i32
          %dma_start3A_634 = arith.constant 0 : i32
          %dma_start3A_635 = tpu.memref_slice %arg9[%dma_start3A_633, %dma_start3A_634] : memref<128x64xf32, #tpu.memory_space<vmem>> -> memref<32x64xf32, #tpu.memory_space<vmem>>
          %dma_start3A_636 = arith.constant 0 : i32
          %dma_start3A_637 = arith.constant 0 : i32
          %dma_start3A_638 = tpu.memref_slice %arg8[%add3A_544, %dma_start3A_636, %dma_start3A_637] : memref<200x32x64xf32, #tpu.memory_space<vmem_shared>> -> memref<1x32x64xf32, #tpu.memory_space<vmem_shared>>
          %dma_start3A_639 = tpu.memref_squeeze %dma_start3A_638 : memref<1x32x64xf32, #tpu.memory_space<vmem_shared>> -> memref<32x64xf32, #tpu.memory_space<vmem_shared>>
          %dma_start3A_640 = arith.constant 96 : i32
          %dma_start3A_641 = arith.constant 0 : i32
          %dma_start3A_642 = tpu.memref_slice %arg9[%dma_start3A_640, %dma_start3A_641] : memref<128x64xf32, #tpu.memory_space<vmem>> -> memref<32x64xf32, #tpu.memory_space<vmem>>
          %dma_start3A_643 = arith.constant 0 : i32
          %dma_start3A_644 = arith.constant 0 : i32
          %dma_start3A_645 = tpu.memref_slice %arg8[%add3A_544, %dma_start3A_643, %dma_start3A_644] : memref<200x32x64xf32, #tpu.memory_space<vmem_shared>> -> memref<1x32x64xf32, #tpu.memory_space<vmem_shared>>
          %dma_start3A_646 = tpu.memref_squeeze %dma_start3A_645 : memref<1x32x64xf32, #tpu.memory_space<vmem_shared>> -> memref<32x64xf32, #tpu.memory_space<vmem_shared>>
          tpu.enqueue_dma source(%dma_start3A_646 : memref<32x64xf32, #tpu.memory_space<vmem_shared>>) target(%dma_start3A_642 : memref<32x64xf32, #tpu.memory_space<vmem>>) target_semaphore(%arg17 : memref<!tpu.dma_semaphore, #tpu.memory_space<semaphore_mem>>)
        } else {
        }
        %eq3A_552 = arith.constant 1 : i32
        %eq3A_553 = arith.cmpi eq, %rem3A_546, %eq3A_552 : i32
        %convert_element_type3A_554 = arith.extui %eq3A_553 : i1 to i32
        %cond3A_555 = arith.constant 0 : i32
        %cond3A_556 = arith.cmpi ne, %convert_element_type3A_554, %cond3A_555 : i32
        scf.if %cond3A_556 {
          %ge3A = arith.constant 8 : i32
          %ge3A_587 = arith.cmpi sge, %add3A_544, %ge3A : i32
          %convert_element_type3A_588 = arith.extui %ge3A_587 : i1 to i32
          %cond3A_589 = arith.constant 0 : i32
          %cond3A_590 = arith.cmpi ne, %convert_element_type3A_588, %cond3A_589 : i32
          scf.if %cond3A_590 {
            %sub3A_647 = arith.constant 8 : i32
            %sub3A_648 = arith.subi %add3A_544, %sub3A_647 : i32
            %dma_wait3A_649 = arith.constant 0 : i32
            %dma_wait3A_650 = tpu.memref_slice %arg5[%sub3A_648, %mul3A_2, %dma_wait3A_649] : memref<200x4096x64xf32, #tpu.memory_space<hbm>> -> memref<1x128x64xf32, #tpu.memory_space<hbm>>
            %dma_wait3A_651 = tpu.memref_squeeze %dma_wait3A_650 : memref<1x128x64xf32, #tpu.memory_space<hbm>> -> memref<128x64xf32, #tpu.memory_space<hbm>>
            %dma_wait3A_652 = arith.constant 0 : i32
            %dma_wait3A_653 = tpu.memref_slice %arg5[%sub3A_648, %mul3A_2, %dma_wait3A_652] : memref<200x4096x64xf32, #tpu.memory_space<hbm>> -> memref<1x128x64xf32, #tpu.memory_space<hbm>>
            %dma_wait3A_654 = tpu.memref_squeeze %dma_wait3A_653 : memref<1x128x64xf32, #tpu.memory_space<hbm>> -> memref<128x64xf32, #tpu.memory_space<hbm>>
            tpu.wait_dma2 semaphore(%arg34 : memref<!tpu.dma_semaphore, #tpu.memory_space<semaphore_mem>>) src(%arg10 : memref<128x64xf32, #tpu.memory_space<vmem>>) dst(%dma_wait3A_654 : memref<128x64xf32, #tpu.memory_space<hbm>>)
          } else {
          }
          %dma_start3A_591 = arith.constant 0 : i32
          %dma_start3A_592 = arith.constant 0 : i32
          %dma_start3A_593 = tpu.memref_slice %arg10[%dma_start3A_591, %dma_start3A_592] : memref<128x64xf32, #tpu.memory_space<vmem>> -> memref<32x64xf32, #tpu.memory_space<vmem>>
          %dma_start3A_594 = arith.constant 0 : i32
          %dma_start3A_595 = arith.constant 0 : i32
          %dma_start3A_596 = tpu.memref_slice %arg8[%add3A_544, %dma_start3A_594, %dma_start3A_595] : memref<200x32x64xf32, #tpu.memory_space<vmem_shared>> -> memref<1x32x64xf32, #tpu.memory_space<vmem_shared>>
          %dma_start3A_597 = tpu.memref_squeeze %dma_start3A_596 : memref<1x32x64xf32, #tpu.memory_space<vmem_shared>> -> memref<32x64xf32, #tpu.memory_space<vmem_shared>>
          %dma_start3A_598 = arith.constant 0 : i32
          %dma_start3A_599 = arith.constant 0 : i32
          %dma_start3A_600 = tpu.memref_slice %arg10[%dma_start3A_598, %dma_start3A_599] : memref<128x64xf32, #tpu.memory_space<vmem>> -> memref<32x64xf32, #tpu.memory_space<vmem>>
          %dma_start3A_601 = arith.constant 0 : i32
          %dma_start3A_602 = arith.constant 0 : i32
          %dma_start3A_603 = tpu.memref_slice %arg8[%add3A_544, %dma_start3A_601, %dma_start3A_602] : memref<200x32x64xf32, #tpu.memory_space<vmem_shared>> -> memref<1x32x64xf32, #tpu.memory_space<vmem_shared>>
          %dma_start3A_604 = tpu.memref_squeeze %dma_start3A_603 : memref<1x32x64xf32, #tpu.memory_space<vmem_shared>> -> memref<32x64xf32, #tpu.memory_space<vmem_shared>>
          tpu.enqueue_dma source(%dma_start3A_604 : memref<32x64xf32, #tpu.memory_space<vmem_shared>>) target(%dma_start3A_600 : memref<32x64xf32, #tpu.memory_space<vmem>>) target_semaphore(%arg18 : memref<!tpu.dma_semaphore, #tpu.memory_space<semaphore_mem>>)
          %dma_start3A_605 = arith.constant 32 : i32
          %dma_start3A_606 = arith.constant 0 : i32
          %dma_start3A_607 = tpu.memref_slice %arg10[%dma_start3A_605, %dma_start3A_606] : memref<128x64xf32, #tpu.memory_space<vmem>> -> memref<32x64xf32, #tpu.memory_space<vmem>>
          %dma_start3A_608 = arith.constant 0 : i32
          %dma_start3A_609 = arith.constant 0 : i32
          %dma_start3A_610 = tpu.memref_slice %arg8[%add3A_544, %dma_start3A_608, %dma_start3A_609] : memref<200x32x64xf32, #tpu.memory_space<vmem_shared>> -> memref<1x32x64xf32, #tpu.memory_space<vmem_shared>>
          %dma_start3A_611 = tpu.memref_squeeze %dma_start3A_610 : memref<1x32x64xf32, #tpu.memory_space<vmem_shared>> -> memref<32x64xf32, #tpu.memory_space<vmem_shared>>
          %dma_start3A_612 = arith.constant 32 : i32
          %dma_start3A_613 = arith.constant 0 : i32
          %dma_start3A_614 = tpu.memref_slice %arg10[%dma_start3A_612, %dma_start3A_613] : memref<128x64xf32, #tpu.memory_space<vmem>> -> memref<32x64xf32, #tpu.memory_space<vmem>>
          %dma_start3A_615 = arith.constant 0 : i32
          %dma_start3A_616 = arith.constant 0 : i32
          %dma_start3A_617 = tpu.memref_slice %arg8[%add3A_544, %dma_start3A_615, %dma_start3A_616] : memref<200x32x64xf32, #tpu.memory_space<vmem_shared>> -> memref<1x32x64xf32, #tpu.memory_space<vmem_shared>>
          %dma_start3A_618 = tpu.memref_squeeze %dma_start3A_617 : memref<1x32x64xf32, #tpu.memory_space<vmem_shared>> -> memref<32x64xf32, #tpu.memory_space<vmem_shared>>
          tpu.enqueue_dma source(%dma_start3A_618 : memref<32x64xf32, #tpu.memory_space<vmem_shared>>) target(%dma_start3A_614 : memref<32x64xf32, #tpu.memory_space<vmem>>) target_semaphore(%arg18 : memref<!tpu.dma_semaphore, #tpu.memory_space<semaphore_mem>>)
          %dma_start3A_619 = arith.constant 64 : i32
          %dma_start3A_620 = arith.constant 0 : i32
          %dma_start3A_621 = tpu.memref_slice %arg10[%dma_start3A_619, %dma_start3A_620] : memref<128x64xf32, #tpu.memory_space<vmem>> -> memref<32x64xf32, #tpu.memory_space<vmem>>
          %dma_start3A_622 = arith.constant 0 : i32
          %dma_start3A_623 = arith.constant 0 : i32
          %dma_start3A_624 = tpu.memref_slice %arg8[%add3A_544, %dma_start3A_622, %dma_start3A_623] : memref<200x32x64xf32, #tpu.memory_space<vmem_shared>> -> memref<1x32x64xf32, #tpu.memory_space<vmem_shared>>
          %dma_start3A_625 = tpu.memref_squeeze %dma_start3A_624 : memref<1x32x64xf32, #tpu.memory_space<vmem_shared>> -> memref<32x64xf32, #tpu.memory_space<vmem_shared>>
          %dma_start3A_626 = arith.constant 64 : i32
          %dma_start3A_627 = arith.constant 0 : i32
          %dma_start3A_628 = tpu.memref_slice %arg10[%dma_start3A_626, %dma_start3A_627] : memref<128x64xf32, #tpu.memory_space<vmem>> -> memref<32x64xf32, #tpu.memory_space<vmem>>
          %dma_start3A_629 = arith.constant 0 : i32
          %dma_start3A_630 = arith.constant 0 : i32
          %dma_start3A_631 = tpu.memref_slice %arg8[%add3A_544, %dma_start3A_629, %dma_start3A_630] : memref<200x32x64xf32, #tpu.memory_space<vmem_shared>> -> memref<1x32x64xf32, #tpu.memory_space<vmem_shared>>
          %dma_start3A_632 = tpu.memref_squeeze %dma_start3A_631 : memref<1x32x64xf32, #tpu.memory_space<vmem_shared>> -> memref<32x64xf32, #tpu.memory_space<vmem_shared>>
          tpu.enqueue_dma source(%dma_start3A_632 : memref<32x64xf32, #tpu.memory_space<vmem_shared>>) target(%dma_start3A_628 : memref<32x64xf32, #tpu.memory_space<vmem>>) target_semaphore(%arg18 : memref<!tpu.dma_semaphore, #tpu.memory_space<semaphore_mem>>)
          %dma_start3A_633 = arith.constant 96 : i32
          %dma_start3A_634 = arith.constant 0 : i32
          %dma_start3A_635 = tpu.memref_slice %arg10[%dma_start3A_633, %dma_start3A_634] : memref<128x64xf32, #tpu.memory_space<vmem>> -> memref<32x64xf32, #tpu.memory_space<vmem>>
          %dma_start3A_636 = arith.constant 0 : i32
          %dma_start3A_637 = arith.constant 0 : i32
          %dma_start3A_638 = tpu.memref_slice %arg8[%add3A_544, %dma_start3A_636, %dma_start3A_637] : memref<200x32x64xf32, #tpu.memory_space<vmem_shared>> -> memref<1x32x64xf32, #tpu.memory_space<vmem_shared>>
          %dma_start3A_639 = tpu.memref_squeeze %dma_start3A_638 : memref<1x32x64xf32, #tpu.memory_space<vmem_shared>> -> memref<32x64xf32, #tpu.memory_space<vmem_shared>>
          %dma_start3A_640 = arith.constant 96 : i32
          %dma_start3A_641 = arith.constant 0 : i32
          %dma_start3A_642 = tpu.memref_slice %arg10[%dma_start3A_640, %dma_start3A_641] : memref<128x64xf32, #tpu.memory_space<vmem>> -> memref<32x64xf32, #tpu.memory_space<vmem>>
          %dma_start3A_643 = arith.constant 0 : i32
          %dma_start3A_644 = arith.constant 0 : i32
          %dma_start3A_645 = tpu.memref_slice %arg8[%add3A_544, %dma_start3A_643, %dma_start3A_644] : memref<200x32x64xf32, #tpu.memory_space<vmem_shared>> -> memref<1x32x64xf32, #tpu.memory_space<vmem_shared>>
          %dma_start3A_646 = tpu.memref_squeeze %dma_start3A_645 : memref<1x32x64xf32, #tpu.memory_space<vmem_shared>> -> memref<32x64xf32, #tpu.memory_space<vmem_shared>>
          tpu.enqueue_dma source(%dma_start3A_646 : memref<32x64xf32, #tpu.memory_space<vmem_shared>>) target(%dma_start3A_642 : memref<32x64xf32, #tpu.memory_space<vmem>>) target_semaphore(%arg18 : memref<!tpu.dma_semaphore, #tpu.memory_space<semaphore_mem>>)
        } else {
        }
        %eq3A_557 = arith.constant 2 : i32
        %eq3A_558 = arith.cmpi eq, %rem3A_546, %eq3A_557 : i32
        %convert_element_type3A_559 = arith.extui %eq3A_558 : i1 to i32
        %cond3A_560 = arith.constant 0 : i32
        %cond3A_561 = arith.cmpi ne, %convert_element_type3A_559, %cond3A_560 : i32
        scf.if %cond3A_561 {
          %ge3A = arith.constant 8 : i32
          %ge3A_587 = arith.cmpi sge, %add3A_544, %ge3A : i32
          %convert_element_type3A_588 = arith.extui %ge3A_587 : i1 to i32
          %cond3A_589 = arith.constant 0 : i32
          %cond3A_590 = arith.cmpi ne, %convert_element_type3A_588, %cond3A_589 : i32
          scf.if %cond3A_590 {
            %sub3A_647 = arith.constant 8 : i32
            %sub3A_648 = arith.subi %add3A_544, %sub3A_647 : i32
            %dma_wait3A_649 = arith.constant 0 : i32
            %dma_wait3A_650 = tpu.memref_slice %arg5[%sub3A_648, %mul3A_2, %dma_wait3A_649] : memref<200x4096x64xf32, #tpu.memory_space<hbm>> -> memref<1x128x64xf32, #tpu.memory_space<hbm>>
            %dma_wait3A_651 = tpu.memref_squeeze %dma_wait3A_650 : memref<1x128x64xf32, #tpu.memory_space<hbm>> -> memref<128x64xf32, #tpu.memory_space<hbm>>
            %dma_wait3A_652 = arith.constant 0 : i32
            %dma_wait3A_653 = tpu.memref_slice %arg5[%sub3A_648, %mul3A_2, %dma_wait3A_652] : memref<200x4096x64xf32, #tpu.memory_space<hbm>> -> memref<1x128x64xf32, #tpu.memory_space<hbm>>
            %dma_wait3A_654 = tpu.memref_squeeze %dma_wait3A_653 : memref<1x128x64xf32, #tpu.memory_space<hbm>> -> memref<128x64xf32, #tpu.memory_space<hbm>>
            tpu.wait_dma2 semaphore(%arg35 : memref<!tpu.dma_semaphore, #tpu.memory_space<semaphore_mem>>) src(%arg11 : memref<128x64xf32, #tpu.memory_space<vmem>>) dst(%dma_wait3A_654 : memref<128x64xf32, #tpu.memory_space<hbm>>)
          } else {
          }
          %dma_start3A_591 = arith.constant 0 : i32
          %dma_start3A_592 = arith.constant 0 : i32
          %dma_start3A_593 = tpu.memref_slice %arg11[%dma_start3A_591, %dma_start3A_592] : memref<128x64xf32, #tpu.memory_space<vmem>> -> memref<32x64xf32, #tpu.memory_space<vmem>>
          %dma_start3A_594 = arith.constant 0 : i32
          %dma_start3A_595 = arith.constant 0 : i32
          %dma_start3A_596 = tpu.memref_slice %arg8[%add3A_544, %dma_start3A_594, %dma_start3A_595] : memref<200x32x64xf32, #tpu.memory_space<vmem_shared>> -> memref<1x32x64xf32, #tpu.memory_space<vmem_shared>>
          %dma_start3A_597 = tpu.memref_squeeze %dma_start3A_596 : memref<1x32x64xf32, #tpu.memory_space<vmem_shared>> -> memref<32x64xf32, #tpu.memory_space<vmem_shared>>
          %dma_start3A_598 = arith.constant 0 : i32
          %dma_start3A_599 = arith.constant 0 : i32
          %dma_start3A_600 = tpu.memref_slice %arg11[%dma_start3A_598, %dma_start3A_599] : memref<128x64xf32, #tpu.memory_space<vmem>> -> memref<32x64xf32, #tpu.memory_space<vmem>>
          %dma_start3A_601 = arith.constant 0 : i32
          %dma_start3A_602 = arith.constant 0 : i32
          %dma_start3A_603 = tpu.memref_slice %arg8[%add3A_544, %dma_start3A_601, %dma_start3A_602] : memref<200x32x64xf32, #tpu.memory_space<vmem_shared>> -> memref<1x32x64xf32, #tpu.memory_space<vmem_shared>>
          %dma_start3A_604 = tpu.memref_squeeze %dma_start3A_603 : memref<1x32x64xf32, #tpu.memory_space<vmem_shared>> -> memref<32x64xf32, #tpu.memory_space<vmem_shared>>
          tpu.enqueue_dma source(%dma_start3A_604 : memref<32x64xf32, #tpu.memory_space<vmem_shared>>) target(%dma_start3A_600 : memref<32x64xf32, #tpu.memory_space<vmem>>) target_semaphore(%arg19 : memref<!tpu.dma_semaphore, #tpu.memory_space<semaphore_mem>>)
          %dma_start3A_605 = arith.constant 32 : i32
          %dma_start3A_606 = arith.constant 0 : i32
          %dma_start3A_607 = tpu.memref_slice %arg11[%dma_start3A_605, %dma_start3A_606] : memref<128x64xf32, #tpu.memory_space<vmem>> -> memref<32x64xf32, #tpu.memory_space<vmem>>
          %dma_start3A_608 = arith.constant 0 : i32
          %dma_start3A_609 = arith.constant 0 : i32
          %dma_start3A_610 = tpu.memref_slice %arg8[%add3A_544, %dma_start3A_608, %dma_start3A_609] : memref<200x32x64xf32, #tpu.memory_space<vmem_shared>> -> memref<1x32x64xf32, #tpu.memory_space<vmem_shared>>
          %dma_start3A_611 = tpu.memref_squeeze %dma_start3A_610 : memref<1x32x64xf32, #tpu.memory_space<vmem_shared>> -> memref<32x64xf32, #tpu.memory_space<vmem_shared>>
          %dma_start3A_612 = arith.constant 32 : i32
          %dma_start3A_613 = arith.constant 0 : i32
          %dma_start3A_614 = tpu.memref_slice %arg11[%dma_start3A_612, %dma_start3A_613] : memref<128x64xf32, #tpu.memory_space<vmem>> -> memref<32x64xf32, #tpu.memory_space<vmem>>
          %dma_start3A_615 = arith.constant 0 : i32
          %dma_start3A_616 = arith.constant 0 : i32
          %dma_start3A_617 = tpu.memref_slice %arg8[%add3A_544, %dma_start3A_615, %dma_start3A_616] : memref<200x32x64xf32, #tpu.memory_space<vmem_shared>> -> memref<1x32x64xf32, #tpu.memory_space<vmem_shared>>
          %dma_start3A_618 = tpu.memref_squeeze %dma_start3A_617 : memref<1x32x64xf32, #tpu.memory_space<vmem_shared>> -> memref<32x64xf32, #tpu.memory_space<vmem_shared>>
          tpu.enqueue_dma source(%dma_start3A_618 : memref<32x64xf32, #tpu.memory_space<vmem_shared>>) target(%dma_start3A_614 : memref<32x64xf32, #tpu.memory_space<vmem>>) target_semaphore(%arg19 : memref<!tpu.dma_semaphore, #tpu.memory_space<semaphore_mem>>)
          %dma_start3A_619 = arith.constant 64 : i32
          %dma_start3A_620 = arith.constant 0 : i32
          %dma_start3A_621 = tpu.memref_slice %arg11[%dma_start3A_619, %dma_start3A_620] : memref<128x64xf32, #tpu.memory_space<vmem>> -> memref<32x64xf32, #tpu.memory_space<vmem>>
          %dma_start3A_622 = arith.constant 0 : i32
          %dma_start3A_623 = arith.constant 0 : i32
          %dma_start3A_624 = tpu.memref_slice %arg8[%add3A_544, %dma_start3A_622, %dma_start3A_623] : memref<200x32x64xf32, #tpu.memory_space<vmem_shared>> -> memref<1x32x64xf32, #tpu.memory_space<vmem_shared>>
          %dma_start3A_625 = tpu.memref_squeeze %dma_start3A_624 : memref<1x32x64xf32, #tpu.memory_space<vmem_shared>> -> memref<32x64xf32, #tpu.memory_space<vmem_shared>>
          %dma_start3A_626 = arith.constant 64 : i32
          %dma_start3A_627 = arith.constant 0 : i32
          %dma_start3A_628 = tpu.memref_slice %arg11[%dma_start3A_626, %dma_start3A_627] : memref<128x64xf32, #tpu.memory_space<vmem>> -> memref<32x64xf32, #tpu.memory_space<vmem>>
          %dma_start3A_629 = arith.constant 0 : i32
          %dma_start3A_630 = arith.constant 0 : i32
          %dma_start3A_631 = tpu.memref_slice %arg8[%add3A_544, %dma_start3A_629, %dma_start3A_630] : memref<200x32x64xf32, #tpu.memory_space<vmem_shared>> -> memref<1x32x64xf32, #tpu.memory_space<vmem_shared>>
          %dma_start3A_632 = tpu.memref_squeeze %dma_start3A_631 : memref<1x32x64xf32, #tpu.memory_space<vmem_shared>> -> memref<32x64xf32, #tpu.memory_space<vmem_shared>>
          tpu.enqueue_dma source(%dma_start3A_632 : memref<32x64xf32, #tpu.memory_space<vmem_shared>>) target(%dma_start3A_628 : memref<32x64xf32, #tpu.memory_space<vmem>>) target_semaphore(%arg19 : memref<!tpu.dma_semaphore, #tpu.memory_space<semaphore_mem>>)
          %dma_start3A_633 = arith.constant 96 : i32
          %dma_start3A_634 = arith.constant 0 : i32
          %dma_start3A_635 = tpu.memref_slice %arg11[%dma_start3A_633, %dma_start3A_634] : memref<128x64xf32, #tpu.memory_space<vmem>> -> memref<32x64xf32, #tpu.memory_space<vmem>>
          %dma_start3A_636 = arith.constant 0 : i32
          %dma_start3A_637 = arith.constant 0 : i32
          %dma_start3A_638 = tpu.memref_slice %arg8[%add3A_544, %dma_start3A_636, %dma_start3A_637] : memref<200x32x64xf32, #tpu.memory_space<vmem_shared>> -> memref<1x32x64xf32, #tpu.memory_space<vmem_shared>>
          %dma_start3A_639 = tpu.memref_squeeze %dma_start3A_638 : memref<1x32x64xf32, #tpu.memory_space<vmem_shared>> -> memref<32x64xf32, #tpu.memory_space<vmem_shared>>
          %dma_start3A_640 = arith.constant 96 : i32
          %dma_start3A_641 = arith.constant 0 : i32
          %dma_start3A_642 = tpu.memref_slice %arg11[%dma_start3A_640, %dma_start3A_641] : memref<128x64xf32, #tpu.memory_space<vmem>> -> memref<32x64xf32, #tpu.memory_space<vmem>>
          %dma_start3A_643 = arith.constant 0 : i32
          %dma_start3A_644 = arith.constant 0 : i32
          %dma_start3A_645 = tpu.memref_slice %arg8[%add3A_544, %dma_start3A_643, %dma_start3A_644] : memref<200x32x64xf32, #tpu.memory_space<vmem_shared>> -> memref<1x32x64xf32, #tpu.memory_space<vmem_shared>>
          %dma_start3A_646 = tpu.memref_squeeze %dma_start3A_645 : memref<1x32x64xf32, #tpu.memory_space<vmem_shared>> -> memref<32x64xf32, #tpu.memory_space<vmem_shared>>
          tpu.enqueue_dma source(%dma_start3A_646 : memref<32x64xf32, #tpu.memory_space<vmem_shared>>) target(%dma_start3A_642 : memref<32x64xf32, #tpu.memory_space<vmem>>) target_semaphore(%arg19 : memref<!tpu.dma_semaphore, #tpu.memory_space<semaphore_mem>>)
        } else {
        }
        %eq3A_562 = arith.constant 3 : i32
        %eq3A_563 = arith.cmpi eq, %rem3A_546, %eq3A_562 : i32
        %convert_element_type3A_564 = arith.extui %eq3A_563 : i1 to i32
        %cond3A_565 = arith.constant 0 : i32
        %cond3A_566 = arith.cmpi ne, %convert_element_type3A_564, %cond3A_565 : i32
        scf.if %cond3A_566 {
          %ge3A = arith.constant 8 : i32
          %ge3A_587 = arith.cmpi sge, %add3A_544, %ge3A : i32
          %convert_element_type3A_588 = arith.extui %ge3A_587 : i1 to i32
          %cond3A_589 = arith.constant 0 : i32
          %cond3A_590 = arith.cmpi ne, %convert_element_type3A_588, %cond3A_589 : i32
          scf.if %cond3A_590 {
            %sub3A_647 = arith.constant 8 : i32
            %sub3A_648 = arith.subi %add3A_544, %sub3A_647 : i32
            %dma_wait3A_649 = arith.constant 0 : i32
            %dma_wait3A_650 = tpu.memref_slice %arg5[%sub3A_648, %mul3A_2, %dma_wait3A_649] : memref<200x4096x64xf32, #tpu.memory_space<hbm>> -> memref<1x128x64xf32, #tpu.memory_space<hbm>>
            %dma_wait3A_651 = tpu.memref_squeeze %dma_wait3A_650 : memref<1x128x64xf32, #tpu.memory_space<hbm>> -> memref<128x64xf32, #tpu.memory_space<hbm>>
            %dma_wait3A_652 = arith.constant 0 : i32
            %dma_wait3A_653 = tpu.memref_slice %arg5[%sub3A_648, %mul3A_2, %dma_wait3A_652] : memref<200x4096x64xf32, #tpu.memory_space<hbm>> -> memref<1x128x64xf32, #tpu.memory_space<hbm>>
            %dma_wait3A_654 = tpu.memref_squeeze %dma_wait3A_653 : memref<1x128x64xf32, #tpu.memory_space<hbm>> -> memref<128x64xf32, #tpu.memory_space<hbm>>
            tpu.wait_dma2 semaphore(%arg36 : memref<!tpu.dma_semaphore, #tpu.memory_space<semaphore_mem>>) src(%arg12 : memref<128x64xf32, #tpu.memory_space<vmem>>) dst(%dma_wait3A_654 : memref<128x64xf32, #tpu.memory_space<hbm>>)
          } else {
          }
          %dma_start3A_591 = arith.constant 0 : i32
          %dma_start3A_592 = arith.constant 0 : i32
          %dma_start3A_593 = tpu.memref_slice %arg12[%dma_start3A_591, %dma_start3A_592] : memref<128x64xf32, #tpu.memory_space<vmem>> -> memref<32x64xf32, #tpu.memory_space<vmem>>
          %dma_start3A_594 = arith.constant 0 : i32
          %dma_start3A_595 = arith.constant 0 : i32
          %dma_start3A_596 = tpu.memref_slice %arg8[%add3A_544, %dma_start3A_594, %dma_start3A_595] : memref<200x32x64xf32, #tpu.memory_space<vmem_shared>> -> memref<1x32x64xf32, #tpu.memory_space<vmem_shared>>
          %dma_start3A_597 = tpu.memref_squeeze %dma_start3A_596 : memref<1x32x64xf32, #tpu.memory_space<vmem_shared>> -> memref<32x64xf32, #tpu.memory_space<vmem_shared>>
          %dma_start3A_598 = arith.constant 0 : i32
          %dma_start3A_599 = arith.constant 0 : i32
          %dma_start3A_600 = tpu.memref_slice %arg12[%dma_start3A_598, %dma_start3A_599] : memref<128x64xf32, #tpu.memory_space<vmem>> -> memref<32x64xf32, #tpu.memory_space<vmem>>
          %dma_start3A_601 = arith.constant 0 : i32
          %dma_start3A_602 = arith.constant 0 : i32
          %dma_start3A_603 = tpu.memref_slice %arg8[%add3A_544, %dma_start3A_601, %dma_start3A_602] : memref<200x32x64xf32, #tpu.memory_space<vmem_shared>> -> memref<1x32x64xf32, #tpu.memory_space<vmem_shared>>
          %dma_start3A_604 = tpu.memref_squeeze %dma_start3A_603 : memref<1x32x64xf32, #tpu.memory_space<vmem_shared>> -> memref<32x64xf32, #tpu.memory_space<vmem_shared>>
          tpu.enqueue_dma source(%dma_start3A_604 : memref<32x64xf32, #tpu.memory_space<vmem_shared>>) target(%dma_start3A_600 : memref<32x64xf32, #tpu.memory_space<vmem>>) target_semaphore(%arg20 : memref<!tpu.dma_semaphore, #tpu.memory_space<semaphore_mem>>)
          %dma_start3A_605 = arith.constant 32 : i32
          %dma_start3A_606 = arith.constant 0 : i32
          %dma_start3A_607 = tpu.memref_slice %arg12[%dma_start3A_605, %dma_start3A_606] : memref<128x64xf32, #tpu.memory_space<vmem>> -> memref<32x64xf32, #tpu.memory_space<vmem>>
          %dma_start3A_608 = arith.constant 0 : i32
          %dma_start3A_609 = arith.constant 0 : i32
          %dma_start3A_610 = tpu.memref_slice %arg8[%add3A_544, %dma_start3A_608, %dma_start3A_609] : memref<200x32x64xf32, #tpu.memory_space<vmem_shared>> -> memref<1x32x64xf32, #tpu.memory_space<vmem_shared>>
          %dma_start3A_611 = tpu.memref_squeeze %dma_start3A_610 : memref<1x32x64xf32, #tpu.memory_space<vmem_shared>> -> memref<32x64xf32, #tpu.memory_space<vmem_shared>>
          %dma_start3A_612 = arith.constant 32 : i32
          %dma_start3A_613 = arith.constant 0 : i32
          %dma_start3A_614 = tpu.memref_slice %arg12[%dma_start3A_612, %dma_start3A_613] : memref<128x64xf32, #tpu.memory_space<vmem>> -> memref<32x64xf32, #tpu.memory_space<vmem>>
          %dma_start3A_615 = arith.constant 0 : i32
          %dma_start3A_616 = arith.constant 0 : i32
          %dma_start3A_617 = tpu.memref_slice %arg8[%add3A_544, %dma_start3A_615, %dma_start3A_616] : memref<200x32x64xf32, #tpu.memory_space<vmem_shared>> -> memref<1x32x64xf32, #tpu.memory_space<vmem_shared>>
          %dma_start3A_618 = tpu.memref_squeeze %dma_start3A_617 : memref<1x32x64xf32, #tpu.memory_space<vmem_shared>> -> memref<32x64xf32, #tpu.memory_space<vmem_shared>>
          tpu.enqueue_dma source(%dma_start3A_618 : memref<32x64xf32, #tpu.memory_space<vmem_shared>>) target(%dma_start3A_614 : memref<32x64xf32, #tpu.memory_space<vmem>>) target_semaphore(%arg20 : memref<!tpu.dma_semaphore, #tpu.memory_space<semaphore_mem>>)
          %dma_start3A_619 = arith.constant 64 : i32
          %dma_start3A_620 = arith.constant 0 : i32
          %dma_start3A_621 = tpu.memref_slice %arg12[%dma_start3A_619, %dma_start3A_620] : memref<128x64xf32, #tpu.memory_space<vmem>> -> memref<32x64xf32, #tpu.memory_space<vmem>>
          %dma_start3A_622 = arith.constant 0 : i32
          %dma_start3A_623 = arith.constant 0 : i32
          %dma_start3A_624 = tpu.memref_slice %arg8[%add3A_544, %dma_start3A_622, %dma_start3A_623] : memref<200x32x64xf32, #tpu.memory_space<vmem_shared>> -> memref<1x32x64xf32, #tpu.memory_space<vmem_shared>>
          %dma_start3A_625 = tpu.memref_squeeze %dma_start3A_624 : memref<1x32x64xf32, #tpu.memory_space<vmem_shared>> -> memref<32x64xf32, #tpu.memory_space<vmem_shared>>
          %dma_start3A_626 = arith.constant 64 : i32
          %dma_start3A_627 = arith.constant 0 : i32
          %dma_start3A_628 = tpu.memref_slice %arg12[%dma_start3A_626, %dma_start3A_627] : memref<128x64xf32, #tpu.memory_space<vmem>> -> memref<32x64xf32, #tpu.memory_space<vmem>>
          %dma_start3A_629 = arith.constant 0 : i32
          %dma_start3A_630 = arith.constant 0 : i32
          %dma_start3A_631 = tpu.memref_slice %arg8[%add3A_544, %dma_start3A_629, %dma_start3A_630] : memref<200x32x64xf32, #tpu.memory_space<vmem_shared>> -> memref<1x32x64xf32, #tpu.memory_space<vmem_shared>>
          %dma_start3A_632 = tpu.memref_squeeze %dma_start3A_631 : memref<1x32x64xf32, #tpu.memory_space<vmem_shared>> -> memref<32x64xf32, #tpu.memory_space<vmem_shared>>
          tpu.enqueue_dma source(%dma_start3A_632 : memref<32x64xf32, #tpu.memory_space<vmem_shared>>) target(%dma_start3A_628 : memref<32x64xf32, #tpu.memory_space<vmem>>) target_semaphore(%arg20 : memref<!tpu.dma_semaphore, #tpu.memory_space<semaphore_mem>>)
          %dma_start3A_633 = arith.constant 96 : i32
          %dma_start3A_634 = arith.constant 0 : i32
          %dma_start3A_635 = tpu.memref_slice %arg12[%dma_start3A_633, %dma_start3A_634] : memref<128x64xf32, #tpu.memory_space<vmem>> -> memref<32x64xf32, #tpu.memory_space<vmem>>
          %dma_start3A_636 = arith.constant 0 : i32
          %dma_start3A_637 = arith.constant 0 : i32
          %dma_start3A_638 = tpu.memref_slice %arg8[%add3A_544, %dma_start3A_636, %dma_start3A_637] : memref<200x32x64xf32, #tpu.memory_space<vmem_shared>> -> memref<1x32x64xf32, #tpu.memory_space<vmem_shared>>
          %dma_start3A_639 = tpu.memref_squeeze %dma_start3A_638 : memref<1x32x64xf32, #tpu.memory_space<vmem_shared>> -> memref<32x64xf32, #tpu.memory_space<vmem_shared>>
          %dma_start3A_640 = arith.constant 96 : i32
          %dma_start3A_641 = arith.constant 0 : i32
          %dma_start3A_642 = tpu.memref_slice %arg12[%dma_start3A_640, %dma_start3A_641] : memref<128x64xf32, #tpu.memory_space<vmem>> -> memref<32x64xf32, #tpu.memory_space<vmem>>
          %dma_start3A_643 = arith.constant 0 : i32
          %dma_start3A_644 = arith.constant 0 : i32
          %dma_start3A_645 = tpu.memref_slice %arg8[%add3A_544, %dma_start3A_643, %dma_start3A_644] : memref<200x32x64xf32, #tpu.memory_space<vmem_shared>> -> memref<1x32x64xf32, #tpu.memory_space<vmem_shared>>
          %dma_start3A_646 = tpu.memref_squeeze %dma_start3A_645 : memref<1x32x64xf32, #tpu.memory_space<vmem_shared>> -> memref<32x64xf32, #tpu.memory_space<vmem_shared>>
          tpu.enqueue_dma source(%dma_start3A_646 : memref<32x64xf32, #tpu.memory_space<vmem_shared>>) target(%dma_start3A_642 : memref<32x64xf32, #tpu.memory_space<vmem>>) target_semaphore(%arg20 : memref<!tpu.dma_semaphore, #tpu.memory_space<semaphore_mem>>)
        } else {
        }
        %eq3A_567 = arith.constant 4 : i32
        %eq3A_568 = arith.cmpi eq, %rem3A_546, %eq3A_567 : i32
        %convert_element_type3A_569 = arith.extui %eq3A_568 : i1 to i32
        %cond3A_570 = arith.constant 0 : i32
        %cond3A_571 = arith.cmpi ne, %convert_element_type3A_569, %cond3A_570 : i32
        scf.if %cond3A_571 {
          %ge3A = arith.constant 8 : i32
          %ge3A_587 = arith.cmpi sge, %add3A_544, %ge3A : i32
          %convert_element_type3A_588 = arith.extui %ge3A_587 : i1 to i32
          %cond3A_589 = arith.constant 0 : i32
          %cond3A_590 = arith.cmpi ne, %convert_element_type3A_588, %cond3A_589 : i32
          scf.if %cond3A_590 {
            %sub3A_647 = arith.constant 8 : i32
            %sub3A_648 = arith.subi %add3A_544, %sub3A_647 : i32
            %dma_wait3A_649 = arith.constant 0 : i32
            %dma_wait3A_650 = tpu.memref_slice %arg5[%sub3A_648, %mul3A_2, %dma_wait3A_649] : memref<200x4096x64xf32, #tpu.memory_space<hbm>> -> memref<1x128x64xf32, #tpu.memory_space<hbm>>
            %dma_wait3A_651 = tpu.memref_squeeze %dma_wait3A_650 : memref<1x128x64xf32, #tpu.memory_space<hbm>> -> memref<128x64xf32, #tpu.memory_space<hbm>>
            %dma_wait3A_652 = arith.constant 0 : i32
            %dma_wait3A_653 = tpu.memref_slice %arg5[%sub3A_648, %mul3A_2, %dma_wait3A_652] : memref<200x4096x64xf32, #tpu.memory_space<hbm>> -> memref<1x128x64xf32, #tpu.memory_space<hbm>>
            %dma_wait3A_654 = tpu.memref_squeeze %dma_wait3A_653 : memref<1x128x64xf32, #tpu.memory_space<hbm>> -> memref<128x64xf32, #tpu.memory_space<hbm>>
            tpu.wait_dma2 semaphore(%arg37 : memref<!tpu.dma_semaphore, #tpu.memory_space<semaphore_mem>>) src(%arg13 : memref<128x64xf32, #tpu.memory_space<vmem>>) dst(%dma_wait3A_654 : memref<128x64xf32, #tpu.memory_space<hbm>>)
          } else {
          }
          %dma_start3A_591 = arith.constant 0 : i32
          %dma_start3A_592 = arith.constant 0 : i32
          %dma_start3A_593 = tpu.memref_slice %arg13[%dma_start3A_591, %dma_start3A_592] : memref<128x64xf32, #tpu.memory_space<vmem>> -> memref<32x64xf32, #tpu.memory_space<vmem>>
          %dma_start3A_594 = arith.constant 0 : i32
          %dma_start3A_595 = arith.constant 0 : i32
          %dma_start3A_596 = tpu.memref_slice %arg8[%add3A_544, %dma_start3A_594, %dma_start3A_595] : memref<200x32x64xf32, #tpu.memory_space<vmem_shared>> -> memref<1x32x64xf32, #tpu.memory_space<vmem_shared>>
          %dma_start3A_597 = tpu.memref_squeeze %dma_start3A_596 : memref<1x32x64xf32, #tpu.memory_space<vmem_shared>> -> memref<32x64xf32, #tpu.memory_space<vmem_shared>>
          %dma_start3A_598 = arith.constant 0 : i32
          %dma_start3A_599 = arith.constant 0 : i32
          %dma_start3A_600 = tpu.memref_slice %arg13[%dma_start3A_598, %dma_start3A_599] : memref<128x64xf32, #tpu.memory_space<vmem>> -> memref<32x64xf32, #tpu.memory_space<vmem>>
          %dma_start3A_601 = arith.constant 0 : i32
          %dma_start3A_602 = arith.constant 0 : i32
          %dma_start3A_603 = tpu.memref_slice %arg8[%add3A_544, %dma_start3A_601, %dma_start3A_602] : memref<200x32x64xf32, #tpu.memory_space<vmem_shared>> -> memref<1x32x64xf32, #tpu.memory_space<vmem_shared>>
          %dma_start3A_604 = tpu.memref_squeeze %dma_start3A_603 : memref<1x32x64xf32, #tpu.memory_space<vmem_shared>> -> memref<32x64xf32, #tpu.memory_space<vmem_shared>>
          tpu.enqueue_dma source(%dma_start3A_604 : memref<32x64xf32, #tpu.memory_space<vmem_shared>>) target(%dma_start3A_600 : memref<32x64xf32, #tpu.memory_space<vmem>>) target_semaphore(%arg21 : memref<!tpu.dma_semaphore, #tpu.memory_space<semaphore_mem>>)
          %dma_start3A_605 = arith.constant 32 : i32
          %dma_start3A_606 = arith.constant 0 : i32
          %dma_start3A_607 = tpu.memref_slice %arg13[%dma_start3A_605, %dma_start3A_606] : memref<128x64xf32, #tpu.memory_space<vmem>> -> memref<32x64xf32, #tpu.memory_space<vmem>>
          %dma_start3A_608 = arith.constant 0 : i32
          %dma_start3A_609 = arith.constant 0 : i32
          %dma_start3A_610 = tpu.memref_slice %arg8[%add3A_544, %dma_start3A_608, %dma_start3A_609] : memref<200x32x64xf32, #tpu.memory_space<vmem_shared>> -> memref<1x32x64xf32, #tpu.memory_space<vmem_shared>>
          %dma_start3A_611 = tpu.memref_squeeze %dma_start3A_610 : memref<1x32x64xf32, #tpu.memory_space<vmem_shared>> -> memref<32x64xf32, #tpu.memory_space<vmem_shared>>
          %dma_start3A_612 = arith.constant 32 : i32
          %dma_start3A_613 = arith.constant 0 : i32
          %dma_start3A_614 = tpu.memref_slice %arg13[%dma_start3A_612, %dma_start3A_613] : memref<128x64xf32, #tpu.memory_space<vmem>> -> memref<32x64xf32, #tpu.memory_space<vmem>>
          %dma_start3A_615 = arith.constant 0 : i32
          %dma_start3A_616 = arith.constant 0 : i32
          %dma_start3A_617 = tpu.memref_slice %arg8[%add3A_544, %dma_start3A_615, %dma_start3A_616] : memref<200x32x64xf32, #tpu.memory_space<vmem_shared>> -> memref<1x32x64xf32, #tpu.memory_space<vmem_shared>>
          %dma_start3A_618 = tpu.memref_squeeze %dma_start3A_617 : memref<1x32x64xf32, #tpu.memory_space<vmem_shared>> -> memref<32x64xf32, #tpu.memory_space<vmem_shared>>
          tpu.enqueue_dma source(%dma_start3A_618 : memref<32x64xf32, #tpu.memory_space<vmem_shared>>) target(%dma_start3A_614 : memref<32x64xf32, #tpu.memory_space<vmem>>) target_semaphore(%arg21 : memref<!tpu.dma_semaphore, #tpu.memory_space<semaphore_mem>>)
          %dma_start3A_619 = arith.constant 64 : i32
          %dma_start3A_620 = arith.constant 0 : i32
          %dma_start3A_621 = tpu.memref_slice %arg13[%dma_start3A_619, %dma_start3A_620] : memref<128x64xf32, #tpu.memory_space<vmem>> -> memref<32x64xf32, #tpu.memory_space<vmem>>
          %dma_start3A_622 = arith.constant 0 : i32
          %dma_start3A_623 = arith.constant 0 : i32
          %dma_start3A_624 = tpu.memref_slice %arg8[%add3A_544, %dma_start3A_622, %dma_start3A_623] : memref<200x32x64xf32, #tpu.memory_space<vmem_shared>> -> memref<1x32x64xf32, #tpu.memory_space<vmem_shared>>
          %dma_start3A_625 = tpu.memref_squeeze %dma_start3A_624 : memref<1x32x64xf32, #tpu.memory_space<vmem_shared>> -> memref<32x64xf32, #tpu.memory_space<vmem_shared>>
          %dma_start3A_626 = arith.constant 64 : i32
          %dma_start3A_627 = arith.constant 0 : i32
          %dma_start3A_628 = tpu.memref_slice %arg13[%dma_start3A_626, %dma_start3A_627] : memref<128x64xf32, #tpu.memory_space<vmem>> -> memref<32x64xf32, #tpu.memory_space<vmem>>
          %dma_start3A_629 = arith.constant 0 : i32
          %dma_start3A_630 = arith.constant 0 : i32
          %dma_start3A_631 = tpu.memref_slice %arg8[%add3A_544, %dma_start3A_629, %dma_start3A_630] : memref<200x32x64xf32, #tpu.memory_space<vmem_shared>> -> memref<1x32x64xf32, #tpu.memory_space<vmem_shared>>
          %dma_start3A_632 = tpu.memref_squeeze %dma_start3A_631 : memref<1x32x64xf32, #tpu.memory_space<vmem_shared>> -> memref<32x64xf32, #tpu.memory_space<vmem_shared>>
          tpu.enqueue_dma source(%dma_start3A_632 : memref<32x64xf32, #tpu.memory_space<vmem_shared>>) target(%dma_start3A_628 : memref<32x64xf32, #tpu.memory_space<vmem>>) target_semaphore(%arg21 : memref<!tpu.dma_semaphore, #tpu.memory_space<semaphore_mem>>)
          %dma_start3A_633 = arith.constant 96 : i32
          %dma_start3A_634 = arith.constant 0 : i32
          %dma_start3A_635 = tpu.memref_slice %arg13[%dma_start3A_633, %dma_start3A_634] : memref<128x64xf32, #tpu.memory_space<vmem>> -> memref<32x64xf32, #tpu.memory_space<vmem>>
          %dma_start3A_636 = arith.constant 0 : i32
          %dma_start3A_637 = arith.constant 0 : i32
          %dma_start3A_638 = tpu.memref_slice %arg8[%add3A_544, %dma_start3A_636, %dma_start3A_637] : memref<200x32x64xf32, #tpu.memory_space<vmem_shared>> -> memref<1x32x64xf32, #tpu.memory_space<vmem_shared>>
          %dma_start3A_639 = tpu.memref_squeeze %dma_start3A_638 : memref<1x32x64xf32, #tpu.memory_space<vmem_shared>> -> memref<32x64xf32, #tpu.memory_space<vmem_shared>>
          %dma_start3A_640 = arith.constant 96 : i32
          %dma_start3A_641 = arith.constant 0 : i32
          %dma_start3A_642 = tpu.memref_slice %arg13[%dma_start3A_640, %dma_start3A_641] : memref<128x64xf32, #tpu.memory_space<vmem>> -> memref<32x64xf32, #tpu.memory_space<vmem>>
          %dma_start3A_643 = arith.constant 0 : i32
          %dma_start3A_644 = arith.constant 0 : i32
          %dma_start3A_645 = tpu.memref_slice %arg8[%add3A_544, %dma_start3A_643, %dma_start3A_644] : memref<200x32x64xf32, #tpu.memory_space<vmem_shared>> -> memref<1x32x64xf32, #tpu.memory_space<vmem_shared>>
          %dma_start3A_646 = tpu.memref_squeeze %dma_start3A_645 : memref<1x32x64xf32, #tpu.memory_space<vmem_shared>> -> memref<32x64xf32, #tpu.memory_space<vmem_shared>>
          tpu.enqueue_dma source(%dma_start3A_646 : memref<32x64xf32, #tpu.memory_space<vmem_shared>>) target(%dma_start3A_642 : memref<32x64xf32, #tpu.memory_space<vmem>>) target_semaphore(%arg21 : memref<!tpu.dma_semaphore, #tpu.memory_space<semaphore_mem>>)
        } else {
        }
        %eq3A_572 = arith.constant 5 : i32
        %eq3A_573 = arith.cmpi eq, %rem3A_546, %eq3A_572 : i32
        %convert_element_type3A_574 = arith.extui %eq3A_573 : i1 to i32
        %cond3A_575 = arith.constant 0 : i32
        %cond3A_576 = arith.cmpi ne, %convert_element_type3A_574, %cond3A_575 : i32
        scf.if %cond3A_576 {
          %ge3A = arith.constant 8 : i32
          %ge3A_587 = arith.cmpi sge, %add3A_544, %ge3A : i32
          %convert_element_type3A_588 = arith.extui %ge3A_587 : i1 to i32
          %cond3A_589 = arith.constant 0 : i32
          %cond3A_590 = arith.cmpi ne, %convert_element_type3A_588, %cond3A_589 : i32
          scf.if %cond3A_590 {
            %sub3A_647 = arith.constant 8 : i32
            %sub3A_648 = arith.subi %add3A_544, %sub3A_647 : i32
            %dma_wait3A_649 = arith.constant 0 : i32
            %dma_wait3A_650 = tpu.memref_slice %arg5[%sub3A_648, %mul3A_2, %dma_wait3A_649] : memref<200x4096x64xf32, #tpu.memory_space<hbm>> -> memref<1x128x64xf32, #tpu.memory_space<hbm>>
            %dma_wait3A_651 = tpu.memref_squeeze %dma_wait3A_650 : memref<1x128x64xf32, #tpu.memory_space<hbm>> -> memref<128x64xf32, #tpu.memory_space<hbm>>
            %dma_wait3A_652 = arith.constant 0 : i32
            %dma_wait3A_653 = tpu.memref_slice %arg5[%sub3A_648, %mul3A_2, %dma_wait3A_652] : memref<200x4096x64xf32, #tpu.memory_space<hbm>> -> memref<1x128x64xf32, #tpu.memory_space<hbm>>
            %dma_wait3A_654 = tpu.memref_squeeze %dma_wait3A_653 : memref<1x128x64xf32, #tpu.memory_space<hbm>> -> memref<128x64xf32, #tpu.memory_space<hbm>>
            tpu.wait_dma2 semaphore(%arg38 : memref<!tpu.dma_semaphore, #tpu.memory_space<semaphore_mem>>) src(%arg14 : memref<128x64xf32, #tpu.memory_space<vmem>>) dst(%dma_wait3A_654 : memref<128x64xf32, #tpu.memory_space<hbm>>)
          } else {
          }
          %dma_start3A_591 = arith.constant 0 : i32
          %dma_start3A_592 = arith.constant 0 : i32
          %dma_start3A_593 = tpu.memref_slice %arg14[%dma_start3A_591, %dma_start3A_592] : memref<128x64xf32, #tpu.memory_space<vmem>> -> memref<32x64xf32, #tpu.memory_space<vmem>>
          %dma_start3A_594 = arith.constant 0 : i32
          %dma_start3A_595 = arith.constant 0 : i32
          %dma_start3A_596 = tpu.memref_slice %arg8[%add3A_544, %dma_start3A_594, %dma_start3A_595] : memref<200x32x64xf32, #tpu.memory_space<vmem_shared>> -> memref<1x32x64xf32, #tpu.memory_space<vmem_shared>>
          %dma_start3A_597 = tpu.memref_squeeze %dma_start3A_596 : memref<1x32x64xf32, #tpu.memory_space<vmem_shared>> -> memref<32x64xf32, #tpu.memory_space<vmem_shared>>
          %dma_start3A_598 = arith.constant 0 : i32
          %dma_start3A_599 = arith.constant 0 : i32
          %dma_start3A_600 = tpu.memref_slice %arg14[%dma_start3A_598, %dma_start3A_599] : memref<128x64xf32, #tpu.memory_space<vmem>> -> memref<32x64xf32, #tpu.memory_space<vmem>>
          %dma_start3A_601 = arith.constant 0 : i32
          %dma_start3A_602 = arith.constant 0 : i32
          %dma_start3A_603 = tpu.memref_slice %arg8[%add3A_544, %dma_start3A_601, %dma_start3A_602] : memref<200x32x64xf32, #tpu.memory_space<vmem_shared>> -> memref<1x32x64xf32, #tpu.memory_space<vmem_shared>>
          %dma_start3A_604 = tpu.memref_squeeze %dma_start3A_603 : memref<1x32x64xf32, #tpu.memory_space<vmem_shared>> -> memref<32x64xf32, #tpu.memory_space<vmem_shared>>
          tpu.enqueue_dma source(%dma_start3A_604 : memref<32x64xf32, #tpu.memory_space<vmem_shared>>) target(%dma_start3A_600 : memref<32x64xf32, #tpu.memory_space<vmem>>) target_semaphore(%arg22 : memref<!tpu.dma_semaphore, #tpu.memory_space<semaphore_mem>>)
          %dma_start3A_605 = arith.constant 32 : i32
          %dma_start3A_606 = arith.constant 0 : i32
          %dma_start3A_607 = tpu.memref_slice %arg14[%dma_start3A_605, %dma_start3A_606] : memref<128x64xf32, #tpu.memory_space<vmem>> -> memref<32x64xf32, #tpu.memory_space<vmem>>
          %dma_start3A_608 = arith.constant 0 : i32
          %dma_start3A_609 = arith.constant 0 : i32
          %dma_start3A_610 = tpu.memref_slice %arg8[%add3A_544, %dma_start3A_608, %dma_start3A_609] : memref<200x32x64xf32, #tpu.memory_space<vmem_shared>> -> memref<1x32x64xf32, #tpu.memory_space<vmem_shared>>
          %dma_start3A_611 = tpu.memref_squeeze %dma_start3A_610 : memref<1x32x64xf32, #tpu.memory_space<vmem_shared>> -> memref<32x64xf32, #tpu.memory_space<vmem_shared>>
          %dma_start3A_612 = arith.constant 32 : i32
          %dma_start3A_613 = arith.constant 0 : i32
          %dma_start3A_614 = tpu.memref_slice %arg14[%dma_start3A_612, %dma_start3A_613] : memref<128x64xf32, #tpu.memory_space<vmem>> -> memref<32x64xf32, #tpu.memory_space<vmem>>
          %dma_start3A_615 = arith.constant 0 : i32
          %dma_start3A_616 = arith.constant 0 : i32
          %dma_start3A_617 = tpu.memref_slice %arg8[%add3A_544, %dma_start3A_615, %dma_start3A_616] : memref<200x32x64xf32, #tpu.memory_space<vmem_shared>> -> memref<1x32x64xf32, #tpu.memory_space<vmem_shared>>
          %dma_start3A_618 = tpu.memref_squeeze %dma_start3A_617 : memref<1x32x64xf32, #tpu.memory_space<vmem_shared>> -> memref<32x64xf32, #tpu.memory_space<vmem_shared>>
          tpu.enqueue_dma source(%dma_start3A_618 : memref<32x64xf32, #tpu.memory_space<vmem_shared>>) target(%dma_start3A_614 : memref<32x64xf32, #tpu.memory_space<vmem>>) target_semaphore(%arg22 : memref<!tpu.dma_semaphore, #tpu.memory_space<semaphore_mem>>)
          %dma_start3A_619 = arith.constant 64 : i32
          %dma_start3A_620 = arith.constant 0 : i32
          %dma_start3A_621 = tpu.memref_slice %arg14[%dma_start3A_619, %dma_start3A_620] : memref<128x64xf32, #tpu.memory_space<vmem>> -> memref<32x64xf32, #tpu.memory_space<vmem>>
          %dma_start3A_622 = arith.constant 0 : i32
          %dma_start3A_623 = arith.constant 0 : i32
          %dma_start3A_624 = tpu.memref_slice %arg8[%add3A_544, %dma_start3A_622, %dma_start3A_623] : memref<200x32x64xf32, #tpu.memory_space<vmem_shared>> -> memref<1x32x64xf32, #tpu.memory_space<vmem_shared>>
          %dma_start3A_625 = tpu.memref_squeeze %dma_start3A_624 : memref<1x32x64xf32, #tpu.memory_space<vmem_shared>> -> memref<32x64xf32, #tpu.memory_space<vmem_shared>>
          %dma_start3A_626 = arith.constant 64 : i32
          %dma_start3A_627 = arith.constant 0 : i32
          %dma_start3A_628 = tpu.memref_slice %arg14[%dma_start3A_626, %dma_start3A_627] : memref<128x64xf32, #tpu.memory_space<vmem>> -> memref<32x64xf32, #tpu.memory_space<vmem>>
          %dma_start3A_629 = arith.constant 0 : i32
          %dma_start3A_630 = arith.constant 0 : i32
          %dma_start3A_631 = tpu.memref_slice %arg8[%add3A_544, %dma_start3A_629, %dma_start3A_630] : memref<200x32x64xf32, #tpu.memory_space<vmem_shared>> -> memref<1x32x64xf32, #tpu.memory_space<vmem_shared>>
          %dma_start3A_632 = tpu.memref_squeeze %dma_start3A_631 : memref<1x32x64xf32, #tpu.memory_space<vmem_shared>> -> memref<32x64xf32, #tpu.memory_space<vmem_shared>>
          tpu.enqueue_dma source(%dma_start3A_632 : memref<32x64xf32, #tpu.memory_space<vmem_shared>>) target(%dma_start3A_628 : memref<32x64xf32, #tpu.memory_space<vmem>>) target_semaphore(%arg22 : memref<!tpu.dma_semaphore, #tpu.memory_space<semaphore_mem>>)
          %dma_start3A_633 = arith.constant 96 : i32
          %dma_start3A_634 = arith.constant 0 : i32
          %dma_start3A_635 = tpu.memref_slice %arg14[%dma_start3A_633, %dma_start3A_634] : memref<128x64xf32, #tpu.memory_space<vmem>> -> memref<32x64xf32, #tpu.memory_space<vmem>>
          %dma_start3A_636 = arith.constant 0 : i32
          %dma_start3A_637 = arith.constant 0 : i32
          %dma_start3A_638 = tpu.memref_slice %arg8[%add3A_544, %dma_start3A_636, %dma_start3A_637] : memref<200x32x64xf32, #tpu.memory_space<vmem_shared>> -> memref<1x32x64xf32, #tpu.memory_space<vmem_shared>>
          %dma_start3A_639 = tpu.memref_squeeze %dma_start3A_638 : memref<1x32x64xf32, #tpu.memory_space<vmem_shared>> -> memref<32x64xf32, #tpu.memory_space<vmem_shared>>
          %dma_start3A_640 = arith.constant 96 : i32
          %dma_start3A_641 = arith.constant 0 : i32
          %dma_start3A_642 = tpu.memref_slice %arg14[%dma_start3A_640, %dma_start3A_641] : memref<128x64xf32, #tpu.memory_space<vmem>> -> memref<32x64xf32, #tpu.memory_space<vmem>>
          %dma_start3A_643 = arith.constant 0 : i32
          %dma_start3A_644 = arith.constant 0 : i32
          %dma_start3A_645 = tpu.memref_slice %arg8[%add3A_544, %dma_start3A_643, %dma_start3A_644] : memref<200x32x64xf32, #tpu.memory_space<vmem_shared>> -> memref<1x32x64xf32, #tpu.memory_space<vmem_shared>>
          %dma_start3A_646 = tpu.memref_squeeze %dma_start3A_645 : memref<1x32x64xf32, #tpu.memory_space<vmem_shared>> -> memref<32x64xf32, #tpu.memory_space<vmem_shared>>
          tpu.enqueue_dma source(%dma_start3A_646 : memref<32x64xf32, #tpu.memory_space<vmem_shared>>) target(%dma_start3A_642 : memref<32x64xf32, #tpu.memory_space<vmem>>) target_semaphore(%arg22 : memref<!tpu.dma_semaphore, #tpu.memory_space<semaphore_mem>>)
        } else {
        }
        %eq3A_577 = arith.constant 6 : i32
        %eq3A_578 = arith.cmpi eq, %rem3A_546, %eq3A_577 : i32
        %convert_element_type3A_579 = arith.extui %eq3A_578 : i1 to i32
        %cond3A_580 = arith.constant 0 : i32
        %cond3A_581 = arith.cmpi ne, %convert_element_type3A_579, %cond3A_580 : i32
        scf.if %cond3A_581 {
          %ge3A = arith.constant 8 : i32
          %ge3A_587 = arith.cmpi sge, %add3A_544, %ge3A : i32
          %convert_element_type3A_588 = arith.extui %ge3A_587 : i1 to i32
          %cond3A_589 = arith.constant 0 : i32
          %cond3A_590 = arith.cmpi ne, %convert_element_type3A_588, %cond3A_589 : i32
          scf.if %cond3A_590 {
            %sub3A_647 = arith.constant 8 : i32
            %sub3A_648 = arith.subi %add3A_544, %sub3A_647 : i32
            %dma_wait3A_649 = arith.constant 0 : i32
            %dma_wait3A_650 = tpu.memref_slice %arg5[%sub3A_648, %mul3A_2, %dma_wait3A_649] : memref<200x4096x64xf32, #tpu.memory_space<hbm>> -> memref<1x128x64xf32, #tpu.memory_space<hbm>>
            %dma_wait3A_651 = tpu.memref_squeeze %dma_wait3A_650 : memref<1x128x64xf32, #tpu.memory_space<hbm>> -> memref<128x64xf32, #tpu.memory_space<hbm>>
            %dma_wait3A_652 = arith.constant 0 : i32
            %dma_wait3A_653 = tpu.memref_slice %arg5[%sub3A_648, %mul3A_2, %dma_wait3A_652] : memref<200x4096x64xf32, #tpu.memory_space<hbm>> -> memref<1x128x64xf32, #tpu.memory_space<hbm>>
            %dma_wait3A_654 = tpu.memref_squeeze %dma_wait3A_653 : memref<1x128x64xf32, #tpu.memory_space<hbm>> -> memref<128x64xf32, #tpu.memory_space<hbm>>
            tpu.wait_dma2 semaphore(%arg39 : memref<!tpu.dma_semaphore, #tpu.memory_space<semaphore_mem>>) src(%arg15 : memref<128x64xf32, #tpu.memory_space<vmem>>) dst(%dma_wait3A_654 : memref<128x64xf32, #tpu.memory_space<hbm>>)
          } else {
          }
          %dma_start3A_591 = arith.constant 0 : i32
          %dma_start3A_592 = arith.constant 0 : i32
          %dma_start3A_593 = tpu.memref_slice %arg15[%dma_start3A_591, %dma_start3A_592] : memref<128x64xf32, #tpu.memory_space<vmem>> -> memref<32x64xf32, #tpu.memory_space<vmem>>
          %dma_start3A_594 = arith.constant 0 : i32
          %dma_start3A_595 = arith.constant 0 : i32
          %dma_start3A_596 = tpu.memref_slice %arg8[%add3A_544, %dma_start3A_594, %dma_start3A_595] : memref<200x32x64xf32, #tpu.memory_space<vmem_shared>> -> memref<1x32x64xf32, #tpu.memory_space<vmem_shared>>
          %dma_start3A_597 = tpu.memref_squeeze %dma_start3A_596 : memref<1x32x64xf32, #tpu.memory_space<vmem_shared>> -> memref<32x64xf32, #tpu.memory_space<vmem_shared>>
          %dma_start3A_598 = arith.constant 0 : i32
          %dma_start3A_599 = arith.constant 0 : i32
          %dma_start3A_600 = tpu.memref_slice %arg15[%dma_start3A_598, %dma_start3A_599] : memref<128x64xf32, #tpu.memory_space<vmem>> -> memref<32x64xf32, #tpu.memory_space<vmem>>
          %dma_start3A_601 = arith.constant 0 : i32
          %dma_start3A_602 = arith.constant 0 : i32
          %dma_start3A_603 = tpu.memref_slice %arg8[%add3A_544, %dma_start3A_601, %dma_start3A_602] : memref<200x32x64xf32, #tpu.memory_space<vmem_shared>> -> memref<1x32x64xf32, #tpu.memory_space<vmem_shared>>
          %dma_start3A_604 = tpu.memref_squeeze %dma_start3A_603 : memref<1x32x64xf32, #tpu.memory_space<vmem_shared>> -> memref<32x64xf32, #tpu.memory_space<vmem_shared>>
          tpu.enqueue_dma source(%dma_start3A_604 : memref<32x64xf32, #tpu.memory_space<vmem_shared>>) target(%dma_start3A_600 : memref<32x64xf32, #tpu.memory_space<vmem>>) target_semaphore(%arg23 : memref<!tpu.dma_semaphore, #tpu.memory_space<semaphore_mem>>)
          %dma_start3A_605 = arith.constant 32 : i32
          %dma_start3A_606 = arith.constant 0 : i32
          %dma_start3A_607 = tpu.memref_slice %arg15[%dma_start3A_605, %dma_start3A_606] : memref<128x64xf32, #tpu.memory_space<vmem>> -> memref<32x64xf32, #tpu.memory_space<vmem>>
          %dma_start3A_608 = arith.constant 0 : i32
          %dma_start3A_609 = arith.constant 0 : i32
          %dma_start3A_610 = tpu.memref_slice %arg8[%add3A_544, %dma_start3A_608, %dma_start3A_609] : memref<200x32x64xf32, #tpu.memory_space<vmem_shared>> -> memref<1x32x64xf32, #tpu.memory_space<vmem_shared>>
          %dma_start3A_611 = tpu.memref_squeeze %dma_start3A_610 : memref<1x32x64xf32, #tpu.memory_space<vmem_shared>> -> memref<32x64xf32, #tpu.memory_space<vmem_shared>>
          %dma_start3A_612 = arith.constant 32 : i32
          %dma_start3A_613 = arith.constant 0 : i32
          %dma_start3A_614 = tpu.memref_slice %arg15[%dma_start3A_612, %dma_start3A_613] : memref<128x64xf32, #tpu.memory_space<vmem>> -> memref<32x64xf32, #tpu.memory_space<vmem>>
          %dma_start3A_615 = arith.constant 0 : i32
          %dma_start3A_616 = arith.constant 0 : i32
          %dma_start3A_617 = tpu.memref_slice %arg8[%add3A_544, %dma_start3A_615, %dma_start3A_616] : memref<200x32x64xf32, #tpu.memory_space<vmem_shared>> -> memref<1x32x64xf32, #tpu.memory_space<vmem_shared>>
          %dma_start3A_618 = tpu.memref_squeeze %dma_start3A_617 : memref<1x32x64xf32, #tpu.memory_space<vmem_shared>> -> memref<32x64xf32, #tpu.memory_space<vmem_shared>>
          tpu.enqueue_dma source(%dma_start3A_618 : memref<32x64xf32, #tpu.memory_space<vmem_shared>>) target(%dma_start3A_614 : memref<32x64xf32, #tpu.memory_space<vmem>>) target_semaphore(%arg23 : memref<!tpu.dma_semaphore, #tpu.memory_space<semaphore_mem>>)
          %dma_start3A_619 = arith.constant 64 : i32
          %dma_start3A_620 = arith.constant 0 : i32
          %dma_start3A_621 = tpu.memref_slice %arg15[%dma_start3A_619, %dma_start3A_620] : memref<128x64xf32, #tpu.memory_space<vmem>> -> memref<32x64xf32, #tpu.memory_space<vmem>>
          %dma_start3A_622 = arith.constant 0 : i32
          %dma_start3A_623 = arith.constant 0 : i32
          %dma_start3A_624 = tpu.memref_slice %arg8[%add3A_544, %dma_start3A_622, %dma_start3A_623] : memref<200x32x64xf32, #tpu.memory_space<vmem_shared>> -> memref<1x32x64xf32, #tpu.memory_space<vmem_shared>>
          %dma_start3A_625 = tpu.memref_squeeze %dma_start3A_624 : memref<1x32x64xf32, #tpu.memory_space<vmem_shared>> -> memref<32x64xf32, #tpu.memory_space<vmem_shared>>
          %dma_start3A_626 = arith.constant 64 : i32
          %dma_start3A_627 = arith.constant 0 : i32
          %dma_start3A_628 = tpu.memref_slice %arg15[%dma_start3A_626, %dma_start3A_627] : memref<128x64xf32, #tpu.memory_space<vmem>> -> memref<32x64xf32, #tpu.memory_space<vmem>>
          %dma_start3A_629 = arith.constant 0 : i32
          %dma_start3A_630 = arith.constant 0 : i32
          %dma_start3A_631 = tpu.memref_slice %arg8[%add3A_544, %dma_start3A_629, %dma_start3A_630] : memref<200x32x64xf32, #tpu.memory_space<vmem_shared>> -> memref<1x32x64xf32, #tpu.memory_space<vmem_shared>>
          %dma_start3A_632 = tpu.memref_squeeze %dma_start3A_631 : memref<1x32x64xf32, #tpu.memory_space<vmem_shared>> -> memref<32x64xf32, #tpu.memory_space<vmem_shared>>
          tpu.enqueue_dma source(%dma_start3A_632 : memref<32x64xf32, #tpu.memory_space<vmem_shared>>) target(%dma_start3A_628 : memref<32x64xf32, #tpu.memory_space<vmem>>) target_semaphore(%arg23 : memref<!tpu.dma_semaphore, #tpu.memory_space<semaphore_mem>>)
          %dma_start3A_633 = arith.constant 96 : i32
          %dma_start3A_634 = arith.constant 0 : i32
          %dma_start3A_635 = tpu.memref_slice %arg15[%dma_start3A_633, %dma_start3A_634] : memref<128x64xf32, #tpu.memory_space<vmem>> -> memref<32x64xf32, #tpu.memory_space<vmem>>
          %dma_start3A_636 = arith.constant 0 : i32
          %dma_start3A_637 = arith.constant 0 : i32
          %dma_start3A_638 = tpu.memref_slice %arg8[%add3A_544, %dma_start3A_636, %dma_start3A_637] : memref<200x32x64xf32, #tpu.memory_space<vmem_shared>> -> memref<1x32x64xf32, #tpu.memory_space<vmem_shared>>
          %dma_start3A_639 = tpu.memref_squeeze %dma_start3A_638 : memref<1x32x64xf32, #tpu.memory_space<vmem_shared>> -> memref<32x64xf32, #tpu.memory_space<vmem_shared>>
          %dma_start3A_640 = arith.constant 96 : i32
          %dma_start3A_641 = arith.constant 0 : i32
          %dma_start3A_642 = tpu.memref_slice %arg15[%dma_start3A_640, %dma_start3A_641] : memref<128x64xf32, #tpu.memory_space<vmem>> -> memref<32x64xf32, #tpu.memory_space<vmem>>
          %dma_start3A_643 = arith.constant 0 : i32
          %dma_start3A_644 = arith.constant 0 : i32
          %dma_start3A_645 = tpu.memref_slice %arg8[%add3A_544, %dma_start3A_643, %dma_start3A_644] : memref<200x32x64xf32, #tpu.memory_space<vmem_shared>> -> memref<1x32x64xf32, #tpu.memory_space<vmem_shared>>
          %dma_start3A_646 = tpu.memref_squeeze %dma_start3A_645 : memref<1x32x64xf32, #tpu.memory_space<vmem_shared>> -> memref<32x64xf32, #tpu.memory_space<vmem_shared>>
          tpu.enqueue_dma source(%dma_start3A_646 : memref<32x64xf32, #tpu.memory_space<vmem_shared>>) target(%dma_start3A_642 : memref<32x64xf32, #tpu.memory_space<vmem>>) target_semaphore(%arg23 : memref<!tpu.dma_semaphore, #tpu.memory_space<semaphore_mem>>)
        } else {
        }
        %eq3A_582 = arith.constant 7 : i32
        %eq3A_583 = arith.cmpi eq, %rem3A_546, %eq3A_582 : i32
        %convert_element_type3A_584 = arith.extui %eq3A_583 : i1 to i32
        %cond3A_585 = arith.constant 0 : i32
        %cond3A_586 = arith.cmpi ne, %convert_element_type3A_584, %cond3A_585 : i32
        scf.if %cond3A_586 {
          %ge3A = arith.constant 8 : i32
          %ge3A_587 = arith.cmpi sge, %add3A_544, %ge3A : i32
          %convert_element_type3A_588 = arith.extui %ge3A_587 : i1 to i32
          %cond3A_589 = arith.constant 0 : i32
          %cond3A_590 = arith.cmpi ne, %convert_element_type3A_588, %cond3A_589 : i32
          scf.if %cond3A_590 {
            %sub3A_647 = arith.constant 8 : i32
            %sub3A_648 = arith.subi %add3A_544, %sub3A_647 : i32
            %dma_wait3A_649 = arith.constant 0 : i32
            %dma_wait3A_650 = tpu.memref_slice %arg5[%sub3A_648, %mul3A_2, %dma_wait3A_649] : memref<200x4096x64xf32, #tpu.memory_space<hbm>> -> memref<1x128x64xf32, #tpu.memory_space<hbm>>
            %dma_wait3A_651 = tpu.memref_squeeze %dma_wait3A_650 : memref<1x128x64xf32, #tpu.memory_space<hbm>> -> memref<128x64xf32, #tpu.memory_space<hbm>>
            %dma_wait3A_652 = arith.constant 0 : i32
            %dma_wait3A_653 = tpu.memref_slice %arg5[%sub3A_648, %mul3A_2, %dma_wait3A_652] : memref<200x4096x64xf32, #tpu.memory_space<hbm>> -> memref<1x128x64xf32, #tpu.memory_space<hbm>>
            %dma_wait3A_654 = tpu.memref_squeeze %dma_wait3A_653 : memref<1x128x64xf32, #tpu.memory_space<hbm>> -> memref<128x64xf32, #tpu.memory_space<hbm>>
            tpu.wait_dma2 semaphore(%arg40 : memref<!tpu.dma_semaphore, #tpu.memory_space<semaphore_mem>>) src(%arg16 : memref<128x64xf32, #tpu.memory_space<vmem>>) dst(%dma_wait3A_654 : memref<128x64xf32, #tpu.memory_space<hbm>>)
          } else {
          }
          %dma_start3A_591 = arith.constant 0 : i32
          %dma_start3A_592 = arith.constant 0 : i32
          %dma_start3A_593 = tpu.memref_slice %arg16[%dma_start3A_591, %dma_start3A_592] : memref<128x64xf32, #tpu.memory_space<vmem>> -> memref<32x64xf32, #tpu.memory_space<vmem>>
          %dma_start3A_594 = arith.constant 0 : i32
          %dma_start3A_595 = arith.constant 0 : i32
          %dma_start3A_596 = tpu.memref_slice %arg8[%add3A_544, %dma_start3A_594, %dma_start3A_595] : memref<200x32x64xf32, #tpu.memory_space<vmem_shared>> -> memref<1x32x64xf32, #tpu.memory_space<vmem_shared>>
          %dma_start3A_597 = tpu.memref_squeeze %dma_start3A_596 : memref<1x32x64xf32, #tpu.memory_space<vmem_shared>> -> memref<32x64xf32, #tpu.memory_space<vmem_shared>>
          %dma_start3A_598 = arith.constant 0 : i32
          %dma_start3A_599 = arith.constant 0 : i32
          %dma_start3A_600 = tpu.memref_slice %arg16[%dma_start3A_598, %dma_start3A_599] : memref<128x64xf32, #tpu.memory_space<vmem>> -> memref<32x64xf32, #tpu.memory_space<vmem>>
          %dma_start3A_601 = arith.constant 0 : i32
          %dma_start3A_602 = arith.constant 0 : i32
          %dma_start3A_603 = tpu.memref_slice %arg8[%add3A_544, %dma_start3A_601, %dma_start3A_602] : memref<200x32x64xf32, #tpu.memory_space<vmem_shared>> -> memref<1x32x64xf32, #tpu.memory_space<vmem_shared>>
          %dma_start3A_604 = tpu.memref_squeeze %dma_start3A_603 : memref<1x32x64xf32, #tpu.memory_space<vmem_shared>> -> memref<32x64xf32, #tpu.memory_space<vmem_shared>>
          tpu.enqueue_dma source(%dma_start3A_604 : memref<32x64xf32, #tpu.memory_space<vmem_shared>>) target(%dma_start3A_600 : memref<32x64xf32, #tpu.memory_space<vmem>>) target_semaphore(%arg24 : memref<!tpu.dma_semaphore, #tpu.memory_space<semaphore_mem>>)
          %dma_start3A_605 = arith.constant 32 : i32
          %dma_start3A_606 = arith.constant 0 : i32
          %dma_start3A_607 = tpu.memref_slice %arg16[%dma_start3A_605, %dma_start3A_606] : memref<128x64xf32, #tpu.memory_space<vmem>> -> memref<32x64xf32, #tpu.memory_space<vmem>>
          %dma_start3A_608 = arith.constant 0 : i32
          %dma_start3A_609 = arith.constant 0 : i32
          %dma_start3A_610 = tpu.memref_slice %arg8[%add3A_544, %dma_start3A_608, %dma_start3A_609] : memref<200x32x64xf32, #tpu.memory_space<vmem_shared>> -> memref<1x32x64xf32, #tpu.memory_space<vmem_shared>>
          %dma_start3A_611 = tpu.memref_squeeze %dma_start3A_610 : memref<1x32x64xf32, #tpu.memory_space<vmem_shared>> -> memref<32x64xf32, #tpu.memory_space<vmem_shared>>
          %dma_start3A_612 = arith.constant 32 : i32
          %dma_start3A_613 = arith.constant 0 : i32
          %dma_start3A_614 = tpu.memref_slice %arg16[%dma_start3A_612, %dma_start3A_613] : memref<128x64xf32, #tpu.memory_space<vmem>> -> memref<32x64xf32, #tpu.memory_space<vmem>>
          %dma_start3A_615 = arith.constant 0 : i32
          %dma_start3A_616 = arith.constant 0 : i32
          %dma_start3A_617 = tpu.memref_slice %arg8[%add3A_544, %dma_start3A_615, %dma_start3A_616] : memref<200x32x64xf32, #tpu.memory_space<vmem_shared>> -> memref<1x32x64xf32, #tpu.memory_space<vmem_shared>>
          %dma_start3A_618 = tpu.memref_squeeze %dma_start3A_617 : memref<1x32x64xf32, #tpu.memory_space<vmem_shared>> -> memref<32x64xf32, #tpu.memory_space<vmem_shared>>
          tpu.enqueue_dma source(%dma_start3A_618 : memref<32x64xf32, #tpu.memory_space<vmem_shared>>) target(%dma_start3A_614 : memref<32x64xf32, #tpu.memory_space<vmem>>) target_semaphore(%arg24 : memref<!tpu.dma_semaphore, #tpu.memory_space<semaphore_mem>>)
          %dma_start3A_619 = arith.constant 64 : i32
          %dma_start3A_620 = arith.constant 0 : i32
          %dma_start3A_621 = tpu.memref_slice %arg16[%dma_start3A_619, %dma_start3A_620] : memref<128x64xf32, #tpu.memory_space<vmem>> -> memref<32x64xf32, #tpu.memory_space<vmem>>
          %dma_start3A_622 = arith.constant 0 : i32
          %dma_start3A_623 = arith.constant 0 : i32
          %dma_start3A_624 = tpu.memref_slice %arg8[%add3A_544, %dma_start3A_622, %dma_start3A_623] : memref<200x32x64xf32, #tpu.memory_space<vmem_shared>> -> memref<1x32x64xf32, #tpu.memory_space<vmem_shared>>
          %dma_start3A_625 = tpu.memref_squeeze %dma_start3A_624 : memref<1x32x64xf32, #tpu.memory_space<vmem_shared>> -> memref<32x64xf32, #tpu.memory_space<vmem_shared>>
          %dma_start3A_626 = arith.constant 64 : i32
          %dma_start3A_627 = arith.constant 0 : i32
          %dma_start3A_628 = tpu.memref_slice %arg16[%dma_start3A_626, %dma_start3A_627] : memref<128x64xf32, #tpu.memory_space<vmem>> -> memref<32x64xf32, #tpu.memory_space<vmem>>
          %dma_start3A_629 = arith.constant 0 : i32
          %dma_start3A_630 = arith.constant 0 : i32
          %dma_start3A_631 = tpu.memref_slice %arg8[%add3A_544, %dma_start3A_629, %dma_start3A_630] : memref<200x32x64xf32, #tpu.memory_space<vmem_shared>> -> memref<1x32x64xf32, #tpu.memory_space<vmem_shared>>
          %dma_start3A_632 = tpu.memref_squeeze %dma_start3A_631 : memref<1x32x64xf32, #tpu.memory_space<vmem_shared>> -> memref<32x64xf32, #tpu.memory_space<vmem_shared>>
          tpu.enqueue_dma source(%dma_start3A_632 : memref<32x64xf32, #tpu.memory_space<vmem_shared>>) target(%dma_start3A_628 : memref<32x64xf32, #tpu.memory_space<vmem>>) target_semaphore(%arg24 : memref<!tpu.dma_semaphore, #tpu.memory_space<semaphore_mem>>)
          %dma_start3A_633 = arith.constant 96 : i32
          %dma_start3A_634 = arith.constant 0 : i32
          %dma_start3A_635 = tpu.memref_slice %arg16[%dma_start3A_633, %dma_start3A_634] : memref<128x64xf32, #tpu.memory_space<vmem>> -> memref<32x64xf32, #tpu.memory_space<vmem>>
          %dma_start3A_636 = arith.constant 0 : i32
          %dma_start3A_637 = arith.constant 0 : i32
          %dma_start3A_638 = tpu.memref_slice %arg8[%add3A_544, %dma_start3A_636, %dma_start3A_637] : memref<200x32x64xf32, #tpu.memory_space<vmem_shared>> -> memref<1x32x64xf32, #tpu.memory_space<vmem_shared>>
          %dma_start3A_639 = tpu.memref_squeeze %dma_start3A_638 : memref<1x32x64xf32, #tpu.memory_space<vmem_shared>> -> memref<32x64xf32, #tpu.memory_space<vmem_shared>>
          %dma_start3A_640 = arith.constant 96 : i32
          %dma_start3A_641 = arith.constant 0 : i32
          %dma_start3A_642 = tpu.memref_slice %arg16[%dma_start3A_640, %dma_start3A_641] : memref<128x64xf32, #tpu.memory_space<vmem>> -> memref<32x64xf32, #tpu.memory_space<vmem>>
          %dma_start3A_643 = arith.constant 0 : i32
          %dma_start3A_644 = arith.constant 0 : i32
          %dma_start3A_645 = tpu.memref_slice %arg8[%add3A_544, %dma_start3A_643, %dma_start3A_644] : memref<200x32x64xf32, #tpu.memory_space<vmem_shared>> -> memref<1x32x64xf32, #tpu.memory_space<vmem_shared>>
          %dma_start3A_646 = tpu.memref_squeeze %dma_start3A_645 : memref<1x32x64xf32, #tpu.memory_space<vmem_shared>> -> memref<32x64xf32, #tpu.memory_space<vmem_shared>>
          tpu.enqueue_dma source(%dma_start3A_646 : memref<32x64xf32, #tpu.memory_space<vmem_shared>>) target(%dma_start3A_642 : memref<32x64xf32, #tpu.memory_space<vmem>>) target_semaphore(%arg24 : memref<!tpu.dma_semaphore, #tpu.memory_space<semaphore_mem>>)
        } else {
        }
      } else {
      }
      %add3A_495 = arith.constant 2 : i32
      %add3A_496 = arith.addi %scan3A_490, %add3A_495 : i32
      %lt3A_497 = arith.constant 200 : i32
      %lt3A_498 = arith.cmpi slt, %add3A_496, %lt3A_497 : i32
      %convert_element_type3A_499 = arith.extui %lt3A_498 : i1 to i32
      %cond3A_500 = arith.constant 0 : i32
      %cond3A_501 = arith.cmpi ne, %convert_element_type3A_499, %cond3A_500 : i32
      scf.if %cond3A_501 {
        %add3A_543 = arith.constant 2 : i32
        %add3A_544 = arith.addi %scan3A_490, %add3A_543 : i32
        %rem3A_545 = arith.constant 8 : i32
        %rem3A_546 = arith.remsi %add3A_544, %rem3A_545 : i32
        %eq3A_547 = arith.constant 0 : i32
        %eq3A_548 = arith.cmpi eq, %rem3A_546, %eq3A_547 : i32
        %convert_element_type3A_549 = arith.extui %eq3A_548 : i1 to i32
        %cond3A_550 = arith.constant 0 : i32
        %cond3A_551 = arith.cmpi ne, %convert_element_type3A_549, %cond3A_550 : i32
        scf.if %cond3A_551 {
          %dma_wait3A_587 = arith.constant 0 : i32
          %dma_wait3A_588 = arith.constant 0 : i32
          %dma_wait3A_589 = tpu.memref_slice %arg9[%dma_wait3A_587, %dma_wait3A_588] : memref<128x64xf32, #tpu.memory_space<vmem>> -> memref<32x64xf32, #tpu.memory_space<vmem>>
          %dma_wait3A_590 = arith.constant 0 : i32
          %dma_wait3A_591 = arith.constant 0 : i32
          %dma_wait3A_592 = tpu.memref_slice %arg8[%add3A_544, %dma_wait3A_590, %dma_wait3A_591] : memref<200x32x64xf32, #tpu.memory_space<vmem_shared>> -> memref<1x32x64xf32, #tpu.memory_space<vmem_shared>>
          %dma_wait3A_593 = tpu.memref_squeeze %dma_wait3A_592 : memref<1x32x64xf32, #tpu.memory_space<vmem_shared>> -> memref<32x64xf32, #tpu.memory_space<vmem_shared>>
          %dma_wait3A_594 = arith.constant 0 : i32
          %dma_wait3A_595 = arith.constant 0 : i32
          %dma_wait3A_596 = tpu.memref_slice %arg9[%dma_wait3A_594, %dma_wait3A_595] : memref<128x64xf32, #tpu.memory_space<vmem>> -> memref<32x64xf32, #tpu.memory_space<vmem>>
          %dma_wait3A_597 = arith.constant 0 : i32
          %dma_wait3A_598 = arith.constant 0 : i32
          %dma_wait3A_599 = tpu.memref_slice %arg8[%add3A_544, %dma_wait3A_597, %dma_wait3A_598] : memref<200x32x64xf32, #tpu.memory_space<vmem_shared>> -> memref<1x32x64xf32, #tpu.memory_space<vmem_shared>>
          %dma_wait3A_600 = tpu.memref_squeeze %dma_wait3A_599 : memref<1x32x64xf32, #tpu.memory_space<vmem_shared>> -> memref<32x64xf32, #tpu.memory_space<vmem_shared>>
          tpu.wait_dma2 semaphore(%arg17 : memref<!tpu.dma_semaphore, #tpu.memory_space<semaphore_mem>>) src(%dma_wait3A_600 : memref<32x64xf32, #tpu.memory_space<vmem_shared>>) dst(%dma_wait3A_596 : memref<32x64xf32, #tpu.memory_space<vmem>>)
          %dma_wait3A_601 = arith.constant 32 : i32
          %dma_wait3A_602 = arith.constant 0 : i32
          %dma_wait3A_603 = tpu.memref_slice %arg9[%dma_wait3A_601, %dma_wait3A_602] : memref<128x64xf32, #tpu.memory_space<vmem>> -> memref<32x64xf32, #tpu.memory_space<vmem>>
          %dma_wait3A_604 = arith.constant 0 : i32
          %dma_wait3A_605 = arith.constant 0 : i32
          %dma_wait3A_606 = tpu.memref_slice %arg8[%add3A_544, %dma_wait3A_604, %dma_wait3A_605] : memref<200x32x64xf32, #tpu.memory_space<vmem_shared>> -> memref<1x32x64xf32, #tpu.memory_space<vmem_shared>>
          %dma_wait3A_607 = tpu.memref_squeeze %dma_wait3A_606 : memref<1x32x64xf32, #tpu.memory_space<vmem_shared>> -> memref<32x64xf32, #tpu.memory_space<vmem_shared>>
          %dma_wait3A_608 = arith.constant 32 : i32
          %dma_wait3A_609 = arith.constant 0 : i32
          %dma_wait3A_610 = tpu.memref_slice %arg9[%dma_wait3A_608, %dma_wait3A_609] : memref<128x64xf32, #tpu.memory_space<vmem>> -> memref<32x64xf32, #tpu.memory_space<vmem>>
          %dma_wait3A_611 = arith.constant 0 : i32
          %dma_wait3A_612 = arith.constant 0 : i32
          %dma_wait3A_613 = tpu.memref_slice %arg8[%add3A_544, %dma_wait3A_611, %dma_wait3A_612] : memref<200x32x64xf32, #tpu.memory_space<vmem_shared>> -> memref<1x32x64xf32, #tpu.memory_space<vmem_shared>>
          %dma_wait3A_614 = tpu.memref_squeeze %dma_wait3A_613 : memref<1x32x64xf32, #tpu.memory_space<vmem_shared>> -> memref<32x64xf32, #tpu.memory_space<vmem_shared>>
          tpu.wait_dma2 semaphore(%arg17 : memref<!tpu.dma_semaphore, #tpu.memory_space<semaphore_mem>>) src(%dma_wait3A_614 : memref<32x64xf32, #tpu.memory_space<vmem_shared>>) dst(%dma_wait3A_610 : memref<32x64xf32, #tpu.memory_space<vmem>>)
          %dma_wait3A_615 = arith.constant 64 : i32
          %dma_wait3A_616 = arith.constant 0 : i32
          %dma_wait3A_617 = tpu.memref_slice %arg9[%dma_wait3A_615, %dma_wait3A_616] : memref<128x64xf32, #tpu.memory_space<vmem>> -> memref<32x64xf32, #tpu.memory_space<vmem>>
          %dma_wait3A_618 = arith.constant 0 : i32
          %dma_wait3A_619 = arith.constant 0 : i32
          %dma_wait3A_620 = tpu.memref_slice %arg8[%add3A_544, %dma_wait3A_618, %dma_wait3A_619] : memref<200x32x64xf32, #tpu.memory_space<vmem_shared>> -> memref<1x32x64xf32, #tpu.memory_space<vmem_shared>>
          %dma_wait3A_621 = tpu.memref_squeeze %dma_wait3A_620 : memref<1x32x64xf32, #tpu.memory_space<vmem_shared>> -> memref<32x64xf32, #tpu.memory_space<vmem_shared>>
          %dma_wait3A_622 = arith.constant 64 : i32
          %dma_wait3A_623 = arith.constant 0 : i32
          %dma_wait3A_624 = tpu.memref_slice %arg9[%dma_wait3A_622, %dma_wait3A_623] : memref<128x64xf32, #tpu.memory_space<vmem>> -> memref<32x64xf32, #tpu.memory_space<vmem>>
          %dma_wait3A_625 = arith.constant 0 : i32
          %dma_wait3A_626 = arith.constant 0 : i32
          %dma_wait3A_627 = tpu.memref_slice %arg8[%add3A_544, %dma_wait3A_625, %dma_wait3A_626] : memref<200x32x64xf32, #tpu.memory_space<vmem_shared>> -> memref<1x32x64xf32, #tpu.memory_space<vmem_shared>>
          %dma_wait3A_628 = tpu.memref_squeeze %dma_wait3A_627 : memref<1x32x64xf32, #tpu.memory_space<vmem_shared>> -> memref<32x64xf32, #tpu.memory_space<vmem_shared>>
          tpu.wait_dma2 semaphore(%arg17 : memref<!tpu.dma_semaphore, #tpu.memory_space<semaphore_mem>>) src(%dma_wait3A_628 : memref<32x64xf32, #tpu.memory_space<vmem_shared>>) dst(%dma_wait3A_624 : memref<32x64xf32, #tpu.memory_space<vmem>>)
          %dma_wait3A_629 = arith.constant 96 : i32
          %dma_wait3A_630 = arith.constant 0 : i32
          %dma_wait3A_631 = tpu.memref_slice %arg9[%dma_wait3A_629, %dma_wait3A_630] : memref<128x64xf32, #tpu.memory_space<vmem>> -> memref<32x64xf32, #tpu.memory_space<vmem>>
          %dma_wait3A_632 = arith.constant 0 : i32
          %dma_wait3A_633 = arith.constant 0 : i32
          %dma_wait3A_634 = tpu.memref_slice %arg8[%add3A_544, %dma_wait3A_632, %dma_wait3A_633] : memref<200x32x64xf32, #tpu.memory_space<vmem_shared>> -> memref<1x32x64xf32, #tpu.memory_space<vmem_shared>>
          %dma_wait3A_635 = tpu.memref_squeeze %dma_wait3A_634 : memref<1x32x64xf32, #tpu.memory_space<vmem_shared>> -> memref<32x64xf32, #tpu.memory_space<vmem_shared>>
          %dma_wait3A_636 = arith.constant 96 : i32
          %dma_wait3A_637 = arith.constant 0 : i32
          %dma_wait3A_638 = tpu.memref_slice %arg9[%dma_wait3A_636, %dma_wait3A_637] : memref<128x64xf32, #tpu.memory_space<vmem>> -> memref<32x64xf32, #tpu.memory_space<vmem>>
          %dma_wait3A_639 = arith.constant 0 : i32
          %dma_wait3A_640 = arith.constant 0 : i32
          %dma_wait3A_641 = tpu.memref_slice %arg8[%add3A_544, %dma_wait3A_639, %dma_wait3A_640] : memref<200x32x64xf32, #tpu.memory_space<vmem_shared>> -> memref<1x32x64xf32, #tpu.memory_space<vmem_shared>>
          %dma_wait3A_642 = tpu.memref_squeeze %dma_wait3A_641 : memref<1x32x64xf32, #tpu.memory_space<vmem_shared>> -> memref<32x64xf32, #tpu.memory_space<vmem_shared>>
          tpu.wait_dma2 semaphore(%arg17 : memref<!tpu.dma_semaphore, #tpu.memory_space<semaphore_mem>>) src(%dma_wait3A_642 : memref<32x64xf32, #tpu.memory_space<vmem_shared>>) dst(%dma_wait3A_638 : memref<32x64xf32, #tpu.memory_space<vmem>>)
          %dma_start3A_643 = arith.constant 0 : i32
          %dma_start3A_644 = tpu.memref_slice %arg6[%add3A_544, %dma_start3A_643] : memref<200x128xi32, #tpu.memory_space<vmem>> -> memref<1x128xi32, #tpu.memory_space<vmem>>
          %dma_start3A_645 = tpu.memref_squeeze %dma_start3A_644 : memref<1x128xi32, #tpu.memory_space<vmem>> -> memref<128xi32, #tpu.memory_space<vmem>>
          %dma_start3A_646 = arith.constant 0 : i32
          %dma_start3A_647 = arith.constant 0 : i32
          %dma_start3A_648 = tpu.memref_slice %arg3[%dma_start3A_646, %dma_start3A_647] : memref<1000000x64xf32, #tpu.memory_space<hbm>> -> memref<1000000x64xf32, #tpu.memory_space<hbm>>
          tpu.enqueue_indirect_dma source(%dma_start3A_648 : memref<1000000x64xf32, #tpu.memory_space<hbm>>) target(%arg9 : memref<128x64xf32, #tpu.memory_space<vmem>>) offsets(%dma_start3A_645 : memref<128xi32, #tpu.memory_space<vmem>>) semaphore(%arg25 : memref<!tpu.dma_semaphore, #tpu.memory_space<semaphore_mem>>) {add = true}
        } else {
        }
        %eq3A_552 = arith.constant 1 : i32
        %eq3A_553 = arith.cmpi eq, %rem3A_546, %eq3A_552 : i32
        %convert_element_type3A_554 = arith.extui %eq3A_553 : i1 to i32
        %cond3A_555 = arith.constant 0 : i32
        %cond3A_556 = arith.cmpi ne, %convert_element_type3A_554, %cond3A_555 : i32
        scf.if %cond3A_556 {
          %dma_wait3A_587 = arith.constant 0 : i32
          %dma_wait3A_588 = arith.constant 0 : i32
          %dma_wait3A_589 = tpu.memref_slice %arg10[%dma_wait3A_587, %dma_wait3A_588] : memref<128x64xf32, #tpu.memory_space<vmem>> -> memref<32x64xf32, #tpu.memory_space<vmem>>
          %dma_wait3A_590 = arith.constant 0 : i32
          %dma_wait3A_591 = arith.constant 0 : i32
          %dma_wait3A_592 = tpu.memref_slice %arg8[%add3A_544, %dma_wait3A_590, %dma_wait3A_591] : memref<200x32x64xf32, #tpu.memory_space<vmem_shared>> -> memref<1x32x64xf32, #tpu.memory_space<vmem_shared>>
          %dma_wait3A_593 = tpu.memref_squeeze %dma_wait3A_592 : memref<1x32x64xf32, #tpu.memory_space<vmem_shared>> -> memref<32x64xf32, #tpu.memory_space<vmem_shared>>
          %dma_wait3A_594 = arith.constant 0 : i32
          %dma_wait3A_595 = arith.constant 0 : i32
          %dma_wait3A_596 = tpu.memref_slice %arg10[%dma_wait3A_594, %dma_wait3A_595] : memref<128x64xf32, #tpu.memory_space<vmem>> -> memref<32x64xf32, #tpu.memory_space<vmem>>
          %dma_wait3A_597 = arith.constant 0 : i32
          %dma_wait3A_598 = arith.constant 0 : i32
          %dma_wait3A_599 = tpu.memref_slice %arg8[%add3A_544, %dma_wait3A_597, %dma_wait3A_598] : memref<200x32x64xf32, #tpu.memory_space<vmem_shared>> -> memref<1x32x64xf32, #tpu.memory_space<vmem_shared>>
          %dma_wait3A_600 = tpu.memref_squeeze %dma_wait3A_599 : memref<1x32x64xf32, #tpu.memory_space<vmem_shared>> -> memref<32x64xf32, #tpu.memory_space<vmem_shared>>
          tpu.wait_dma2 semaphore(%arg18 : memref<!tpu.dma_semaphore, #tpu.memory_space<semaphore_mem>>) src(%dma_wait3A_600 : memref<32x64xf32, #tpu.memory_space<vmem_shared>>) dst(%dma_wait3A_596 : memref<32x64xf32, #tpu.memory_space<vmem>>)
          %dma_wait3A_601 = arith.constant 32 : i32
          %dma_wait3A_602 = arith.constant 0 : i32
          %dma_wait3A_603 = tpu.memref_slice %arg10[%dma_wait3A_601, %dma_wait3A_602] : memref<128x64xf32, #tpu.memory_space<vmem>> -> memref<32x64xf32, #tpu.memory_space<vmem>>
          %dma_wait3A_604 = arith.constant 0 : i32
          %dma_wait3A_605 = arith.constant 0 : i32
          %dma_wait3A_606 = tpu.memref_slice %arg8[%add3A_544, %dma_wait3A_604, %dma_wait3A_605] : memref<200x32x64xf32, #tpu.memory_space<vmem_shared>> -> memref<1x32x64xf32, #tpu.memory_space<vmem_shared>>
          %dma_wait3A_607 = tpu.memref_squeeze %dma_wait3A_606 : memref<1x32x64xf32, #tpu.memory_space<vmem_shared>> -> memref<32x64xf32, #tpu.memory_space<vmem_shared>>
          %dma_wait3A_608 = arith.constant 32 : i32
          %dma_wait3A_609 = arith.constant 0 : i32
          %dma_wait3A_610 = tpu.memref_slice %arg10[%dma_wait3A_608, %dma_wait3A_609] : memref<128x64xf32, #tpu.memory_space<vmem>> -> memref<32x64xf32, #tpu.memory_space<vmem>>
          %dma_wait3A_611 = arith.constant 0 : i32
          %dma_wait3A_612 = arith.constant 0 : i32
          %dma_wait3A_613 = tpu.memref_slice %arg8[%add3A_544, %dma_wait3A_611, %dma_wait3A_612] : memref<200x32x64xf32, #tpu.memory_space<vmem_shared>> -> memref<1x32x64xf32, #tpu.memory_space<vmem_shared>>
          %dma_wait3A_614 = tpu.memref_squeeze %dma_wait3A_613 : memref<1x32x64xf32, #tpu.memory_space<vmem_shared>> -> memref<32x64xf32, #tpu.memory_space<vmem_shared>>
          tpu.wait_dma2 semaphore(%arg18 : memref<!tpu.dma_semaphore, #tpu.memory_space<semaphore_mem>>) src(%dma_wait3A_614 : memref<32x64xf32, #tpu.memory_space<vmem_shared>>) dst(%dma_wait3A_610 : memref<32x64xf32, #tpu.memory_space<vmem>>)
          %dma_wait3A_615 = arith.constant 64 : i32
          %dma_wait3A_616 = arith.constant 0 : i32
          %dma_wait3A_617 = tpu.memref_slice %arg10[%dma_wait3A_615, %dma_wait3A_616] : memref<128x64xf32, #tpu.memory_space<vmem>> -> memref<32x64xf32, #tpu.memory_space<vmem>>
          %dma_wait3A_618 = arith.constant 0 : i32
          %dma_wait3A_619 = arith.constant 0 : i32
          %dma_wait3A_620 = tpu.memref_slice %arg8[%add3A_544, %dma_wait3A_618, %dma_wait3A_619] : memref<200x32x64xf32, #tpu.memory_space<vmem_shared>> -> memref<1x32x64xf32, #tpu.memory_space<vmem_shared>>
          %dma_wait3A_621 = tpu.memref_squeeze %dma_wait3A_620 : memref<1x32x64xf32, #tpu.memory_space<vmem_shared>> -> memref<32x64xf32, #tpu.memory_space<vmem_shared>>
          %dma_wait3A_622 = arith.constant 64 : i32
          %dma_wait3A_623 = arith.constant 0 : i32
          %dma_wait3A_624 = tpu.memref_slice %arg10[%dma_wait3A_622, %dma_wait3A_623] : memref<128x64xf32, #tpu.memory_space<vmem>> -> memref<32x64xf32, #tpu.memory_space<vmem>>
          %dma_wait3A_625 = arith.constant 0 : i32
          %dma_wait3A_626 = arith.constant 0 : i32
          %dma_wait3A_627 = tpu.memref_slice %arg8[%add3A_544, %dma_wait3A_625, %dma_wait3A_626] : memref<200x32x64xf32, #tpu.memory_space<vmem_shared>> -> memref<1x32x64xf32, #tpu.memory_space<vmem_shared>>
          %dma_wait3A_628 = tpu.memref_squeeze %dma_wait3A_627 : memref<1x32x64xf32, #tpu.memory_space<vmem_shared>> -> memref<32x64xf32, #tpu.memory_space<vmem_shared>>
          tpu.wait_dma2 semaphore(%arg18 : memref<!tpu.dma_semaphore, #tpu.memory_space<semaphore_mem>>) src(%dma_wait3A_628 : memref<32x64xf32, #tpu.memory_space<vmem_shared>>) dst(%dma_wait3A_624 : memref<32x64xf32, #tpu.memory_space<vmem>>)
          %dma_wait3A_629 = arith.constant 96 : i32
          %dma_wait3A_630 = arith.constant 0 : i32
          %dma_wait3A_631 = tpu.memref_slice %arg10[%dma_wait3A_629, %dma_wait3A_630] : memref<128x64xf32, #tpu.memory_space<vmem>> -> memref<32x64xf32, #tpu.memory_space<vmem>>
          %dma_wait3A_632 = arith.constant 0 : i32
          %dma_wait3A_633 = arith.constant 0 : i32
          %dma_wait3A_634 = tpu.memref_slice %arg8[%add3A_544, %dma_wait3A_632, %dma_wait3A_633] : memref<200x32x64xf32, #tpu.memory_space<vmem_shared>> -> memref<1x32x64xf32, #tpu.memory_space<vmem_shared>>
          %dma_wait3A_635 = tpu.memref_squeeze %dma_wait3A_634 : memref<1x32x64xf32, #tpu.memory_space<vmem_shared>> -> memref<32x64xf32, #tpu.memory_space<vmem_shared>>
          %dma_wait3A_636 = arith.constant 96 : i32
          %dma_wait3A_637 = arith.constant 0 : i32
          %dma_wait3A_638 = tpu.memref_slice %arg10[%dma_wait3A_636, %dma_wait3A_637] : memref<128x64xf32, #tpu.memory_space<vmem>> -> memref<32x64xf32, #tpu.memory_space<vmem>>
          %dma_wait3A_639 = arith.constant 0 : i32
          %dma_wait3A_640 = arith.constant 0 : i32
          %dma_wait3A_641 = tpu.memref_slice %arg8[%add3A_544, %dma_wait3A_639, %dma_wait3A_640] : memref<200x32x64xf32, #tpu.memory_space<vmem_shared>> -> memref<1x32x64xf32, #tpu.memory_space<vmem_shared>>
          %dma_wait3A_642 = tpu.memref_squeeze %dma_wait3A_641 : memref<1x32x64xf32, #tpu.memory_space<vmem_shared>> -> memref<32x64xf32, #tpu.memory_space<vmem_shared>>
          tpu.wait_dma2 semaphore(%arg18 : memref<!tpu.dma_semaphore, #tpu.memory_space<semaphore_mem>>) src(%dma_wait3A_642 : memref<32x64xf32, #tpu.memory_space<vmem_shared>>) dst(%dma_wait3A_638 : memref<32x64xf32, #tpu.memory_space<vmem>>)
          %dma_start3A_643 = arith.constant 0 : i32
          %dma_start3A_644 = tpu.memref_slice %arg6[%add3A_544, %dma_start3A_643] : memref<200x128xi32, #tpu.memory_space<vmem>> -> memref<1x128xi32, #tpu.memory_space<vmem>>
          %dma_start3A_645 = tpu.memref_squeeze %dma_start3A_644 : memref<1x128xi32, #tpu.memory_space<vmem>> -> memref<128xi32, #tpu.memory_space<vmem>>
          %dma_start3A_646 = arith.constant 0 : i32
          %dma_start3A_647 = arith.constant 0 : i32
          %dma_start3A_648 = tpu.memref_slice %arg3[%dma_start3A_646, %dma_start3A_647] : memref<1000000x64xf32, #tpu.memory_space<hbm>> -> memref<1000000x64xf32, #tpu.memory_space<hbm>>
          tpu.enqueue_indirect_dma source(%dma_start3A_648 : memref<1000000x64xf32, #tpu.memory_space<hbm>>) target(%arg10 : memref<128x64xf32, #tpu.memory_space<vmem>>) offsets(%dma_start3A_645 : memref<128xi32, #tpu.memory_space<vmem>>) semaphore(%arg26 : memref<!tpu.dma_semaphore, #tpu.memory_space<semaphore_mem>>) {add = true}
        } else {
        }
        %eq3A_557 = arith.constant 2 : i32
        %eq3A_558 = arith.cmpi eq, %rem3A_546, %eq3A_557 : i32
        %convert_element_type3A_559 = arith.extui %eq3A_558 : i1 to i32
        %cond3A_560 = arith.constant 0 : i32
        %cond3A_561 = arith.cmpi ne, %convert_element_type3A_559, %cond3A_560 : i32
        scf.if %cond3A_561 {
          %dma_wait3A_587 = arith.constant 0 : i32
          %dma_wait3A_588 = arith.constant 0 : i32
          %dma_wait3A_589 = tpu.memref_slice %arg11[%dma_wait3A_587, %dma_wait3A_588] : memref<128x64xf32, #tpu.memory_space<vmem>> -> memref<32x64xf32, #tpu.memory_space<vmem>>
          %dma_wait3A_590 = arith.constant 0 : i32
          %dma_wait3A_591 = arith.constant 0 : i32
          %dma_wait3A_592 = tpu.memref_slice %arg8[%add3A_544, %dma_wait3A_590, %dma_wait3A_591] : memref<200x32x64xf32, #tpu.memory_space<vmem_shared>> -> memref<1x32x64xf32, #tpu.memory_space<vmem_shared>>
          %dma_wait3A_593 = tpu.memref_squeeze %dma_wait3A_592 : memref<1x32x64xf32, #tpu.memory_space<vmem_shared>> -> memref<32x64xf32, #tpu.memory_space<vmem_shared>>
          %dma_wait3A_594 = arith.constant 0 : i32
          %dma_wait3A_595 = arith.constant 0 : i32
          %dma_wait3A_596 = tpu.memref_slice %arg11[%dma_wait3A_594, %dma_wait3A_595] : memref<128x64xf32, #tpu.memory_space<vmem>> -> memref<32x64xf32, #tpu.memory_space<vmem>>
          %dma_wait3A_597 = arith.constant 0 : i32
          %dma_wait3A_598 = arith.constant 0 : i32
          %dma_wait3A_599 = tpu.memref_slice %arg8[%add3A_544, %dma_wait3A_597, %dma_wait3A_598] : memref<200x32x64xf32, #tpu.memory_space<vmem_shared>> -> memref<1x32x64xf32, #tpu.memory_space<vmem_shared>>
          %dma_wait3A_600 = tpu.memref_squeeze %dma_wait3A_599 : memref<1x32x64xf32, #tpu.memory_space<vmem_shared>> -> memref<32x64xf32, #tpu.memory_space<vmem_shared>>
          tpu.wait_dma2 semaphore(%arg19 : memref<!tpu.dma_semaphore, #tpu.memory_space<semaphore_mem>>) src(%dma_wait3A_600 : memref<32x64xf32, #tpu.memory_space<vmem_shared>>) dst(%dma_wait3A_596 : memref<32x64xf32, #tpu.memory_space<vmem>>)
          %dma_wait3A_601 = arith.constant 32 : i32
          %dma_wait3A_602 = arith.constant 0 : i32
          %dma_wait3A_603 = tpu.memref_slice %arg11[%dma_wait3A_601, %dma_wait3A_602] : memref<128x64xf32, #tpu.memory_space<vmem>> -> memref<32x64xf32, #tpu.memory_space<vmem>>
          %dma_wait3A_604 = arith.constant 0 : i32
          %dma_wait3A_605 = arith.constant 0 : i32
          %dma_wait3A_606 = tpu.memref_slice %arg8[%add3A_544, %dma_wait3A_604, %dma_wait3A_605] : memref<200x32x64xf32, #tpu.memory_space<vmem_shared>> -> memref<1x32x64xf32, #tpu.memory_space<vmem_shared>>
          %dma_wait3A_607 = tpu.memref_squeeze %dma_wait3A_606 : memref<1x32x64xf32, #tpu.memory_space<vmem_shared>> -> memref<32x64xf32, #tpu.memory_space<vmem_shared>>
          %dma_wait3A_608 = arith.constant 32 : i32
          %dma_wait3A_609 = arith.constant 0 : i32
          %dma_wait3A_610 = tpu.memref_slice %arg11[%dma_wait3A_608, %dma_wait3A_609] : memref<128x64xf32, #tpu.memory_space<vmem>> -> memref<32x64xf32, #tpu.memory_space<vmem>>
          %dma_wait3A_611 = arith.constant 0 : i32
          %dma_wait3A_612 = arith.constant 0 : i32
          %dma_wait3A_613 = tpu.memref_slice %arg8[%add3A_544, %dma_wait3A_611, %dma_wait3A_612] : memref<200x32x64xf32, #tpu.memory_space<vmem_shared>> -> memref<1x32x64xf32, #tpu.memory_space<vmem_shared>>
          %dma_wait3A_614 = tpu.memref_squeeze %dma_wait3A_613 : memref<1x32x64xf32, #tpu.memory_space<vmem_shared>> -> memref<32x64xf32, #tpu.memory_space<vmem_shared>>
          tpu.wait_dma2 semaphore(%arg19 : memref<!tpu.dma_semaphore, #tpu.memory_space<semaphore_mem>>) src(%dma_wait3A_614 : memref<32x64xf32, #tpu.memory_space<vmem_shared>>) dst(%dma_wait3A_610 : memref<32x64xf32, #tpu.memory_space<vmem>>)
          %dma_wait3A_615 = arith.constant 64 : i32
          %dma_wait3A_616 = arith.constant 0 : i32
          %dma_wait3A_617 = tpu.memref_slice %arg11[%dma_wait3A_615, %dma_wait3A_616] : memref<128x64xf32, #tpu.memory_space<vmem>> -> memref<32x64xf32, #tpu.memory_space<vmem>>
          %dma_wait3A_618 = arith.constant 0 : i32
          %dma_wait3A_619 = arith.constant 0 : i32
          %dma_wait3A_620 = tpu.memref_slice %arg8[%add3A_544, %dma_wait3A_618, %dma_wait3A_619] : memref<200x32x64xf32, #tpu.memory_space<vmem_shared>> -> memref<1x32x64xf32, #tpu.memory_space<vmem_shared>>
          %dma_wait3A_621 = tpu.memref_squeeze %dma_wait3A_620 : memref<1x32x64xf32, #tpu.memory_space<vmem_shared>> -> memref<32x64xf32, #tpu.memory_space<vmem_shared>>
          %dma_wait3A_622 = arith.constant 64 : i32
          %dma_wait3A_623 = arith.constant 0 : i32
          %dma_wait3A_624 = tpu.memref_slice %arg11[%dma_wait3A_622, %dma_wait3A_623] : memref<128x64xf32, #tpu.memory_space<vmem>> -> memref<32x64xf32, #tpu.memory_space<vmem>>
          %dma_wait3A_625 = arith.constant 0 : i32
          %dma_wait3A_626 = arith.constant 0 : i32
          %dma_wait3A_627 = tpu.memref_slice %arg8[%add3A_544, %dma_wait3A_625, %dma_wait3A_626] : memref<200x32x64xf32, #tpu.memory_space<vmem_shared>> -> memref<1x32x64xf32, #tpu.memory_space<vmem_shared>>
          %dma_wait3A_628 = tpu.memref_squeeze %dma_wait3A_627 : memref<1x32x64xf32, #tpu.memory_space<vmem_shared>> -> memref<32x64xf32, #tpu.memory_space<vmem_shared>>
          tpu.wait_dma2 semaphore(%arg19 : memref<!tpu.dma_semaphore, #tpu.memory_space<semaphore_mem>>) src(%dma_wait3A_628 : memref<32x64xf32, #tpu.memory_space<vmem_shared>>) dst(%dma_wait3A_624 : memref<32x64xf32, #tpu.memory_space<vmem>>)
          %dma_wait3A_629 = arith.constant 96 : i32
          %dma_wait3A_630 = arith.constant 0 : i32
          %dma_wait3A_631 = tpu.memref_slice %arg11[%dma_wait3A_629, %dma_wait3A_630] : memref<128x64xf32, #tpu.memory_space<vmem>> -> memref<32x64xf32, #tpu.memory_space<vmem>>
          %dma_wait3A_632 = arith.constant 0 : i32
          %dma_wait3A_633 = arith.constant 0 : i32
          %dma_wait3A_634 = tpu.memref_slice %arg8[%add3A_544, %dma_wait3A_632, %dma_wait3A_633] : memref<200x32x64xf32, #tpu.memory_space<vmem_shared>> -> memref<1x32x64xf32, #tpu.memory_space<vmem_shared>>
          %dma_wait3A_635 = tpu.memref_squeeze %dma_wait3A_634 : memref<1x32x64xf32, #tpu.memory_space<vmem_shared>> -> memref<32x64xf32, #tpu.memory_space<vmem_shared>>
          %dma_wait3A_636 = arith.constant 96 : i32
          %dma_wait3A_637 = arith.constant 0 : i32
          %dma_wait3A_638 = tpu.memref_slice %arg11[%dma_wait3A_636, %dma_wait3A_637] : memref<128x64xf32, #tpu.memory_space<vmem>> -> memref<32x64xf32, #tpu.memory_space<vmem>>
          %dma_wait3A_639 = arith.constant 0 : i32
          %dma_wait3A_640 = arith.constant 0 : i32
          %dma_wait3A_641 = tpu.memref_slice %arg8[%add3A_544, %dma_wait3A_639, %dma_wait3A_640] : memref<200x32x64xf32, #tpu.memory_space<vmem_shared>> -> memref<1x32x64xf32, #tpu.memory_space<vmem_shared>>
          %dma_wait3A_642 = tpu.memref_squeeze %dma_wait3A_641 : memref<1x32x64xf32, #tpu.memory_space<vmem_shared>> -> memref<32x64xf32, #tpu.memory_space<vmem_shared>>
          tpu.wait_dma2 semaphore(%arg19 : memref<!tpu.dma_semaphore, #tpu.memory_space<semaphore_mem>>) src(%dma_wait3A_642 : memref<32x64xf32, #tpu.memory_space<vmem_shared>>) dst(%dma_wait3A_638 : memref<32x64xf32, #tpu.memory_space<vmem>>)
          %dma_start3A_643 = arith.constant 0 : i32
          %dma_start3A_644 = tpu.memref_slice %arg6[%add3A_544, %dma_start3A_643] : memref<200x128xi32, #tpu.memory_space<vmem>> -> memref<1x128xi32, #tpu.memory_space<vmem>>
          %dma_start3A_645 = tpu.memref_squeeze %dma_start3A_644 : memref<1x128xi32, #tpu.memory_space<vmem>> -> memref<128xi32, #tpu.memory_space<vmem>>
          %dma_start3A_646 = arith.constant 0 : i32
          %dma_start3A_647 = arith.constant 0 : i32
          %dma_start3A_648 = tpu.memref_slice %arg3[%dma_start3A_646, %dma_start3A_647] : memref<1000000x64xf32, #tpu.memory_space<hbm>> -> memref<1000000x64xf32, #tpu.memory_space<hbm>>
          tpu.enqueue_indirect_dma source(%dma_start3A_648 : memref<1000000x64xf32, #tpu.memory_space<hbm>>) target(%arg11 : memref<128x64xf32, #tpu.memory_space<vmem>>) offsets(%dma_start3A_645 : memref<128xi32, #tpu.memory_space<vmem>>) semaphore(%arg27 : memref<!tpu.dma_semaphore, #tpu.memory_space<semaphore_mem>>) {add = true}
        } else {
        }
        %eq3A_562 = arith.constant 3 : i32
        %eq3A_563 = arith.cmpi eq, %rem3A_546, %eq3A_562 : i32
        %convert_element_type3A_564 = arith.extui %eq3A_563 : i1 to i32
        %cond3A_565 = arith.constant 0 : i32
        %cond3A_566 = arith.cmpi ne, %convert_element_type3A_564, %cond3A_565 : i32
        scf.if %cond3A_566 {
          %dma_wait3A_587 = arith.constant 0 : i32
          %dma_wait3A_588 = arith.constant 0 : i32
          %dma_wait3A_589 = tpu.memref_slice %arg12[%dma_wait3A_587, %dma_wait3A_588] : memref<128x64xf32, #tpu.memory_space<vmem>> -> memref<32x64xf32, #tpu.memory_space<vmem>>
          %dma_wait3A_590 = arith.constant 0 : i32
          %dma_wait3A_591 = arith.constant 0 : i32
          %dma_wait3A_592 = tpu.memref_slice %arg8[%add3A_544, %dma_wait3A_590, %dma_wait3A_591] : memref<200x32x64xf32, #tpu.memory_space<vmem_shared>> -> memref<1x32x64xf32, #tpu.memory_space<vmem_shared>>
          %dma_wait3A_593 = tpu.memref_squeeze %dma_wait3A_592 : memref<1x32x64xf32, #tpu.memory_space<vmem_shared>> -> memref<32x64xf32, #tpu.memory_space<vmem_shared>>
          %dma_wait3A_594 = arith.constant 0 : i32
          %dma_wait3A_595 = arith.constant 0 : i32
          %dma_wait3A_596 = tpu.memref_slice %arg12[%dma_wait3A_594, %dma_wait3A_595] : memref<128x64xf32, #tpu.memory_space<vmem>> -> memref<32x64xf32, #tpu.memory_space<vmem>>
          %dma_wait3A_597 = arith.constant 0 : i32
          %dma_wait3A_598 = arith.constant 0 : i32
          %dma_wait3A_599 = tpu.memref_slice %arg8[%add3A_544, %dma_wait3A_597, %dma_wait3A_598] : memref<200x32x64xf32, #tpu.memory_space<vmem_shared>> -> memref<1x32x64xf32, #tpu.memory_space<vmem_shared>>
          %dma_wait3A_600 = tpu.memref_squeeze %dma_wait3A_599 : memref<1x32x64xf32, #tpu.memory_space<vmem_shared>> -> memref<32x64xf32, #tpu.memory_space<vmem_shared>>
          tpu.wait_dma2 semaphore(%arg20 : memref<!tpu.dma_semaphore, #tpu.memory_space<semaphore_mem>>) src(%dma_wait3A_600 : memref<32x64xf32, #tpu.memory_space<vmem_shared>>) dst(%dma_wait3A_596 : memref<32x64xf32, #tpu.memory_space<vmem>>)
          %dma_wait3A_601 = arith.constant 32 : i32
          %dma_wait3A_602 = arith.constant 0 : i32
          %dma_wait3A_603 = tpu.memref_slice %arg12[%dma_wait3A_601, %dma_wait3A_602] : memref<128x64xf32, #tpu.memory_space<vmem>> -> memref<32x64xf32, #tpu.memory_space<vmem>>
          %dma_wait3A_604 = arith.constant 0 : i32
          %dma_wait3A_605 = arith.constant 0 : i32
          %dma_wait3A_606 = tpu.memref_slice %arg8[%add3A_544, %dma_wait3A_604, %dma_wait3A_605] : memref<200x32x64xf32, #tpu.memory_space<vmem_shared>> -> memref<1x32x64xf32, #tpu.memory_space<vmem_shared>>
          %dma_wait3A_607 = tpu.memref_squeeze %dma_wait3A_606 : memref<1x32x64xf32, #tpu.memory_space<vmem_shared>> -> memref<32x64xf32, #tpu.memory_space<vmem_shared>>
          %dma_wait3A_608 = arith.constant 32 : i32
          %dma_wait3A_609 = arith.constant 0 : i32
          %dma_wait3A_610 = tpu.memref_slice %arg12[%dma_wait3A_608, %dma_wait3A_609] : memref<128x64xf32, #tpu.memory_space<vmem>> -> memref<32x64xf32, #tpu.memory_space<vmem>>
          %dma_wait3A_611 = arith.constant 0 : i32
          %dma_wait3A_612 = arith.constant 0 : i32
          %dma_wait3A_613 = tpu.memref_slice %arg8[%add3A_544, %dma_wait3A_611, %dma_wait3A_612] : memref<200x32x64xf32, #tpu.memory_space<vmem_shared>> -> memref<1x32x64xf32, #tpu.memory_space<vmem_shared>>
          %dma_wait3A_614 = tpu.memref_squeeze %dma_wait3A_613 : memref<1x32x64xf32, #tpu.memory_space<vmem_shared>> -> memref<32x64xf32, #tpu.memory_space<vmem_shared>>
          tpu.wait_dma2 semaphore(%arg20 : memref<!tpu.dma_semaphore, #tpu.memory_space<semaphore_mem>>) src(%dma_wait3A_614 : memref<32x64xf32, #tpu.memory_space<vmem_shared>>) dst(%dma_wait3A_610 : memref<32x64xf32, #tpu.memory_space<vmem>>)
          %dma_wait3A_615 = arith.constant 64 : i32
          %dma_wait3A_616 = arith.constant 0 : i32
          %dma_wait3A_617 = tpu.memref_slice %arg12[%dma_wait3A_615, %dma_wait3A_616] : memref<128x64xf32, #tpu.memory_space<vmem>> -> memref<32x64xf32, #tpu.memory_space<vmem>>
          %dma_wait3A_618 = arith.constant 0 : i32
          %dma_wait3A_619 = arith.constant 0 : i32
          %dma_wait3A_620 = tpu.memref_slice %arg8[%add3A_544, %dma_wait3A_618, %dma_wait3A_619] : memref<200x32x64xf32, #tpu.memory_space<vmem_shared>> -> memref<1x32x64xf32, #tpu.memory_space<vmem_shared>>
          %dma_wait3A_621 = tpu.memref_squeeze %dma_wait3A_620 : memref<1x32x64xf32, #tpu.memory_space<vmem_shared>> -> memref<32x64xf32, #tpu.memory_space<vmem_shared>>
          %dma_wait3A_622 = arith.constant 64 : i32
          %dma_wait3A_623 = arith.constant 0 : i32
          %dma_wait3A_624 = tpu.memref_slice %arg12[%dma_wait3A_622, %dma_wait3A_623] : memref<128x64xf32, #tpu.memory_space<vmem>> -> memref<32x64xf32, #tpu.memory_space<vmem>>
          %dma_wait3A_625 = arith.constant 0 : i32
          %dma_wait3A_626 = arith.constant 0 : i32
          %dma_wait3A_627 = tpu.memref_slice %arg8[%add3A_544, %dma_wait3A_625, %dma_wait3A_626] : memref<200x32x64xf32, #tpu.memory_space<vmem_shared>> -> memref<1x32x64xf32, #tpu.memory_space<vmem_shared>>
          %dma_wait3A_628 = tpu.memref_squeeze %dma_wait3A_627 : memref<1x32x64xf32, #tpu.memory_space<vmem_shared>> -> memref<32x64xf32, #tpu.memory_space<vmem_shared>>
          tpu.wait_dma2 semaphore(%arg20 : memref<!tpu.dma_semaphore, #tpu.memory_space<semaphore_mem>>) src(%dma_wait3A_628 : memref<32x64xf32, #tpu.memory_space<vmem_shared>>) dst(%dma_wait3A_624 : memref<32x64xf32, #tpu.memory_space<vmem>>)
          %dma_wait3A_629 = arith.constant 96 : i32
          %dma_wait3A_630 = arith.constant 0 : i32
          %dma_wait3A_631 = tpu.memref_slice %arg12[%dma_wait3A_629, %dma_wait3A_630] : memref<128x64xf32, #tpu.memory_space<vmem>> -> memref<32x64xf32, #tpu.memory_space<vmem>>
          %dma_wait3A_632 = arith.constant 0 : i32
          %dma_wait3A_633 = arith.constant 0 : i32
          %dma_wait3A_634 = tpu.memref_slice %arg8[%add3A_544, %dma_wait3A_632, %dma_wait3A_633] : memref<200x32x64xf32, #tpu.memory_space<vmem_shared>> -> memref<1x32x64xf32, #tpu.memory_space<vmem_shared>>
          %dma_wait3A_635 = tpu.memref_squeeze %dma_wait3A_634 : memref<1x32x64xf32, #tpu.memory_space<vmem_shared>> -> memref<32x64xf32, #tpu.memory_space<vmem_shared>>
          %dma_wait3A_636 = arith.constant 96 : i32
          %dma_wait3A_637 = arith.constant 0 : i32
          %dma_wait3A_638 = tpu.memref_slice %arg12[%dma_wait3A_636, %dma_wait3A_637] : memref<128x64xf32, #tpu.memory_space<vmem>> -> memref<32x64xf32, #tpu.memory_space<vmem>>
          %dma_wait3A_639 = arith.constant 0 : i32
          %dma_wait3A_640 = arith.constant 0 : i32
          %dma_wait3A_641 = tpu.memref_slice %arg8[%add3A_544, %dma_wait3A_639, %dma_wait3A_640] : memref<200x32x64xf32, #tpu.memory_space<vmem_shared>> -> memref<1x32x64xf32, #tpu.memory_space<vmem_shared>>
          %dma_wait3A_642 = tpu.memref_squeeze %dma_wait3A_641 : memref<1x32x64xf32, #tpu.memory_space<vmem_shared>> -> memref<32x64xf32, #tpu.memory_space<vmem_shared>>
          tpu.wait_dma2 semaphore(%arg20 : memref<!tpu.dma_semaphore, #tpu.memory_space<semaphore_mem>>) src(%dma_wait3A_642 : memref<32x64xf32, #tpu.memory_space<vmem_shared>>) dst(%dma_wait3A_638 : memref<32x64xf32, #tpu.memory_space<vmem>>)
          %dma_start3A_643 = arith.constant 0 : i32
          %dma_start3A_644 = tpu.memref_slice %arg6[%add3A_544, %dma_start3A_643] : memref<200x128xi32, #tpu.memory_space<vmem>> -> memref<1x128xi32, #tpu.memory_space<vmem>>
          %dma_start3A_645 = tpu.memref_squeeze %dma_start3A_644 : memref<1x128xi32, #tpu.memory_space<vmem>> -> memref<128xi32, #tpu.memory_space<vmem>>
          %dma_start3A_646 = arith.constant 0 : i32
          %dma_start3A_647 = arith.constant 0 : i32
          %dma_start3A_648 = tpu.memref_slice %arg3[%dma_start3A_646, %dma_start3A_647] : memref<1000000x64xf32, #tpu.memory_space<hbm>> -> memref<1000000x64xf32, #tpu.memory_space<hbm>>
          tpu.enqueue_indirect_dma source(%dma_start3A_648 : memref<1000000x64xf32, #tpu.memory_space<hbm>>) target(%arg12 : memref<128x64xf32, #tpu.memory_space<vmem>>) offsets(%dma_start3A_645 : memref<128xi32, #tpu.memory_space<vmem>>) semaphore(%arg28 : memref<!tpu.dma_semaphore, #tpu.memory_space<semaphore_mem>>) {add = true}
        } else {
        }
        %eq3A_567 = arith.constant 4 : i32
        %eq3A_568 = arith.cmpi eq, %rem3A_546, %eq3A_567 : i32
        %convert_element_type3A_569 = arith.extui %eq3A_568 : i1 to i32
        %cond3A_570 = arith.constant 0 : i32
        %cond3A_571 = arith.cmpi ne, %convert_element_type3A_569, %cond3A_570 : i32
        scf.if %cond3A_571 {
          %dma_wait3A_587 = arith.constant 0 : i32
          %dma_wait3A_588 = arith.constant 0 : i32
          %dma_wait3A_589 = tpu.memref_slice %arg13[%dma_wait3A_587, %dma_wait3A_588] : memref<128x64xf32, #tpu.memory_space<vmem>> -> memref<32x64xf32, #tpu.memory_space<vmem>>
          %dma_wait3A_590 = arith.constant 0 : i32
          %dma_wait3A_591 = arith.constant 0 : i32
          %dma_wait3A_592 = tpu.memref_slice %arg8[%add3A_544, %dma_wait3A_590, %dma_wait3A_591] : memref<200x32x64xf32, #tpu.memory_space<vmem_shared>> -> memref<1x32x64xf32, #tpu.memory_space<vmem_shared>>
          %dma_wait3A_593 = tpu.memref_squeeze %dma_wait3A_592 : memref<1x32x64xf32, #tpu.memory_space<vmem_shared>> -> memref<32x64xf32, #tpu.memory_space<vmem_shared>>
          %dma_wait3A_594 = arith.constant 0 : i32
          %dma_wait3A_595 = arith.constant 0 : i32
          %dma_wait3A_596 = tpu.memref_slice %arg13[%dma_wait3A_594, %dma_wait3A_595] : memref<128x64xf32, #tpu.memory_space<vmem>> -> memref<32x64xf32, #tpu.memory_space<vmem>>
          %dma_wait3A_597 = arith.constant 0 : i32
          %dma_wait3A_598 = arith.constant 0 : i32
          %dma_wait3A_599 = tpu.memref_slice %arg8[%add3A_544, %dma_wait3A_597, %dma_wait3A_598] : memref<200x32x64xf32, #tpu.memory_space<vmem_shared>> -> memref<1x32x64xf32, #tpu.memory_space<vmem_shared>>
          %dma_wait3A_600 = tpu.memref_squeeze %dma_wait3A_599 : memref<1x32x64xf32, #tpu.memory_space<vmem_shared>> -> memref<32x64xf32, #tpu.memory_space<vmem_shared>>
          tpu.wait_dma2 semaphore(%arg21 : memref<!tpu.dma_semaphore, #tpu.memory_space<semaphore_mem>>) src(%dma_wait3A_600 : memref<32x64xf32, #tpu.memory_space<vmem_shared>>) dst(%dma_wait3A_596 : memref<32x64xf32, #tpu.memory_space<vmem>>)
          %dma_wait3A_601 = arith.constant 32 : i32
          %dma_wait3A_602 = arith.constant 0 : i32
          %dma_wait3A_603 = tpu.memref_slice %arg13[%dma_wait3A_601, %dma_wait3A_602] : memref<128x64xf32, #tpu.memory_space<vmem>> -> memref<32x64xf32, #tpu.memory_space<vmem>>
          %dma_wait3A_604 = arith.constant 0 : i32
          %dma_wait3A_605 = arith.constant 0 : i32
          %dma_wait3A_606 = tpu.memref_slice %arg8[%add3A_544, %dma_wait3A_604, %dma_wait3A_605] : memref<200x32x64xf32, #tpu.memory_space<vmem_shared>> -> memref<1x32x64xf32, #tpu.memory_space<vmem_shared>>
          %dma_wait3A_607 = tpu.memref_squeeze %dma_wait3A_606 : memref<1x32x64xf32, #tpu.memory_space<vmem_shared>> -> memref<32x64xf32, #tpu.memory_space<vmem_shared>>
          %dma_wait3A_608 = arith.constant 32 : i32
          %dma_wait3A_609 = arith.constant 0 : i32
          %dma_wait3A_610 = tpu.memref_slice %arg13[%dma_wait3A_608, %dma_wait3A_609] : memref<128x64xf32, #tpu.memory_space<vmem>> -> memref<32x64xf32, #tpu.memory_space<vmem>>
          %dma_wait3A_611 = arith.constant 0 : i32
          %dma_wait3A_612 = arith.constant 0 : i32
          %dma_wait3A_613 = tpu.memref_slice %arg8[%add3A_544, %dma_wait3A_611, %dma_wait3A_612] : memref<200x32x64xf32, #tpu.memory_space<vmem_shared>> -> memref<1x32x64xf32, #tpu.memory_space<vmem_shared>>
          %dma_wait3A_614 = tpu.memref_squeeze %dma_wait3A_613 : memref<1x32x64xf32, #tpu.memory_space<vmem_shared>> -> memref<32x64xf32, #tpu.memory_space<vmem_shared>>
          tpu.wait_dma2 semaphore(%arg21 : memref<!tpu.dma_semaphore, #tpu.memory_space<semaphore_mem>>) src(%dma_wait3A_614 : memref<32x64xf32, #tpu.memory_space<vmem_shared>>) dst(%dma_wait3A_610 : memref<32x64xf32, #tpu.memory_space<vmem>>)
          %dma_wait3A_615 = arith.constant 64 : i32
          %dma_wait3A_616 = arith.constant 0 : i32
          %dma_wait3A_617 = tpu.memref_slice %arg13[%dma_wait3A_615, %dma_wait3A_616] : memref<128x64xf32, #tpu.memory_space<vmem>> -> memref<32x64xf32, #tpu.memory_space<vmem>>
          %dma_wait3A_618 = arith.constant 0 : i32
          %dma_wait3A_619 = arith.constant 0 : i32
          %dma_wait3A_620 = tpu.memref_slice %arg8[%add3A_544, %dma_wait3A_618, %dma_wait3A_619] : memref<200x32x64xf32, #tpu.memory_space<vmem_shared>> -> memref<1x32x64xf32, #tpu.memory_space<vmem_shared>>
          %dma_wait3A_621 = tpu.memref_squeeze %dma_wait3A_620 : memref<1x32x64xf32, #tpu.memory_space<vmem_shared>> -> memref<32x64xf32, #tpu.memory_space<vmem_shared>>
          %dma_wait3A_622 = arith.constant 64 : i32
          %dma_wait3A_623 = arith.constant 0 : i32
          %dma_wait3A_624 = tpu.memref_slice %arg13[%dma_wait3A_622, %dma_wait3A_623] : memref<128x64xf32, #tpu.memory_space<vmem>> -> memref<32x64xf32, #tpu.memory_space<vmem>>
          %dma_wait3A_625 = arith.constant 0 : i32
          %dma_wait3A_626 = arith.constant 0 : i32
          %dma_wait3A_627 = tpu.memref_slice %arg8[%add3A_544, %dma_wait3A_625, %dma_wait3A_626] : memref<200x32x64xf32, #tpu.memory_space<vmem_shared>> -> memref<1x32x64xf32, #tpu.memory_space<vmem_shared>>
          %dma_wait3A_628 = tpu.memref_squeeze %dma_wait3A_627 : memref<1x32x64xf32, #tpu.memory_space<vmem_shared>> -> memref<32x64xf32, #tpu.memory_space<vmem_shared>>
          tpu.wait_dma2 semaphore(%arg21 : memref<!tpu.dma_semaphore, #tpu.memory_space<semaphore_mem>>) src(%dma_wait3A_628 : memref<32x64xf32, #tpu.memory_space<vmem_shared>>) dst(%dma_wait3A_624 : memref<32x64xf32, #tpu.memory_space<vmem>>)
          %dma_wait3A_629 = arith.constant 96 : i32
          %dma_wait3A_630 = arith.constant 0 : i32
          %dma_wait3A_631 = tpu.memref_slice %arg13[%dma_wait3A_629, %dma_wait3A_630] : memref<128x64xf32, #tpu.memory_space<vmem>> -> memref<32x64xf32, #tpu.memory_space<vmem>>
          %dma_wait3A_632 = arith.constant 0 : i32
          %dma_wait3A_633 = arith.constant 0 : i32
          %dma_wait3A_634 = tpu.memref_slice %arg8[%add3A_544, %dma_wait3A_632, %dma_wait3A_633] : memref<200x32x64xf32, #tpu.memory_space<vmem_shared>> -> memref<1x32x64xf32, #tpu.memory_space<vmem_shared>>
          %dma_wait3A_635 = tpu.memref_squeeze %dma_wait3A_634 : memref<1x32x64xf32, #tpu.memory_space<vmem_shared>> -> memref<32x64xf32, #tpu.memory_space<vmem_shared>>
          %dma_wait3A_636 = arith.constant 96 : i32
          %dma_wait3A_637 = arith.constant 0 : i32
          %dma_wait3A_638 = tpu.memref_slice %arg13[%dma_wait3A_636, %dma_wait3A_637] : memref<128x64xf32, #tpu.memory_space<vmem>> -> memref<32x64xf32, #tpu.memory_space<vmem>>
          %dma_wait3A_639 = arith.constant 0 : i32
          %dma_wait3A_640 = arith.constant 0 : i32
          %dma_wait3A_641 = tpu.memref_slice %arg8[%add3A_544, %dma_wait3A_639, %dma_wait3A_640] : memref<200x32x64xf32, #tpu.memory_space<vmem_shared>> -> memref<1x32x64xf32, #tpu.memory_space<vmem_shared>>
          %dma_wait3A_642 = tpu.memref_squeeze %dma_wait3A_641 : memref<1x32x64xf32, #tpu.memory_space<vmem_shared>> -> memref<32x64xf32, #tpu.memory_space<vmem_shared>>
          tpu.wait_dma2 semaphore(%arg21 : memref<!tpu.dma_semaphore, #tpu.memory_space<semaphore_mem>>) src(%dma_wait3A_642 : memref<32x64xf32, #tpu.memory_space<vmem_shared>>) dst(%dma_wait3A_638 : memref<32x64xf32, #tpu.memory_space<vmem>>)
          %dma_start3A_643 = arith.constant 0 : i32
          %dma_start3A_644 = tpu.memref_slice %arg6[%add3A_544, %dma_start3A_643] : memref<200x128xi32, #tpu.memory_space<vmem>> -> memref<1x128xi32, #tpu.memory_space<vmem>>
          %dma_start3A_645 = tpu.memref_squeeze %dma_start3A_644 : memref<1x128xi32, #tpu.memory_space<vmem>> -> memref<128xi32, #tpu.memory_space<vmem>>
          %dma_start3A_646 = arith.constant 0 : i32
          %dma_start3A_647 = arith.constant 0 : i32
          %dma_start3A_648 = tpu.memref_slice %arg3[%dma_start3A_646, %dma_start3A_647] : memref<1000000x64xf32, #tpu.memory_space<hbm>> -> memref<1000000x64xf32, #tpu.memory_space<hbm>>
          tpu.enqueue_indirect_dma source(%dma_start3A_648 : memref<1000000x64xf32, #tpu.memory_space<hbm>>) target(%arg13 : memref<128x64xf32, #tpu.memory_space<vmem>>) offsets(%dma_start3A_645 : memref<128xi32, #tpu.memory_space<vmem>>) semaphore(%arg29 : memref<!tpu.dma_semaphore, #tpu.memory_space<semaphore_mem>>) {add = true}
        } else {
        }
        %eq3A_572 = arith.constant 5 : i32
        %eq3A_573 = arith.cmpi eq, %rem3A_546, %eq3A_572 : i32
        %convert_element_type3A_574 = arith.extui %eq3A_573 : i1 to i32
        %cond3A_575 = arith.constant 0 : i32
        %cond3A_576 = arith.cmpi ne, %convert_element_type3A_574, %cond3A_575 : i32
        scf.if %cond3A_576 {
          %dma_wait3A_587 = arith.constant 0 : i32
          %dma_wait3A_588 = arith.constant 0 : i32
          %dma_wait3A_589 = tpu.memref_slice %arg14[%dma_wait3A_587, %dma_wait3A_588] : memref<128x64xf32, #tpu.memory_space<vmem>> -> memref<32x64xf32, #tpu.memory_space<vmem>>
          %dma_wait3A_590 = arith.constant 0 : i32
          %dma_wait3A_591 = arith.constant 0 : i32
          %dma_wait3A_592 = tpu.memref_slice %arg8[%add3A_544, %dma_wait3A_590, %dma_wait3A_591] : memref<200x32x64xf32, #tpu.memory_space<vmem_shared>> -> memref<1x32x64xf32, #tpu.memory_space<vmem_shared>>
          %dma_wait3A_593 = tpu.memref_squeeze %dma_wait3A_592 : memref<1x32x64xf32, #tpu.memory_space<vmem_shared>> -> memref<32x64xf32, #tpu.memory_space<vmem_shared>>
          %dma_wait3A_594 = arith.constant 0 : i32
          %dma_wait3A_595 = arith.constant 0 : i32
          %dma_wait3A_596 = tpu.memref_slice %arg14[%dma_wait3A_594, %dma_wait3A_595] : memref<128x64xf32, #tpu.memory_space<vmem>> -> memref<32x64xf32, #tpu.memory_space<vmem>>
          %dma_wait3A_597 = arith.constant 0 : i32
          %dma_wait3A_598 = arith.constant 0 : i32
          %dma_wait3A_599 = tpu.memref_slice %arg8[%add3A_544, %dma_wait3A_597, %dma_wait3A_598] : memref<200x32x64xf32, #tpu.memory_space<vmem_shared>> -> memref<1x32x64xf32, #tpu.memory_space<vmem_shared>>
          %dma_wait3A_600 = tpu.memref_squeeze %dma_wait3A_599 : memref<1x32x64xf32, #tpu.memory_space<vmem_shared>> -> memref<32x64xf32, #tpu.memory_space<vmem_shared>>
          tpu.wait_dma2 semaphore(%arg22 : memref<!tpu.dma_semaphore, #tpu.memory_space<semaphore_mem>>) src(%dma_wait3A_600 : memref<32x64xf32, #tpu.memory_space<vmem_shared>>) dst(%dma_wait3A_596 : memref<32x64xf32, #tpu.memory_space<vmem>>)
          %dma_wait3A_601 = arith.constant 32 : i32
          %dma_wait3A_602 = arith.constant 0 : i32
          %dma_wait3A_603 = tpu.memref_slice %arg14[%dma_wait3A_601, %dma_wait3A_602] : memref<128x64xf32, #tpu.memory_space<vmem>> -> memref<32x64xf32, #tpu.memory_space<vmem>>
          %dma_wait3A_604 = arith.constant 0 : i32
          %dma_wait3A_605 = arith.constant 0 : i32
          %dma_wait3A_606 = tpu.memref_slice %arg8[%add3A_544, %dma_wait3A_604, %dma_wait3A_605] : memref<200x32x64xf32, #tpu.memory_space<vmem_shared>> -> memref<1x32x64xf32, #tpu.memory_space<vmem_shared>>
          %dma_wait3A_607 = tpu.memref_squeeze %dma_wait3A_606 : memref<1x32x64xf32, #tpu.memory_space<vmem_shared>> -> memref<32x64xf32, #tpu.memory_space<vmem_shared>>
          %dma_wait3A_608 = arith.constant 32 : i32
          %dma_wait3A_609 = arith.constant 0 : i32
          %dma_wait3A_610 = tpu.memref_slice %arg14[%dma_wait3A_608, %dma_wait3A_609] : memref<128x64xf32, #tpu.memory_space<vmem>> -> memref<32x64xf32, #tpu.memory_space<vmem>>
          %dma_wait3A_611 = arith.constant 0 : i32
          %dma_wait3A_612 = arith.constant 0 : i32
          %dma_wait3A_613 = tpu.memref_slice %arg8[%add3A_544, %dma_wait3A_611, %dma_wait3A_612] : memref<200x32x64xf32, #tpu.memory_space<vmem_shared>> -> memref<1x32x64xf32, #tpu.memory_space<vmem_shared>>
          %dma_wait3A_614 = tpu.memref_squeeze %dma_wait3A_613 : memref<1x32x64xf32, #tpu.memory_space<vmem_shared>> -> memref<32x64xf32, #tpu.memory_space<vmem_shared>>
          tpu.wait_dma2 semaphore(%arg22 : memref<!tpu.dma_semaphore, #tpu.memory_space<semaphore_mem>>) src(%dma_wait3A_614 : memref<32x64xf32, #tpu.memory_space<vmem_shared>>) dst(%dma_wait3A_610 : memref<32x64xf32, #tpu.memory_space<vmem>>)
          %dma_wait3A_615 = arith.constant 64 : i32
          %dma_wait3A_616 = arith.constant 0 : i32
          %dma_wait3A_617 = tpu.memref_slice %arg14[%dma_wait3A_615, %dma_wait3A_616] : memref<128x64xf32, #tpu.memory_space<vmem>> -> memref<32x64xf32, #tpu.memory_space<vmem>>
          %dma_wait3A_618 = arith.constant 0 : i32
          %dma_wait3A_619 = arith.constant 0 : i32
          %dma_wait3A_620 = tpu.memref_slice %arg8[%add3A_544, %dma_wait3A_618, %dma_wait3A_619] : memref<200x32x64xf32, #tpu.memory_space<vmem_shared>> -> memref<1x32x64xf32, #tpu.memory_space<vmem_shared>>
          %dma_wait3A_621 = tpu.memref_squeeze %dma_wait3A_620 : memref<1x32x64xf32, #tpu.memory_space<vmem_shared>> -> memref<32x64xf32, #tpu.memory_space<vmem_shared>>
          %dma_wait3A_622 = arith.constant 64 : i32
          %dma_wait3A_623 = arith.constant 0 : i32
          %dma_wait3A_624 = tpu.memref_slice %arg14[%dma_wait3A_622, %dma_wait3A_623] : memref<128x64xf32, #tpu.memory_space<vmem>> -> memref<32x64xf32, #tpu.memory_space<vmem>>
          %dma_wait3A_625 = arith.constant 0 : i32
          %dma_wait3A_626 = arith.constant 0 : i32
          %dma_wait3A_627 = tpu.memref_slice %arg8[%add3A_544, %dma_wait3A_625, %dma_wait3A_626] : memref<200x32x64xf32, #tpu.memory_space<vmem_shared>> -> memref<1x32x64xf32, #tpu.memory_space<vmem_shared>>
          %dma_wait3A_628 = tpu.memref_squeeze %dma_wait3A_627 : memref<1x32x64xf32, #tpu.memory_space<vmem_shared>> -> memref<32x64xf32, #tpu.memory_space<vmem_shared>>
          tpu.wait_dma2 semaphore(%arg22 : memref<!tpu.dma_semaphore, #tpu.memory_space<semaphore_mem>>) src(%dma_wait3A_628 : memref<32x64xf32, #tpu.memory_space<vmem_shared>>) dst(%dma_wait3A_624 : memref<32x64xf32, #tpu.memory_space<vmem>>)
          %dma_wait3A_629 = arith.constant 96 : i32
          %dma_wait3A_630 = arith.constant 0 : i32
          %dma_wait3A_631 = tpu.memref_slice %arg14[%dma_wait3A_629, %dma_wait3A_630] : memref<128x64xf32, #tpu.memory_space<vmem>> -> memref<32x64xf32, #tpu.memory_space<vmem>>
          %dma_wait3A_632 = arith.constant 0 : i32
          %dma_wait3A_633 = arith.constant 0 : i32
          %dma_wait3A_634 = tpu.memref_slice %arg8[%add3A_544, %dma_wait3A_632, %dma_wait3A_633] : memref<200x32x64xf32, #tpu.memory_space<vmem_shared>> -> memref<1x32x64xf32, #tpu.memory_space<vmem_shared>>
          %dma_wait3A_635 = tpu.memref_squeeze %dma_wait3A_634 : memref<1x32x64xf32, #tpu.memory_space<vmem_shared>> -> memref<32x64xf32, #tpu.memory_space<vmem_shared>>
          %dma_wait3A_636 = arith.constant 96 : i32
          %dma_wait3A_637 = arith.constant 0 : i32
          %dma_wait3A_638 = tpu.memref_slice %arg14[%dma_wait3A_636, %dma_wait3A_637] : memref<128x64xf32, #tpu.memory_space<vmem>> -> memref<32x64xf32, #tpu.memory_space<vmem>>
          %dma_wait3A_639 = arith.constant 0 : i32
          %dma_wait3A_640 = arith.constant 0 : i32
          %dma_wait3A_641 = tpu.memref_slice %arg8[%add3A_544, %dma_wait3A_639, %dma_wait3A_640] : memref<200x32x64xf32, #tpu.memory_space<vmem_shared>> -> memref<1x32x64xf32, #tpu.memory_space<vmem_shared>>
          %dma_wait3A_642 = tpu.memref_squeeze %dma_wait3A_641 : memref<1x32x64xf32, #tpu.memory_space<vmem_shared>> -> memref<32x64xf32, #tpu.memory_space<vmem_shared>>
          tpu.wait_dma2 semaphore(%arg22 : memref<!tpu.dma_semaphore, #tpu.memory_space<semaphore_mem>>) src(%dma_wait3A_642 : memref<32x64xf32, #tpu.memory_space<vmem_shared>>) dst(%dma_wait3A_638 : memref<32x64xf32, #tpu.memory_space<vmem>>)
          %dma_start3A_643 = arith.constant 0 : i32
          %dma_start3A_644 = tpu.memref_slice %arg6[%add3A_544, %dma_start3A_643] : memref<200x128xi32, #tpu.memory_space<vmem>> -> memref<1x128xi32, #tpu.memory_space<vmem>>
          %dma_start3A_645 = tpu.memref_squeeze %dma_start3A_644 : memref<1x128xi32, #tpu.memory_space<vmem>> -> memref<128xi32, #tpu.memory_space<vmem>>
          %dma_start3A_646 = arith.constant 0 : i32
          %dma_start3A_647 = arith.constant 0 : i32
          %dma_start3A_648 = tpu.memref_slice %arg3[%dma_start3A_646, %dma_start3A_647] : memref<1000000x64xf32, #tpu.memory_space<hbm>> -> memref<1000000x64xf32, #tpu.memory_space<hbm>>
          tpu.enqueue_indirect_dma source(%dma_start3A_648 : memref<1000000x64xf32, #tpu.memory_space<hbm>>) target(%arg14 : memref<128x64xf32, #tpu.memory_space<vmem>>) offsets(%dma_start3A_645 : memref<128xi32, #tpu.memory_space<vmem>>) semaphore(%arg30 : memref<!tpu.dma_semaphore, #tpu.memory_space<semaphore_mem>>) {add = true}
        } else {
        }
        %eq3A_577 = arith.constant 6 : i32
        %eq3A_578 = arith.cmpi eq, %rem3A_546, %eq3A_577 : i32
        %convert_element_type3A_579 = arith.extui %eq3A_578 : i1 to i32
        %cond3A_580 = arith.constant 0 : i32
        %cond3A_581 = arith.cmpi ne, %convert_element_type3A_579, %cond3A_580 : i32
        scf.if %cond3A_581 {
          %dma_wait3A_587 = arith.constant 0 : i32
          %dma_wait3A_588 = arith.constant 0 : i32
          %dma_wait3A_589 = tpu.memref_slice %arg15[%dma_wait3A_587, %dma_wait3A_588] : memref<128x64xf32, #tpu.memory_space<vmem>> -> memref<32x64xf32, #tpu.memory_space<vmem>>
          %dma_wait3A_590 = arith.constant 0 : i32
          %dma_wait3A_591 = arith.constant 0 : i32
          %dma_wait3A_592 = tpu.memref_slice %arg8[%add3A_544, %dma_wait3A_590, %dma_wait3A_591] : memref<200x32x64xf32, #tpu.memory_space<vmem_shared>> -> memref<1x32x64xf32, #tpu.memory_space<vmem_shared>>
          %dma_wait3A_593 = tpu.memref_squeeze %dma_wait3A_592 : memref<1x32x64xf32, #tpu.memory_space<vmem_shared>> -> memref<32x64xf32, #tpu.memory_space<vmem_shared>>
          %dma_wait3A_594 = arith.constant 0 : i32
          %dma_wait3A_595 = arith.constant 0 : i32
          %dma_wait3A_596 = tpu.memref_slice %arg15[%dma_wait3A_594, %dma_wait3A_595] : memref<128x64xf32, #tpu.memory_space<vmem>> -> memref<32x64xf32, #tpu.memory_space<vmem>>
          %dma_wait3A_597 = arith.constant 0 : i32
          %dma_wait3A_598 = arith.constant 0 : i32
          %dma_wait3A_599 = tpu.memref_slice %arg8[%add3A_544, %dma_wait3A_597, %dma_wait3A_598] : memref<200x32x64xf32, #tpu.memory_space<vmem_shared>> -> memref<1x32x64xf32, #tpu.memory_space<vmem_shared>>
          %dma_wait3A_600 = tpu.memref_squeeze %dma_wait3A_599 : memref<1x32x64xf32, #tpu.memory_space<vmem_shared>> -> memref<32x64xf32, #tpu.memory_space<vmem_shared>>
          tpu.wait_dma2 semaphore(%arg23 : memref<!tpu.dma_semaphore, #tpu.memory_space<semaphore_mem>>) src(%dma_wait3A_600 : memref<32x64xf32, #tpu.memory_space<vmem_shared>>) dst(%dma_wait3A_596 : memref<32x64xf32, #tpu.memory_space<vmem>>)
          %dma_wait3A_601 = arith.constant 32 : i32
          %dma_wait3A_602 = arith.constant 0 : i32
          %dma_wait3A_603 = tpu.memref_slice %arg15[%dma_wait3A_601, %dma_wait3A_602] : memref<128x64xf32, #tpu.memory_space<vmem>> -> memref<32x64xf32, #tpu.memory_space<vmem>>
          %dma_wait3A_604 = arith.constant 0 : i32
          %dma_wait3A_605 = arith.constant 0 : i32
          %dma_wait3A_606 = tpu.memref_slice %arg8[%add3A_544, %dma_wait3A_604, %dma_wait3A_605] : memref<200x32x64xf32, #tpu.memory_space<vmem_shared>> -> memref<1x32x64xf32, #tpu.memory_space<vmem_shared>>
          %dma_wait3A_607 = tpu.memref_squeeze %dma_wait3A_606 : memref<1x32x64xf32, #tpu.memory_space<vmem_shared>> -> memref<32x64xf32, #tpu.memory_space<vmem_shared>>
          %dma_wait3A_608 = arith.constant 32 : i32
          %dma_wait3A_609 = arith.constant 0 : i32
          %dma_wait3A_610 = tpu.memref_slice %arg15[%dma_wait3A_608, %dma_wait3A_609] : memref<128x64xf32, #tpu.memory_space<vmem>> -> memref<32x64xf32, #tpu.memory_space<vmem>>
          %dma_wait3A_611 = arith.constant 0 : i32
          %dma_wait3A_612 = arith.constant 0 : i32
          %dma_wait3A_613 = tpu.memref_slice %arg8[%add3A_544, %dma_wait3A_611, %dma_wait3A_612] : memref<200x32x64xf32, #tpu.memory_space<vmem_shared>> -> memref<1x32x64xf32, #tpu.memory_space<vmem_shared>>
          %dma_wait3A_614 = tpu.memref_squeeze %dma_wait3A_613 : memref<1x32x64xf32, #tpu.memory_space<vmem_shared>> -> memref<32x64xf32, #tpu.memory_space<vmem_shared>>
          tpu.wait_dma2 semaphore(%arg23 : memref<!tpu.dma_semaphore, #tpu.memory_space<semaphore_mem>>) src(%dma_wait3A_614 : memref<32x64xf32, #tpu.memory_space<vmem_shared>>) dst(%dma_wait3A_610 : memref<32x64xf32, #tpu.memory_space<vmem>>)
          %dma_wait3A_615 = arith.constant 64 : i32
          %dma_wait3A_616 = arith.constant 0 : i32
          %dma_wait3A_617 = tpu.memref_slice %arg15[%dma_wait3A_615, %dma_wait3A_616] : memref<128x64xf32, #tpu.memory_space<vmem>> -> memref<32x64xf32, #tpu.memory_space<vmem>>
          %dma_wait3A_618 = arith.constant 0 : i32
          %dma_wait3A_619 = arith.constant 0 : i32
          %dma_wait3A_620 = tpu.memref_slice %arg8[%add3A_544, %dma_wait3A_618, %dma_wait3A_619] : memref<200x32x64xf32, #tpu.memory_space<vmem_shared>> -> memref<1x32x64xf32, #tpu.memory_space<vmem_shared>>
          %dma_wait3A_621 = tpu.memref_squeeze %dma_wait3A_620 : memref<1x32x64xf32, #tpu.memory_space<vmem_shared>> -> memref<32x64xf32, #tpu.memory_space<vmem_shared>>
          %dma_wait3A_622 = arith.constant 64 : i32
          %dma_wait3A_623 = arith.constant 0 : i32
          %dma_wait3A_624 = tpu.memref_slice %arg15[%dma_wait3A_622, %dma_wait3A_623] : memref<128x64xf32, #tpu.memory_space<vmem>> -> memref<32x64xf32, #tpu.memory_space<vmem>>
          %dma_wait3A_625 = arith.constant 0 : i32
          %dma_wait3A_626 = arith.constant 0 : i32
          %dma_wait3A_627 = tpu.memref_slice %arg8[%add3A_544, %dma_wait3A_625, %dma_wait3A_626] : memref<200x32x64xf32, #tpu.memory_space<vmem_shared>> -> memref<1x32x64xf32, #tpu.memory_space<vmem_shared>>
          %dma_wait3A_628 = tpu.memref_squeeze %dma_wait3A_627 : memref<1x32x64xf32, #tpu.memory_space<vmem_shared>> -> memref<32x64xf32, #tpu.memory_space<vmem_shared>>
          tpu.wait_dma2 semaphore(%arg23 : memref<!tpu.dma_semaphore, #tpu.memory_space<semaphore_mem>>) src(%dma_wait3A_628 : memref<32x64xf32, #tpu.memory_space<vmem_shared>>) dst(%dma_wait3A_624 : memref<32x64xf32, #tpu.memory_space<vmem>>)
          %dma_wait3A_629 = arith.constant 96 : i32
          %dma_wait3A_630 = arith.constant 0 : i32
          %dma_wait3A_631 = tpu.memref_slice %arg15[%dma_wait3A_629, %dma_wait3A_630] : memref<128x64xf32, #tpu.memory_space<vmem>> -> memref<32x64xf32, #tpu.memory_space<vmem>>
          %dma_wait3A_632 = arith.constant 0 : i32
          %dma_wait3A_633 = arith.constant 0 : i32
          %dma_wait3A_634 = tpu.memref_slice %arg8[%add3A_544, %dma_wait3A_632, %dma_wait3A_633] : memref<200x32x64xf32, #tpu.memory_space<vmem_shared>> -> memref<1x32x64xf32, #tpu.memory_space<vmem_shared>>
          %dma_wait3A_635 = tpu.memref_squeeze %dma_wait3A_634 : memref<1x32x64xf32, #tpu.memory_space<vmem_shared>> -> memref<32x64xf32, #tpu.memory_space<vmem_shared>>
          %dma_wait3A_636 = arith.constant 96 : i32
          %dma_wait3A_637 = arith.constant 0 : i32
          %dma_wait3A_638 = tpu.memref_slice %arg15[%dma_wait3A_636, %dma_wait3A_637] : memref<128x64xf32, #tpu.memory_space<vmem>> -> memref<32x64xf32, #tpu.memory_space<vmem>>
          %dma_wait3A_639 = arith.constant 0 : i32
          %dma_wait3A_640 = arith.constant 0 : i32
          %dma_wait3A_641 = tpu.memref_slice %arg8[%add3A_544, %dma_wait3A_639, %dma_wait3A_640] : memref<200x32x64xf32, #tpu.memory_space<vmem_shared>> -> memref<1x32x64xf32, #tpu.memory_space<vmem_shared>>
          %dma_wait3A_642 = tpu.memref_squeeze %dma_wait3A_641 : memref<1x32x64xf32, #tpu.memory_space<vmem_shared>> -> memref<32x64xf32, #tpu.memory_space<vmem_shared>>
          tpu.wait_dma2 semaphore(%arg23 : memref<!tpu.dma_semaphore, #tpu.memory_space<semaphore_mem>>) src(%dma_wait3A_642 : memref<32x64xf32, #tpu.memory_space<vmem_shared>>) dst(%dma_wait3A_638 : memref<32x64xf32, #tpu.memory_space<vmem>>)
          %dma_start3A_643 = arith.constant 0 : i32
          %dma_start3A_644 = tpu.memref_slice %arg6[%add3A_544, %dma_start3A_643] : memref<200x128xi32, #tpu.memory_space<vmem>> -> memref<1x128xi32, #tpu.memory_space<vmem>>
          %dma_start3A_645 = tpu.memref_squeeze %dma_start3A_644 : memref<1x128xi32, #tpu.memory_space<vmem>> -> memref<128xi32, #tpu.memory_space<vmem>>
          %dma_start3A_646 = arith.constant 0 : i32
          %dma_start3A_647 = arith.constant 0 : i32
          %dma_start3A_648 = tpu.memref_slice %arg3[%dma_start3A_646, %dma_start3A_647] : memref<1000000x64xf32, #tpu.memory_space<hbm>> -> memref<1000000x64xf32, #tpu.memory_space<hbm>>
          tpu.enqueue_indirect_dma source(%dma_start3A_648 : memref<1000000x64xf32, #tpu.memory_space<hbm>>) target(%arg15 : memref<128x64xf32, #tpu.memory_space<vmem>>) offsets(%dma_start3A_645 : memref<128xi32, #tpu.memory_space<vmem>>) semaphore(%arg31 : memref<!tpu.dma_semaphore, #tpu.memory_space<semaphore_mem>>) {add = true}
        } else {
        }
        %eq3A_582 = arith.constant 7 : i32
        %eq3A_583 = arith.cmpi eq, %rem3A_546, %eq3A_582 : i32
        %convert_element_type3A_584 = arith.extui %eq3A_583 : i1 to i32
        %cond3A_585 = arith.constant 0 : i32
        %cond3A_586 = arith.cmpi ne, %convert_element_type3A_584, %cond3A_585 : i32
        scf.if %cond3A_586 {
          %dma_wait3A_587 = arith.constant 0 : i32
          %dma_wait3A_588 = arith.constant 0 : i32
          %dma_wait3A_589 = tpu.memref_slice %arg16[%dma_wait3A_587, %dma_wait3A_588] : memref<128x64xf32, #tpu.memory_space<vmem>> -> memref<32x64xf32, #tpu.memory_space<vmem>>
          %dma_wait3A_590 = arith.constant 0 : i32
          %dma_wait3A_591 = arith.constant 0 : i32
          %dma_wait3A_592 = tpu.memref_slice %arg8[%add3A_544, %dma_wait3A_590, %dma_wait3A_591] : memref<200x32x64xf32, #tpu.memory_space<vmem_shared>> -> memref<1x32x64xf32, #tpu.memory_space<vmem_shared>>
          %dma_wait3A_593 = tpu.memref_squeeze %dma_wait3A_592 : memref<1x32x64xf32, #tpu.memory_space<vmem_shared>> -> memref<32x64xf32, #tpu.memory_space<vmem_shared>>
          %dma_wait3A_594 = arith.constant 0 : i32
          %dma_wait3A_595 = arith.constant 0 : i32
          %dma_wait3A_596 = tpu.memref_slice %arg16[%dma_wait3A_594, %dma_wait3A_595] : memref<128x64xf32, #tpu.memory_space<vmem>> -> memref<32x64xf32, #tpu.memory_space<vmem>>
          %dma_wait3A_597 = arith.constant 0 : i32
          %dma_wait3A_598 = arith.constant 0 : i32
          %dma_wait3A_599 = tpu.memref_slice %arg8[%add3A_544, %dma_wait3A_597, %dma_wait3A_598] : memref<200x32x64xf32, #tpu.memory_space<vmem_shared>> -> memref<1x32x64xf32, #tpu.memory_space<vmem_shared>>
          %dma_wait3A_600 = tpu.memref_squeeze %dma_wait3A_599 : memref<1x32x64xf32, #tpu.memory_space<vmem_shared>> -> memref<32x64xf32, #tpu.memory_space<vmem_shared>>
          tpu.wait_dma2 semaphore(%arg24 : memref<!tpu.dma_semaphore, #tpu.memory_space<semaphore_mem>>) src(%dma_wait3A_600 : memref<32x64xf32, #tpu.memory_space<vmem_shared>>) dst(%dma_wait3A_596 : memref<32x64xf32, #tpu.memory_space<vmem>>)
          %dma_wait3A_601 = arith.constant 32 : i32
          %dma_wait3A_602 = arith.constant 0 : i32
          %dma_wait3A_603 = tpu.memref_slice %arg16[%dma_wait3A_601, %dma_wait3A_602] : memref<128x64xf32, #tpu.memory_space<vmem>> -> memref<32x64xf32, #tpu.memory_space<vmem>>
          %dma_wait3A_604 = arith.constant 0 : i32
          %dma_wait3A_605 = arith.constant 0 : i32
          %dma_wait3A_606 = tpu.memref_slice %arg8[%add3A_544, %dma_wait3A_604, %dma_wait3A_605] : memref<200x32x64xf32, #tpu.memory_space<vmem_shared>> -> memref<1x32x64xf32, #tpu.memory_space<vmem_shared>>
          %dma_wait3A_607 = tpu.memref_squeeze %dma_wait3A_606 : memref<1x32x64xf32, #tpu.memory_space<vmem_shared>> -> memref<32x64xf32, #tpu.memory_space<vmem_shared>>
          %dma_wait3A_608 = arith.constant 32 : i32
          %dma_wait3A_609 = arith.constant 0 : i32
          %dma_wait3A_610 = tpu.memref_slice %arg16[%dma_wait3A_608, %dma_wait3A_609] : memref<128x64xf32, #tpu.memory_space<vmem>> -> memref<32x64xf32, #tpu.memory_space<vmem>>
          %dma_wait3A_611 = arith.constant 0 : i32
          %dma_wait3A_612 = arith.constant 0 : i32
          %dma_wait3A_613 = tpu.memref_slice %arg8[%add3A_544, %dma_wait3A_611, %dma_wait3A_612] : memref<200x32x64xf32, #tpu.memory_space<vmem_shared>> -> memref<1x32x64xf32, #tpu.memory_space<vmem_shared>>
          %dma_wait3A_614 = tpu.memref_squeeze %dma_wait3A_613 : memref<1x32x64xf32, #tpu.memory_space<vmem_shared>> -> memref<32x64xf32, #tpu.memory_space<vmem_shared>>
          tpu.wait_dma2 semaphore(%arg24 : memref<!tpu.dma_semaphore, #tpu.memory_space<semaphore_mem>>) src(%dma_wait3A_614 : memref<32x64xf32, #tpu.memory_space<vmem_shared>>) dst(%dma_wait3A_610 : memref<32x64xf32, #tpu.memory_space<vmem>>)
          %dma_wait3A_615 = arith.constant 64 : i32
          %dma_wait3A_616 = arith.constant 0 : i32
          %dma_wait3A_617 = tpu.memref_slice %arg16[%dma_wait3A_615, %dma_wait3A_616] : memref<128x64xf32, #tpu.memory_space<vmem>> -> memref<32x64xf32, #tpu.memory_space<vmem>>
          %dma_wait3A_618 = arith.constant 0 : i32
          %dma_wait3A_619 = arith.constant 0 : i32
          %dma_wait3A_620 = tpu.memref_slice %arg8[%add3A_544, %dma_wait3A_618, %dma_wait3A_619] : memref<200x32x64xf32, #tpu.memory_space<vmem_shared>> -> memref<1x32x64xf32, #tpu.memory_space<vmem_shared>>
          %dma_wait3A_621 = tpu.memref_squeeze %dma_wait3A_620 : memref<1x32x64xf32, #tpu.memory_space<vmem_shared>> -> memref<32x64xf32, #tpu.memory_space<vmem_shared>>
          %dma_wait3A_622 = arith.constant 64 : i32
          %dma_wait3A_623 = arith.constant 0 : i32
          %dma_wait3A_624 = tpu.memref_slice %arg16[%dma_wait3A_622, %dma_wait3A_623] : memref<128x64xf32, #tpu.memory_space<vmem>> -> memref<32x64xf32, #tpu.memory_space<vmem>>
          %dma_wait3A_625 = arith.constant 0 : i32
          %dma_wait3A_626 = arith.constant 0 : i32
          %dma_wait3A_627 = tpu.memref_slice %arg8[%add3A_544, %dma_wait3A_625, %dma_wait3A_626] : memref<200x32x64xf32, #tpu.memory_space<vmem_shared>> -> memref<1x32x64xf32, #tpu.memory_space<vmem_shared>>
          %dma_wait3A_628 = tpu.memref_squeeze %dma_wait3A_627 : memref<1x32x64xf32, #tpu.memory_space<vmem_shared>> -> memref<32x64xf32, #tpu.memory_space<vmem_shared>>
          tpu.wait_dma2 semaphore(%arg24 : memref<!tpu.dma_semaphore, #tpu.memory_space<semaphore_mem>>) src(%dma_wait3A_628 : memref<32x64xf32, #tpu.memory_space<vmem_shared>>) dst(%dma_wait3A_624 : memref<32x64xf32, #tpu.memory_space<vmem>>)
          %dma_wait3A_629 = arith.constant 96 : i32
          %dma_wait3A_630 = arith.constant 0 : i32
          %dma_wait3A_631 = tpu.memref_slice %arg16[%dma_wait3A_629, %dma_wait3A_630] : memref<128x64xf32, #tpu.memory_space<vmem>> -> memref<32x64xf32, #tpu.memory_space<vmem>>
          %dma_wait3A_632 = arith.constant 0 : i32
          %dma_wait3A_633 = arith.constant 0 : i32
          %dma_wait3A_634 = tpu.memref_slice %arg8[%add3A_544, %dma_wait3A_632, %dma_wait3A_633] : memref<200x32x64xf32, #tpu.memory_space<vmem_shared>> -> memref<1x32x64xf32, #tpu.memory_space<vmem_shared>>
          %dma_wait3A_635 = tpu.memref_squeeze %dma_wait3A_634 : memref<1x32x64xf32, #tpu.memory_space<vmem_shared>> -> memref<32x64xf32, #tpu.memory_space<vmem_shared>>
          %dma_wait3A_636 = arith.constant 96 : i32
          %dma_wait3A_637 = arith.constant 0 : i32
          %dma_wait3A_638 = tpu.memref_slice %arg16[%dma_wait3A_636, %dma_wait3A_637] : memref<128x64xf32, #tpu.memory_space<vmem>> -> memref<32x64xf32, #tpu.memory_space<vmem>>
          %dma_wait3A_639 = arith.constant 0 : i32
          %dma_wait3A_640 = arith.constant 0 : i32
          %dma_wait3A_641 = tpu.memref_slice %arg8[%add3A_544, %dma_wait3A_639, %dma_wait3A_640] : memref<200x32x64xf32, #tpu.memory_space<vmem_shared>> -> memref<1x32x64xf32, #tpu.memory_space<vmem_shared>>
          %dma_wait3A_642 = tpu.memref_squeeze %dma_wait3A_641 : memref<1x32x64xf32, #tpu.memory_space<vmem_shared>> -> memref<32x64xf32, #tpu.memory_space<vmem_shared>>
          tpu.wait_dma2 semaphore(%arg24 : memref<!tpu.dma_semaphore, #tpu.memory_space<semaphore_mem>>) src(%dma_wait3A_642 : memref<32x64xf32, #tpu.memory_space<vmem_shared>>) dst(%dma_wait3A_638 : memref<32x64xf32, #tpu.memory_space<vmem>>)
          %dma_start3A_643 = arith.constant 0 : i32
          %dma_start3A_644 = tpu.memref_slice %arg6[%add3A_544, %dma_start3A_643] : memref<200x128xi32, #tpu.memory_space<vmem>> -> memref<1x128xi32, #tpu.memory_space<vmem>>
          %dma_start3A_645 = tpu.memref_squeeze %dma_start3A_644 : memref<1x128xi32, #tpu.memory_space<vmem>> -> memref<128xi32, #tpu.memory_space<vmem>>
          %dma_start3A_646 = arith.constant 0 : i32
          %dma_start3A_647 = arith.constant 0 : i32
          %dma_start3A_648 = tpu.memref_slice %arg3[%dma_start3A_646, %dma_start3A_647] : memref<1000000x64xf32, #tpu.memory_space<hbm>> -> memref<1000000x64xf32, #tpu.memory_space<hbm>>
          tpu.enqueue_indirect_dma source(%dma_start3A_648 : memref<1000000x64xf32, #tpu.memory_space<hbm>>) target(%arg16 : memref<128x64xf32, #tpu.memory_space<vmem>>) offsets(%dma_start3A_645 : memref<128xi32, #tpu.memory_space<vmem>>) semaphore(%arg32 : memref<!tpu.dma_semaphore, #tpu.memory_space<semaphore_mem>>) {add = true}
        } else {
        }
      } else {
      }
      %rem3A_502 = arith.constant 8 : i32
      %rem3A_503 = arith.remsi %scan3A_490, %rem3A_502 : i32
      %eq3A = arith.constant 0 : i32
      %eq3A_504 = arith.cmpi eq, %rem3A_503, %eq3A : i32
      %convert_element_type3A_505 = arith.extui %eq3A_504 : i1 to i32
      %cond3A_506 = arith.constant 0 : i32
      %cond3A_507 = arith.cmpi ne, %convert_element_type3A_505, %cond3A_506 : i32
      scf.if %cond3A_507 {
        %dma_wait3A_543 = arith.constant 0 : i32
        %dma_wait3A_544 = tpu.memref_slice %arg6[%scan3A_490, %dma_wait3A_543] : memref<200x128xi32, #tpu.memory_space<vmem>> -> memref<1x128xi32, #tpu.memory_space<vmem>>
        %dma_wait3A_545 = tpu.memref_squeeze %dma_wait3A_544 : memref<1x128xi32, #tpu.memory_space<vmem>> -> memref<128xi32, #tpu.memory_space<vmem>>
        %dma_wait3A_546 = arith.constant 0 : i32
        %dma_wait3A_547 = arith.constant 0 : i32
        %dma_wait3A_548 = tpu.memref_slice %arg3[%dma_wait3A_546, %dma_wait3A_547] : memref<1000000x64xf32, #tpu.memory_space<hbm>> -> memref<1000000x64xf32, #tpu.memory_space<hbm>>
        tpu.wait_indirect_dma semaphore(%arg25 : memref<!tpu.dma_semaphore, #tpu.memory_space<semaphore_mem>>) src(%dma_wait3A_548 : memref<1000000x64xf32, #tpu.memory_space<hbm>>) dst(%arg9 : memref<128x64xf32, #tpu.memory_space<vmem>>)
        %dma_start3A_549 = arith.constant 0 : i32
        %dma_start3A_550 = tpu.memref_slice %arg5[%scan3A_490, %mul3A_2, %dma_start3A_549] : memref<200x4096x64xf32, #tpu.memory_space<hbm>> -> memref<1x128x64xf32, #tpu.memory_space<hbm>>
        %dma_start3A_551 = tpu.memref_squeeze %dma_start3A_550 : memref<1x128x64xf32, #tpu.memory_space<hbm>> -> memref<128x64xf32, #tpu.memory_space<hbm>>
        %dma_start3A_552 = arith.constant 0 : i32
        %dma_start3A_553 = tpu.memref_slice %arg5[%scan3A_490, %mul3A_2, %dma_start3A_552] : memref<200x4096x64xf32, #tpu.memory_space<hbm>> -> memref<1x128x64xf32, #tpu.memory_space<hbm>>
        %dma_start3A_554 = tpu.memref_squeeze %dma_start3A_553 : memref<1x128x64xf32, #tpu.memory_space<hbm>> -> memref<128x64xf32, #tpu.memory_space<hbm>>
        tpu.enqueue_dma source(%arg9 : memref<128x64xf32, #tpu.memory_space<vmem>>) target(%dma_start3A_554 : memref<128x64xf32, #tpu.memory_space<hbm>>) target_semaphore(%arg33 : memref<!tpu.dma_semaphore, #tpu.memory_space<semaphore_mem>>)
      } else {
      }
      %eq3A_508 = arith.constant 1 : i32
      %eq3A_509 = arith.cmpi eq, %rem3A_503, %eq3A_508 : i32
      %convert_element_type3A_510 = arith.extui %eq3A_509 : i1 to i32
      %cond3A_511 = arith.constant 0 : i32
      %cond3A_512 = arith.cmpi ne, %convert_element_type3A_510, %cond3A_511 : i32
      scf.if %cond3A_512 {
        %dma_wait3A_543 = arith.constant 0 : i32
        %dma_wait3A_544 = tpu.memref_slice %arg6[%scan3A_490, %dma_wait3A_543] : memref<200x128xi32, #tpu.memory_space<vmem>> -> memref<1x128xi32, #tpu.memory_space<vmem>>
        %dma_wait3A_545 = tpu.memref_squeeze %dma_wait3A_544 : memref<1x128xi32, #tpu.memory_space<vmem>> -> memref<128xi32, #tpu.memory_space<vmem>>
        %dma_wait3A_546 = arith.constant 0 : i32
        %dma_wait3A_547 = arith.constant 0 : i32
        %dma_wait3A_548 = tpu.memref_slice %arg3[%dma_wait3A_546, %dma_wait3A_547] : memref<1000000x64xf32, #tpu.memory_space<hbm>> -> memref<1000000x64xf32, #tpu.memory_space<hbm>>
        tpu.wait_indirect_dma semaphore(%arg26 : memref<!tpu.dma_semaphore, #tpu.memory_space<semaphore_mem>>) src(%dma_wait3A_548 : memref<1000000x64xf32, #tpu.memory_space<hbm>>) dst(%arg10 : memref<128x64xf32, #tpu.memory_space<vmem>>)
        %dma_start3A_549 = arith.constant 0 : i32
        %dma_start3A_550 = tpu.memref_slice %arg5[%scan3A_490, %mul3A_2, %dma_start3A_549] : memref<200x4096x64xf32, #tpu.memory_space<hbm>> -> memref<1x128x64xf32, #tpu.memory_space<hbm>>
        %dma_start3A_551 = tpu.memref_squeeze %dma_start3A_550 : memref<1x128x64xf32, #tpu.memory_space<hbm>> -> memref<128x64xf32, #tpu.memory_space<hbm>>
        %dma_start3A_552 = arith.constant 0 : i32
        %dma_start3A_553 = tpu.memref_slice %arg5[%scan3A_490, %mul3A_2, %dma_start3A_552] : memref<200x4096x64xf32, #tpu.memory_space<hbm>> -> memref<1x128x64xf32, #tpu.memory_space<hbm>>
        %dma_start3A_554 = tpu.memref_squeeze %dma_start3A_553 : memref<1x128x64xf32, #tpu.memory_space<hbm>> -> memref<128x64xf32, #tpu.memory_space<hbm>>
        tpu.enqueue_dma source(%arg10 : memref<128x64xf32, #tpu.memory_space<vmem>>) target(%dma_start3A_554 : memref<128x64xf32, #tpu.memory_space<hbm>>) target_semaphore(%arg34 : memref<!tpu.dma_semaphore, #tpu.memory_space<semaphore_mem>>)
      } else {
      }
      %eq3A_513 = arith.constant 2 : i32
      %eq3A_514 = arith.cmpi eq, %rem3A_503, %eq3A_513 : i32
      %convert_element_type3A_515 = arith.extui %eq3A_514 : i1 to i32
      %cond3A_516 = arith.constant 0 : i32
      %cond3A_517 = arith.cmpi ne, %convert_element_type3A_515, %cond3A_516 : i32
      scf.if %cond3A_517 {
        %dma_wait3A_543 = arith.constant 0 : i32
        %dma_wait3A_544 = tpu.memref_slice %arg6[%scan3A_490, %dma_wait3A_543] : memref<200x128xi32, #tpu.memory_space<vmem>> -> memref<1x128xi32, #tpu.memory_space<vmem>>
        %dma_wait3A_545 = tpu.memref_squeeze %dma_wait3A_544 : memref<1x128xi32, #tpu.memory_space<vmem>> -> memref<128xi32, #tpu.memory_space<vmem>>
        %dma_wait3A_546 = arith.constant 0 : i32
        %dma_wait3A_547 = arith.constant 0 : i32
        %dma_wait3A_548 = tpu.memref_slice %arg3[%dma_wait3A_546, %dma_wait3A_547] : memref<1000000x64xf32, #tpu.memory_space<hbm>> -> memref<1000000x64xf32, #tpu.memory_space<hbm>>
        tpu.wait_indirect_dma semaphore(%arg27 : memref<!tpu.dma_semaphore, #tpu.memory_space<semaphore_mem>>) src(%dma_wait3A_548 : memref<1000000x64xf32, #tpu.memory_space<hbm>>) dst(%arg11 : memref<128x64xf32, #tpu.memory_space<vmem>>)
        %dma_start3A_549 = arith.constant 0 : i32
        %dma_start3A_550 = tpu.memref_slice %arg5[%scan3A_490, %mul3A_2, %dma_start3A_549] : memref<200x4096x64xf32, #tpu.memory_space<hbm>> -> memref<1x128x64xf32, #tpu.memory_space<hbm>>
        %dma_start3A_551 = tpu.memref_squeeze %dma_start3A_550 : memref<1x128x64xf32, #tpu.memory_space<hbm>> -> memref<128x64xf32, #tpu.memory_space<hbm>>
        %dma_start3A_552 = arith.constant 0 : i32
        %dma_start3A_553 = tpu.memref_slice %arg5[%scan3A_490, %mul3A_2, %dma_start3A_552] : memref<200x4096x64xf32, #tpu.memory_space<hbm>> -> memref<1x128x64xf32, #tpu.memory_space<hbm>>
        %dma_start3A_554 = tpu.memref_squeeze %dma_start3A_553 : memref<1x128x64xf32, #tpu.memory_space<hbm>> -> memref<128x64xf32, #tpu.memory_space<hbm>>
        tpu.enqueue_dma source(%arg11 : memref<128x64xf32, #tpu.memory_space<vmem>>) target(%dma_start3A_554 : memref<128x64xf32, #tpu.memory_space<hbm>>) target_semaphore(%arg35 : memref<!tpu.dma_semaphore, #tpu.memory_space<semaphore_mem>>)
      } else {
      }
      %eq3A_518 = arith.constant 3 : i32
      %eq3A_519 = arith.cmpi eq, %rem3A_503, %eq3A_518 : i32
      %convert_element_type3A_520 = arith.extui %eq3A_519 : i1 to i32
      %cond3A_521 = arith.constant 0 : i32
      %cond3A_522 = arith.cmpi ne, %convert_element_type3A_520, %cond3A_521 : i32
      scf.if %cond3A_522 {
        %dma_wait3A_543 = arith.constant 0 : i32
        %dma_wait3A_544 = tpu.memref_slice %arg6[%scan3A_490, %dma_wait3A_543] : memref<200x128xi32, #tpu.memory_space<vmem>> -> memref<1x128xi32, #tpu.memory_space<vmem>>
        %dma_wait3A_545 = tpu.memref_squeeze %dma_wait3A_544 : memref<1x128xi32, #tpu.memory_space<vmem>> -> memref<128xi32, #tpu.memory_space<vmem>>
        %dma_wait3A_546 = arith.constant 0 : i32
        %dma_wait3A_547 = arith.constant 0 : i32
        %dma_wait3A_548 = tpu.memref_slice %arg3[%dma_wait3A_546, %dma_wait3A_547] : memref<1000000x64xf32, #tpu.memory_space<hbm>> -> memref<1000000x64xf32, #tpu.memory_space<hbm>>
        tpu.wait_indirect_dma semaphore(%arg28 : memref<!tpu.dma_semaphore, #tpu.memory_space<semaphore_mem>>) src(%dma_wait3A_548 : memref<1000000x64xf32, #tpu.memory_space<hbm>>) dst(%arg12 : memref<128x64xf32, #tpu.memory_space<vmem>>)
        %dma_start3A_549 = arith.constant 0 : i32
        %dma_start3A_550 = tpu.memref_slice %arg5[%scan3A_490, %mul3A_2, %dma_start3A_549] : memref<200x4096x64xf32, #tpu.memory_space<hbm>> -> memref<1x128x64xf32, #tpu.memory_space<hbm>>
        %dma_start3A_551 = tpu.memref_squeeze %dma_start3A_550 : memref<1x128x64xf32, #tpu.memory_space<hbm>> -> memref<128x64xf32, #tpu.memory_space<hbm>>
        %dma_start3A_552 = arith.constant 0 : i32
        %dma_start3A_553 = tpu.memref_slice %arg5[%scan3A_490, %mul3A_2, %dma_start3A_552] : memref<200x4096x64xf32, #tpu.memory_space<hbm>> -> memref<1x128x64xf32, #tpu.memory_space<hbm>>
        %dma_start3A_554 = tpu.memref_squeeze %dma_start3A_553 : memref<1x128x64xf32, #tpu.memory_space<hbm>> -> memref<128x64xf32, #tpu.memory_space<hbm>>
        tpu.enqueue_dma source(%arg12 : memref<128x64xf32, #tpu.memory_space<vmem>>) target(%dma_start3A_554 : memref<128x64xf32, #tpu.memory_space<hbm>>) target_semaphore(%arg36 : memref<!tpu.dma_semaphore, #tpu.memory_space<semaphore_mem>>)
      } else {
      }
      %eq3A_523 = arith.constant 4 : i32
      %eq3A_524 = arith.cmpi eq, %rem3A_503, %eq3A_523 : i32
      %convert_element_type3A_525 = arith.extui %eq3A_524 : i1 to i32
      %cond3A_526 = arith.constant 0 : i32
      %cond3A_527 = arith.cmpi ne, %convert_element_type3A_525, %cond3A_526 : i32
      scf.if %cond3A_527 {
        %dma_wait3A_543 = arith.constant 0 : i32
        %dma_wait3A_544 = tpu.memref_slice %arg6[%scan3A_490, %dma_wait3A_543] : memref<200x128xi32, #tpu.memory_space<vmem>> -> memref<1x128xi32, #tpu.memory_space<vmem>>
        %dma_wait3A_545 = tpu.memref_squeeze %dma_wait3A_544 : memref<1x128xi32, #tpu.memory_space<vmem>> -> memref<128xi32, #tpu.memory_space<vmem>>
        %dma_wait3A_546 = arith.constant 0 : i32
        %dma_wait3A_547 = arith.constant 0 : i32
        %dma_wait3A_548 = tpu.memref_slice %arg3[%dma_wait3A_546, %dma_wait3A_547] : memref<1000000x64xf32, #tpu.memory_space<hbm>> -> memref<1000000x64xf32, #tpu.memory_space<hbm>>
        tpu.wait_indirect_dma semaphore(%arg29 : memref<!tpu.dma_semaphore, #tpu.memory_space<semaphore_mem>>) src(%dma_wait3A_548 : memref<1000000x64xf32, #tpu.memory_space<hbm>>) dst(%arg13 : memref<128x64xf32, #tpu.memory_space<vmem>>)
        %dma_start3A_549 = arith.constant 0 : i32
        %dma_start3A_550 = tpu.memref_slice %arg5[%scan3A_490, %mul3A_2, %dma_start3A_549] : memref<200x4096x64xf32, #tpu.memory_space<hbm>> -> memref<1x128x64xf32, #tpu.memory_space<hbm>>
        %dma_start3A_551 = tpu.memref_squeeze %dma_start3A_550 : memref<1x128x64xf32, #tpu.memory_space<hbm>> -> memref<128x64xf32, #tpu.memory_space<hbm>>
        %dma_start3A_552 = arith.constant 0 : i32
        %dma_start3A_553 = tpu.memref_slice %arg5[%scan3A_490, %mul3A_2, %dma_start3A_552] : memref<200x4096x64xf32, #tpu.memory_space<hbm>> -> memref<1x128x64xf32, #tpu.memory_space<hbm>>
        %dma_start3A_554 = tpu.memref_squeeze %dma_start3A_553 : memref<1x128x64xf32, #tpu.memory_space<hbm>> -> memref<128x64xf32, #tpu.memory_space<hbm>>
        tpu.enqueue_dma source(%arg13 : memref<128x64xf32, #tpu.memory_space<vmem>>) target(%dma_start3A_554 : memref<128x64xf32, #tpu.memory_space<hbm>>) target_semaphore(%arg37 : memref<!tpu.dma_semaphore, #tpu.memory_space<semaphore_mem>>)
      } else {
      }
      %eq3A_528 = arith.constant 5 : i32
      %eq3A_529 = arith.cmpi eq, %rem3A_503, %eq3A_528 : i32
      %convert_element_type3A_530 = arith.extui %eq3A_529 : i1 to i32
      %cond3A_531 = arith.constant 0 : i32
      %cond3A_532 = arith.cmpi ne, %convert_element_type3A_530, %cond3A_531 : i32
      scf.if %cond3A_532 {
        %dma_wait3A_543 = arith.constant 0 : i32
        %dma_wait3A_544 = tpu.memref_slice %arg6[%scan3A_490, %dma_wait3A_543] : memref<200x128xi32, #tpu.memory_space<vmem>> -> memref<1x128xi32, #tpu.memory_space<vmem>>
        %dma_wait3A_545 = tpu.memref_squeeze %dma_wait3A_544 : memref<1x128xi32, #tpu.memory_space<vmem>> -> memref<128xi32, #tpu.memory_space<vmem>>
        %dma_wait3A_546 = arith.constant 0 : i32
        %dma_wait3A_547 = arith.constant 0 : i32
        %dma_wait3A_548 = tpu.memref_slice %arg3[%dma_wait3A_546, %dma_wait3A_547] : memref<1000000x64xf32, #tpu.memory_space<hbm>> -> memref<1000000x64xf32, #tpu.memory_space<hbm>>
        tpu.wait_indirect_dma semaphore(%arg30 : memref<!tpu.dma_semaphore, #tpu.memory_space<semaphore_mem>>) src(%dma_wait3A_548 : memref<1000000x64xf32, #tpu.memory_space<hbm>>) dst(%arg14 : memref<128x64xf32, #tpu.memory_space<vmem>>)
        %dma_start3A_549 = arith.constant 0 : i32
        %dma_start3A_550 = tpu.memref_slice %arg5[%scan3A_490, %mul3A_2, %dma_start3A_549] : memref<200x4096x64xf32, #tpu.memory_space<hbm>> -> memref<1x128x64xf32, #tpu.memory_space<hbm>>
        %dma_start3A_551 = tpu.memref_squeeze %dma_start3A_550 : memref<1x128x64xf32, #tpu.memory_space<hbm>> -> memref<128x64xf32, #tpu.memory_space<hbm>>
        %dma_start3A_552 = arith.constant 0 : i32
        %dma_start3A_553 = tpu.memref_slice %arg5[%scan3A_490, %mul3A_2, %dma_start3A_552] : memref<200x4096x64xf32, #tpu.memory_space<hbm>> -> memref<1x128x64xf32, #tpu.memory_space<hbm>>
        %dma_start3A_554 = tpu.memref_squeeze %dma_start3A_553 : memref<1x128x64xf32, #tpu.memory_space<hbm>> -> memref<128x64xf32, #tpu.memory_space<hbm>>
        tpu.enqueue_dma source(%arg14 : memref<128x64xf32, #tpu.memory_space<vmem>>) target(%dma_start3A_554 : memref<128x64xf32, #tpu.memory_space<hbm>>) target_semaphore(%arg38 : memref<!tpu.dma_semaphore, #tpu.memory_space<semaphore_mem>>)
      } else {
      }
      %eq3A_533 = arith.constant 6 : i32
      %eq3A_534 = arith.cmpi eq, %rem3A_503, %eq3A_533 : i32
      %convert_element_type3A_535 = arith.extui %eq3A_534 : i1 to i32
      %cond3A_536 = arith.constant 0 : i32
      %cond3A_537 = arith.cmpi ne, %convert_element_type3A_535, %cond3A_536 : i32
      scf.if %cond3A_537 {
        %dma_wait3A_543 = arith.constant 0 : i32
        %dma_wait3A_544 = tpu.memref_slice %arg6[%scan3A_490, %dma_wait3A_543] : memref<200x128xi32, #tpu.memory_space<vmem>> -> memref<1x128xi32, #tpu.memory_space<vmem>>
        %dma_wait3A_545 = tpu.memref_squeeze %dma_wait3A_544 : memref<1x128xi32, #tpu.memory_space<vmem>> -> memref<128xi32, #tpu.memory_space<vmem>>
        %dma_wait3A_546 = arith.constant 0 : i32
        %dma_wait3A_547 = arith.constant 0 : i32
        %dma_wait3A_548 = tpu.memref_slice %arg3[%dma_wait3A_546, %dma_wait3A_547] : memref<1000000x64xf32, #tpu.memory_space<hbm>> -> memref<1000000x64xf32, #tpu.memory_space<hbm>>
        tpu.wait_indirect_dma semaphore(%arg31 : memref<!tpu.dma_semaphore, #tpu.memory_space<semaphore_mem>>) src(%dma_wait3A_548 : memref<1000000x64xf32, #tpu.memory_space<hbm>>) dst(%arg15 : memref<128x64xf32, #tpu.memory_space<vmem>>)
        %dma_start3A_549 = arith.constant 0 : i32
        %dma_start3A_550 = tpu.memref_slice %arg5[%scan3A_490, %mul3A_2, %dma_start3A_549] : memref<200x4096x64xf32, #tpu.memory_space<hbm>> -> memref<1x128x64xf32, #tpu.memory_space<hbm>>
        %dma_start3A_551 = tpu.memref_squeeze %dma_start3A_550 : memref<1x128x64xf32, #tpu.memory_space<hbm>> -> memref<128x64xf32, #tpu.memory_space<hbm>>
        %dma_start3A_552 = arith.constant 0 : i32
        %dma_start3A_553 = tpu.memref_slice %arg5[%scan3A_490, %mul3A_2, %dma_start3A_552] : memref<200x4096x64xf32, #tpu.memory_space<hbm>> -> memref<1x128x64xf32, #tpu.memory_space<hbm>>
        %dma_start3A_554 = tpu.memref_squeeze %dma_start3A_553 : memref<1x128x64xf32, #tpu.memory_space<hbm>> -> memref<128x64xf32, #tpu.memory_space<hbm>>
        tpu.enqueue_dma source(%arg15 : memref<128x64xf32, #tpu.memory_space<vmem>>) target(%dma_start3A_554 : memref<128x64xf32, #tpu.memory_space<hbm>>) target_semaphore(%arg39 : memref<!tpu.dma_semaphore, #tpu.memory_space<semaphore_mem>>)
      } else {
      }
      %eq3A_538 = arith.constant 7 : i32
      %eq3A_539 = arith.cmpi eq, %rem3A_503, %eq3A_538 : i32
      %convert_element_type3A_540 = arith.extui %eq3A_539 : i1 to i32
      %cond3A_541 = arith.constant 0 : i32
      %cond3A_542 = arith.cmpi ne, %convert_element_type3A_540, %cond3A_541 : i32
      scf.if %cond3A_542 {
        %dma_wait3A_543 = arith.constant 0 : i32
        %dma_wait3A_544 = tpu.memref_slice %arg6[%scan3A_490, %dma_wait3A_543] : memref<200x128xi32, #tpu.memory_space<vmem>> -> memref<1x128xi32, #tpu.memory_space<vmem>>
        %dma_wait3A_545 = tpu.memref_squeeze %dma_wait3A_544 : memref<1x128xi32, #tpu.memory_space<vmem>> -> memref<128xi32, #tpu.memory_space<vmem>>
        %dma_wait3A_546 = arith.constant 0 : i32
        %dma_wait3A_547 = arith.constant 0 : i32
        %dma_wait3A_548 = tpu.memref_slice %arg3[%dma_wait3A_546, %dma_wait3A_547] : memref<1000000x64xf32, #tpu.memory_space<hbm>> -> memref<1000000x64xf32, #tpu.memory_space<hbm>>
        tpu.wait_indirect_dma semaphore(%arg32 : memref<!tpu.dma_semaphore, #tpu.memory_space<semaphore_mem>>) src(%dma_wait3A_548 : memref<1000000x64xf32, #tpu.memory_space<hbm>>) dst(%arg16 : memref<128x64xf32, #tpu.memory_space<vmem>>)
        %dma_start3A_549 = arith.constant 0 : i32
        %dma_start3A_550 = tpu.memref_slice %arg5[%scan3A_490, %mul3A_2, %dma_start3A_549] : memref<200x4096x64xf32, #tpu.memory_space<hbm>> -> memref<1x128x64xf32, #tpu.memory_space<hbm>>
        %dma_start3A_551 = tpu.memref_squeeze %dma_start3A_550 : memref<1x128x64xf32, #tpu.memory_space<hbm>> -> memref<128x64xf32, #tpu.memory_space<hbm>>
        %dma_start3A_552 = arith.constant 0 : i32
        %dma_start3A_553 = tpu.memref_slice %arg5[%scan3A_490, %mul3A_2, %dma_start3A_552] : memref<200x4096x64xf32, #tpu.memory_space<hbm>> -> memref<1x128x64xf32, #tpu.memory_space<hbm>>
        %dma_start3A_554 = tpu.memref_squeeze %dma_start3A_553 : memref<1x128x64xf32, #tpu.memory_space<hbm>> -> memref<128x64xf32, #tpu.memory_space<hbm>>
        tpu.enqueue_dma source(%arg16 : memref<128x64xf32, #tpu.memory_space<vmem>>) target(%dma_start3A_554 : memref<128x64xf32, #tpu.memory_space<hbm>>) target_semaphore(%arg40 : memref<!tpu.dma_semaphore, #tpu.memory_space<semaphore_mem>>)
      } else {
      }
    }
    %scan3A_433 = arith.constant 200 : i32
    %dma_wait3A_434 = arith.constant 192 : i32
    %dma_wait3A_435 = arith.constant 0 : i32
    %dma_wait3A_436 = tpu.memref_slice %arg5[%dma_wait3A_434, %mul3A_2, %dma_wait3A_435] : memref<200x4096x64xf32, #tpu.memory_space<hbm>> -> memref<1x128x64xf32, #tpu.memory_space<hbm>>
    %dma_wait3A_437 = tpu.memref_squeeze %dma_wait3A_436 : memref<1x128x64xf32, #tpu.memory_space<hbm>> -> memref<128x64xf32, #tpu.memory_space<hbm>>
    %dma_wait3A_438 = arith.constant 0 : i32
    %dma_wait3A_439 = tpu.memref_slice %arg5[%dma_wait3A_434, %mul3A_2, %dma_wait3A_438] : memref<200x4096x64xf32, #tpu.memory_space<hbm>> -> memref<1x128x64xf32, #tpu.memory_space<hbm>>
    %dma_wait3A_440 = tpu.memref_squeeze %dma_wait3A_439 : memref<1x128x64xf32, #tpu.memory_space<hbm>> -> memref<128x64xf32, #tpu.memory_space<hbm>>
    tpu.wait_dma2 semaphore(%arg33 : memref<!tpu.dma_semaphore, #tpu.memory_space<semaphore_mem>>) src(%arg9 : memref<128x64xf32, #tpu.memory_space<vmem>>) dst(%dma_wait3A_440 : memref<128x64xf32, #tpu.memory_space<hbm>>)
    %dma_wait3A_441 = arith.constant 193 : i32
    %dma_wait3A_442 = arith.constant 0 : i32
    %dma_wait3A_443 = tpu.memref_slice %arg5[%dma_wait3A_441, %mul3A_2, %dma_wait3A_442] : memref<200x4096x64xf32, #tpu.memory_space<hbm>> -> memref<1x128x64xf32, #tpu.memory_space<hbm>>
    %dma_wait3A_444 = tpu.memref_squeeze %dma_wait3A_443 : memref<1x128x64xf32, #tpu.memory_space<hbm>> -> memref<128x64xf32, #tpu.memory_space<hbm>>
    %dma_wait3A_445 = arith.constant 0 : i32
    %dma_wait3A_446 = tpu.memref_slice %arg5[%dma_wait3A_441, %mul3A_2, %dma_wait3A_445] : memref<200x4096x64xf32, #tpu.memory_space<hbm>> -> memref<1x128x64xf32, #tpu.memory_space<hbm>>
    %dma_wait3A_447 = tpu.memref_squeeze %dma_wait3A_446 : memref<1x128x64xf32, #tpu.memory_space<hbm>> -> memref<128x64xf32, #tpu.memory_space<hbm>>
    tpu.wait_dma2 semaphore(%arg34 : memref<!tpu.dma_semaphore, #tpu.memory_space<semaphore_mem>>) src(%arg10 : memref<128x64xf32, #tpu.memory_space<vmem>>) dst(%dma_wait3A_447 : memref<128x64xf32, #tpu.memory_space<hbm>>)
    %dma_wait3A_448 = arith.constant 194 : i32
    %dma_wait3A_449 = arith.constant 0 : i32
    %dma_wait3A_450 = tpu.memref_slice %arg5[%dma_wait3A_448, %mul3A_2, %dma_wait3A_449] : memref<200x4096x64xf32, #tpu.memory_space<hbm>> -> memref<1x128x64xf32, #tpu.memory_space<hbm>>
    %dma_wait3A_451 = tpu.memref_squeeze %dma_wait3A_450 : memref<1x128x64xf32, #tpu.memory_space<hbm>> -> memref<128x64xf32, #tpu.memory_space<hbm>>
    %dma_wait3A_452 = arith.constant 0 : i32
    %dma_wait3A_453 = tpu.memref_slice %arg5[%dma_wait3A_448, %mul3A_2, %dma_wait3A_452] : memref<200x4096x64xf32, #tpu.memory_space<hbm>> -> memref<1x128x64xf32, #tpu.memory_space<hbm>>
    %dma_wait3A_454 = tpu.memref_squeeze %dma_wait3A_453 : memref<1x128x64xf32, #tpu.memory_space<hbm>> -> memref<128x64xf32, #tpu.memory_space<hbm>>
    tpu.wait_dma2 semaphore(%arg35 : memref<!tpu.dma_semaphore, #tpu.memory_space<semaphore_mem>>) src(%arg11 : memref<128x64xf32, #tpu.memory_space<vmem>>) dst(%dma_wait3A_454 : memref<128x64xf32, #tpu.memory_space<hbm>>)
    %dma_wait3A_455 = arith.constant 195 : i32
    %dma_wait3A_456 = arith.constant 0 : i32
    %dma_wait3A_457 = tpu.memref_slice %arg5[%dma_wait3A_455, %mul3A_2, %dma_wait3A_456] : memref<200x4096x64xf32, #tpu.memory_space<hbm>> -> memref<1x128x64xf32, #tpu.memory_space<hbm>>
    %dma_wait3A_458 = tpu.memref_squeeze %dma_wait3A_457 : memref<1x128x64xf32, #tpu.memory_space<hbm>> -> memref<128x64xf32, #tpu.memory_space<hbm>>
    %dma_wait3A_459 = arith.constant 0 : i32
    %dma_wait3A_460 = tpu.memref_slice %arg5[%dma_wait3A_455, %mul3A_2, %dma_wait3A_459] : memref<200x4096x64xf32, #tpu.memory_space<hbm>> -> memref<1x128x64xf32, #tpu.memory_space<hbm>>
    %dma_wait3A_461 = tpu.memref_squeeze %dma_wait3A_460 : memref<1x128x64xf32, #tpu.memory_space<hbm>> -> memref<128x64xf32, #tpu.memory_space<hbm>>
    tpu.wait_dma2 semaphore(%arg36 : memref<!tpu.dma_semaphore, #tpu.memory_space<semaphore_mem>>) src(%arg12 : memref<128x64xf32, #tpu.memory_space<vmem>>) dst(%dma_wait3A_461 : memref<128x64xf32, #tpu.memory_space<hbm>>)
    %dma_wait3A_462 = arith.constant 196 : i32
    %dma_wait3A_463 = arith.constant 0 : i32
    %dma_wait3A_464 = tpu.memref_slice %arg5[%dma_wait3A_462, %mul3A_2, %dma_wait3A_463] : memref<200x4096x64xf32, #tpu.memory_space<hbm>> -> memref<1x128x64xf32, #tpu.memory_space<hbm>>
    %dma_wait3A_465 = tpu.memref_squeeze %dma_wait3A_464 : memref<1x128x64xf32, #tpu.memory_space<hbm>> -> memref<128x64xf32, #tpu.memory_space<hbm>>
    %dma_wait3A_466 = arith.constant 0 : i32
    %dma_wait3A_467 = tpu.memref_slice %arg5[%dma_wait3A_462, %mul3A_2, %dma_wait3A_466] : memref<200x4096x64xf32, #tpu.memory_space<hbm>> -> memref<1x128x64xf32, #tpu.memory_space<hbm>>
    %dma_wait3A_468 = tpu.memref_squeeze %dma_wait3A_467 : memref<1x128x64xf32, #tpu.memory_space<hbm>> -> memref<128x64xf32, #tpu.memory_space<hbm>>
    tpu.wait_dma2 semaphore(%arg37 : memref<!tpu.dma_semaphore, #tpu.memory_space<semaphore_mem>>) src(%arg13 : memref<128x64xf32, #tpu.memory_space<vmem>>) dst(%dma_wait3A_468 : memref<128x64xf32, #tpu.memory_space<hbm>>)
    %dma_wait3A_469 = arith.constant 197 : i32
    %dma_wait3A_470 = arith.constant 0 : i32
    %dma_wait3A_471 = tpu.memref_slice %arg5[%dma_wait3A_469, %mul3A_2, %dma_wait3A_470] : memref<200x4096x64xf32, #tpu.memory_space<hbm>> -> memref<1x128x64xf32, #tpu.memory_space<hbm>>
    %dma_wait3A_472 = tpu.memref_squeeze %dma_wait3A_471 : memref<1x128x64xf32, #tpu.memory_space<hbm>> -> memref<128x64xf32, #tpu.memory_space<hbm>>
    %dma_wait3A_473 = arith.constant 0 : i32
    %dma_wait3A_474 = tpu.memref_slice %arg5[%dma_wait3A_469, %mul3A_2, %dma_wait3A_473] : memref<200x4096x64xf32, #tpu.memory_space<hbm>> -> memref<1x128x64xf32, #tpu.memory_space<hbm>>
    %dma_wait3A_475 = tpu.memref_squeeze %dma_wait3A_474 : memref<1x128x64xf32, #tpu.memory_space<hbm>> -> memref<128x64xf32, #tpu.memory_space<hbm>>
    tpu.wait_dma2 semaphore(%arg38 : memref<!tpu.dma_semaphore, #tpu.memory_space<semaphore_mem>>) src(%arg14 : memref<128x64xf32, #tpu.memory_space<vmem>>) dst(%dma_wait3A_475 : memref<128x64xf32, #tpu.memory_space<hbm>>)
    %dma_wait3A_476 = arith.constant 198 : i32
    %dma_wait3A_477 = arith.constant 0 : i32
    %dma_wait3A_478 = tpu.memref_slice %arg5[%dma_wait3A_476, %mul3A_2, %dma_wait3A_477] : memref<200x4096x64xf32, #tpu.memory_space<hbm>> -> memref<1x128x64xf32, #tpu.memory_space<hbm>>
    %dma_wait3A_479 = tpu.memref_squeeze %dma_wait3A_478 : memref<1x128x64xf32, #tpu.memory_space<hbm>> -> memref<128x64xf32, #tpu.memory_space<hbm>>
    %dma_wait3A_480 = arith.constant 0 : i32
    %dma_wait3A_481 = tpu.memref_slice %arg5[%dma_wait3A_476, %mul3A_2, %dma_wait3A_480] : memref<200x4096x64xf32, #tpu.memory_space<hbm>> -> memref<1x128x64xf32, #tpu.memory_space<hbm>>
    %dma_wait3A_482 = tpu.memref_squeeze %dma_wait3A_481 : memref<1x128x64xf32, #tpu.memory_space<hbm>> -> memref<128x64xf32, #tpu.memory_space<hbm>>
    tpu.wait_dma2 semaphore(%arg39 : memref<!tpu.dma_semaphore, #tpu.memory_space<semaphore_mem>>) src(%arg15 : memref<128x64xf32, #tpu.memory_space<vmem>>) dst(%dma_wait3A_482 : memref<128x64xf32, #tpu.memory_space<hbm>>)
    %dma_wait3A_483 = arith.constant 199 : i32
    %dma_wait3A_484 = arith.constant 0 : i32
    %dma_wait3A_485 = tpu.memref_slice %arg5[%dma_wait3A_483, %mul3A_2, %dma_wait3A_484] : memref<200x4096x64xf32, #tpu.memory_space<hbm>> -> memref<1x128x64xf32, #tpu.memory_space<hbm>>
    %dma_wait3A_486 = tpu.memref_squeeze %dma_wait3A_485 : memref<1x128x64xf32, #tpu.memory_space<hbm>> -> memref<128x64xf32, #tpu.memory_space<hbm>>
    %dma_wait3A_487 = arith.constant 0 : i32
    %dma_wait3A_488 = tpu.memref_slice %arg5[%dma_wait3A_483, %mul3A_2, %dma_wait3A_487] : memref<200x4096x64xf32, #tpu.memory_space<hbm>> -> memref<1x128x64xf32, #tpu.memory_space<hbm>>
    %dma_wait3A_489 = tpu.memref_squeeze %dma_wait3A_488 : memref<1x128x64xf32, #tpu.memory_space<hbm>> -> memref<128x64xf32, #tpu.memory_space<hbm>>
    tpu.wait_dma2 semaphore(%arg40 : memref<!tpu.dma_semaphore, #tpu.memory_space<semaphore_mem>>) src(%arg16 : memref<128x64xf32, #tpu.memory_space<vmem>>) dst(%dma_wait3A_489 : memref<128x64xf32, #tpu.memory_space<hbm>>)
    return
  }
}

</mosaic_0001>

<sc_bundles>
// kernel: kernel.3.cloned.1.call-start
scs
__scs_entry_jumppad:
0x0: {  	(pc) =	sbr.rel $0x88, $3  }
0x1: {  	(tag) =	ssettag $0x0;
	lr =	simm.s32 $0x1  }
0x2: {  	[smem:$0x3F9E] =	sst lr;
	_ =	strace $0xD0000000  }
0x3: {  	_ = 	snop  }
0x4: {  	_ = 	snop  }
0x5: {  	_ = 	snop  }
0x6: {  	_ = 	snop  }
0x7: {  	_ = 	snop  }
__scs_overlays_trampoline_lowered:
0x8: {  	[smem:$0x3FAD] =	sst s0  }
0x9: {  	[smem:$0x3FAE] =	sst s1  }
0xa: {  	[smem:$0x3FAF] =	sst s2  }
0xb: {  	[smem:$0x3FB0] =	sst s3  }
0xc: {  	[smem:$0x3FB1] =	sst s4  }
0xd: {  	[smem:$0x3FB2] =	sst s5  }
0xe: {  	[smem:$0x3FB3] =	sst s6  }
0xf: {  	[smem:$0x3FB4] =	sst s7  }
0x10: {  	[smem:$0x3FB5] =	sst s8  }
0x11: {  	[smem:$0x3FB6] =	sst s9;
	s0 =	simm.s32 @!p0 $0x0  }
0x12: {  	s1 =	sld [smem:$0x3F9C];
	s0 =	simm.s32 @p0 $0x1  }
0x13: {  	[smem:$0x3FB7] =	sst s0;
	s0 =	simm.s32 @!p1 $0x0  }
0x14: {  	s2 =	sld [smem:$0x3F9B];
	s0 =	simm.s32 @p1 $0x1  }
0x15: {  	[smem:$0x3FB8] =	sst s0;
	s0 =	simm.s32 @!p2 $0x0  }
0x16: {  	s3 =	sld [smem:$0x3FDB];
	s0 =	simm.s32 @p2 $0x1  }
0x17: {  	s4 =	simm.s32 $0x1BF5;
	[smem:$0x3FBA] =	sst s0  }
0x18: {  	s0 =	sld [smem:$0x3F9D];
	_ =	swait.ge [sflag:s4], $0x0  }
0x19: {  	s7 =	sld [smem:$0x3F9E]  }
0x1a: {  	s8 =	sadd.s32 $0xFFFFE003, lr  }
0x1b: {  	s9 =	sadd.s32 $0xFFFFFEF7, lr;
	s5 =	simm.s32 $0xFFFFFFFF;
	p2 =	slt.u32 s8, $0xFFFFF086  }
0x1c: {  	p1 =	slt.u32 s9, $0xF7A;
	s5 =	simm.s32 @!p2 $0x0  }
0x1d: {  	s5 =	simm.s32 @p1 $0x1;
	p0 =	seq.s32 s7, s2  }
0x1e: {  	s7 =	smul.u32 @!p0 $0xF7A, s2;
	p2 =	seq.s32 @!p0 s5, $0x0  }
0x1f: {  	s9 =	smul.u32 $0xF7A, s1;
	s8 =	simm.s32 @!p0 $0x1BF5;
	p2 =	por !p2, p0  }
0x20: {  	[sflag:s8] =	ssyncset.s32 @!p0 $0xFFFFF086;
	s6 =	sadd.s32 @!p0 s3, s7;
	s7 =	simm.s32 @!p0 $0x108  }
0x21: {  	s3 =	sadd.s32 s3, s9;
	s6 =	sadd.s32 @!p0 $0x88, s6;
	s7 =	simm.s32 @p2 $0x1082  }
0x22: {  	[simem:s7], [sflag:s8] =	dma.local @!p0 [hbm:s6], $0xF7A  }
0x23: {  	s9 =	sor.u32 $0xD0000000, s2;
	s6 =	simm.s32 $0x108;
	_ =	swait.ge @!p0 [sflag:s8], $0x0  }
0x24: {  	s3 =	sadd.s32 $0x88, s3;
	s6 =	simm.s32 @!p1 $0x1082;
	[sflag:s4] =	ssyncset.s32 $0xFFFFF086  }
0x25: {  	[simem:s6], [sflag:s4] =	dma.local [hbm:s3], $0xF7A  }
0x26: {  	[smem:$0x3F9E] =	sst s1;
	(tag) =	ssettag s2;
	_ =	strace s9  }
0x27: {  	s1 =	sld [smem:$0x3FAE]  }
0x28: {  	s2 =	sld [smem:$0x3FAF]  }
0x29: {  	s4 =	sld [smem:$0x3FB1]  }
0x2a: {  	p0 =	seq.s32 s5, $0x0;
	s5 =	sld [smem:$0x3FB2]  }
0x2b: {  	s6 =	sld [smem:$0x3FB3]  }
0x2c: {  	s7 =	sld [smem:$0x3FB4]  }
0x2d: {  	s3 =	simm.s32 $0x108;
	s8 =	sld [smem:$0x3FB5]  }
0x2e: {  	s3 =	simm.s32 @!p0 $0x1082;
	s9 =	sld [smem:$0x3FB6]  }
0x2f: {  	lr =	sadd.s32 s0, s3;
	s0 =	sld [smem:$0x3FAD]  }
0x30: {  	s3 =	sld [smem:$0x3FB0]  }
0x31: {  	[smem:$0x3FB9] =	sst s10  }
0x32: {  	s10 =	sld [smem:$0x3FB7];
	_ =	sdelay $0x3  }
0x33: {  	p0 =	seq.s32 s10, $0x1;
	s10 =	sld [smem:$0x3FB9];
	_ =	sdelay $0x3  }
0x34: {  	[smem:$0x3FB9] =	sst s10  }
0x35: {  	s10 =	sld [smem:$0x3FB8];
	_ =	sdelay $0x3  }
0x36: {  	p1 =	seq.s32 s10, $0x1;
	s10 =	sld [smem:$0x3FB9];
	_ =	sdelay $0x3  }
0x37: {  	[smem:$0x3FB9] =	sst s10  }
0x38: {  	s10 =	sld [smem:$0x3FBA]  }
0x39: {  	_ = 	snop;
	(pc) =	sbr.ind lr, $3  }
0x3a: {  	_ = 	snop  }
0x3b: {  	_ = 	snop  }
0x3c: {  	p2 =	seq.s32 s10, $0x1;
	s10 =	sld [smem:$0x3FB9]  }
0x3d: {  	_ =	shalt  }
0x3e: {  	_ =	shalt  }
0x3f: {  	_ =	shalt  }
0x40: {  	_ =	shalt  }
0x41: {  	_ =	shalt  }
0x42: {  	_ =	shalt  }
0x43: {  	_ =	shalt  }
0x44: {  	_ =	shalt  }
0x45: {  	_ =	shalt  }
0x46: {  	_ =	shalt  }
0x47: {  	_ =	shalt  }
0x48: {  	_ =	shalt  }
0x49: {  	_ =	shalt  }
0x4a: {  	_ =	shalt  }
0x4b: {  	_ =	shalt  }
0x4c: {  	_ =	shalt  }
0x4d: {  	_ =	shalt  }
0x4e: {  	_ =	shalt  }
0x4f: {  	_ =	shalt  }
0x50: {  	_ =	shalt  }
0x51: {  	_ =	shalt  }
0x52: {  	_ =	shalt  }
0x53: {  	_ =	shalt  }
0x54: {  	_ =	shalt  }
0x55: {  	_ =	shalt  }
0x56: {  	_ =	shalt  }
0x57: {  	_ =	shalt  }
0x58: {  	_ =	shalt  }
0x59: {  	_ =	shalt  }
0x5a: {  	_ =	shalt  }
0x5b: {  	_ =	shalt  }
0x5c: {  	_ =	shalt  }
0x5d: {  	_ =	shalt  }
0x5e: {  	_ =	shalt  }
0x5f: {  	_ =	shalt  }
0x60: {  	_ =	shalt  }
0x61: {  	_ =	shalt  }
0x62: {  	_ =	shalt  }
0x63: {  	_ =	shalt  }
0x64: {  	_ =	shalt  }
0x65: {  	_ =	shalt  }
0x66: {  	_ =	shalt  }
0x67: {  	_ =	shalt  }
0x68: {  	_ =	shalt  }
0x69: {  	_ =	shalt  }
0x6a: {  	_ =	shalt  }
0x6b: {  	_ =	shalt  }
0x6c: {  	_ =	shalt  }
0x6d: {  	_ =	shalt  }
0x6e: {  	_ =	shalt  }
0x6f: {  	_ =	shalt  }
0x70: {  	_ =	shalt  }
0x71: {  	_ =	shalt  }
0x72: {  	_ =	shalt  }
0x73: {  	_ =	shalt  }
0x74: {  	_ =	shalt  }
0x75: {  	_ =	shalt  }
0x76: {  	_ =	shalt  }
0x77: {  	_ =	shalt  }
0x78: {  	_ =	shalt  }
0x79: {  	_ =	shalt  }
0x7a: {  	_ =	shalt  }
0x7b: {  	_ =	shalt  }
0x7c: {  	_ =	shalt  }
0x7d: {  	_ =	shalt  }
0x7e: {  	_ =	shalt  }
0x7f: {  	_ =	shalt  }
0x80: {  	_ =	shalt  }
0x81: {  	_ =	shalt  }
0x82: {  	_ =	shalt  }
0x83: {  	_ =	shalt  }
0x84: {  	_ =	shalt  }
0x85: {  	_ =	shalt  }
0x86: {  	_ =	shalt  }
0x87: {  	_ =	shalt  }
.Lfunc_end0:
.L_simem_size_0:
called_computation.1_lowered:
.L_overlay_start_0:
0x88: {  	s2 =	sld [smem:$0x3FD9]  }
0x89: {  	s3 =	sld [smem:$0x3FFE];
	_ =	sdelay $0x1  }
0x8a: {  	s1 =	srdreg.scid  }
0x8b: {  	s0 =	sand.u32 $0x1, s1  }
0x8c: {  	s17 =	sshll.u32 s0, $0xA;
	s2 =	sadd.s32 s3, s2  }
0x8d: {  	s2 =	sadd.s32 s2, s17  }
0x8e: {  	[smem:$0x3FC5] =	sst s2  }
0x8f: {  	_ = 	snop  }
0x90: {  	s2 =	sld [smem:$0x3FD0];
	(tm) =	ssettm $0x1  }
0x91: {  	s18 =	sld [smem:$0x3FFB];
	_ =	sdelay $0x3  }
0x92: {  	_ =	strace s18  }
0x93: {  	s3 =	sld [smem:$0x3FFC];
	_ =	sdelay $0x3  }
0x94: {  	_ =	strace s3  }
0x95: {  	s3 =	sld [smem:$0x3FFD];
	_ =	sdelay $0x3  }
0x96: {  	_ =	strace s3  }
0x97: {  	_ =	strace $0x8FFFFFFF  }
0x98: {  	s19 =	sld [smem:$0x3FDB];
	_ =	sdelay $0x1  }
0x99: {  	s4 =	simm.s32 $_scs_section_size  }
0x9a: {  	s5 =	simm.s32 $_size__tile_overlayer_lowered;
	s6 =	simm.s32 $_tile_overlayer_lowered  }
0x9b: {  	s22 =	simm.s32 $0x1BFF;
	s21 =	sshll.u32 s6, $0x1;
	s3 =	sadd.s32 s4, s19  }
0x9c: {  	s7 =	simm.s32 $0x0;
	s20 =	sshll.u32 s5, $0x1;
	s5 =	sadd.s32 s21, s3  }
0x9d: {  	[timem:s7], [sflag:s22] =	dma.local [hbm:s5], s20  }
0x9e: {  	_ =	swait.ge [sflag:s22], s20  }
0x9f: {  	s4 =	ssub.s32 $0x0, s20;
	[sflag:s22] =	ssyncset.done $0x0  }
0xa0: {  	[sflag:s22] =	ssyncadd.s32 s4;
	_ =	sdelay $0x1  }
0xa1: {  	s23 =	simm.s32 $0x1B8B  }
0xa2: {  	_ =	swait.ge [sflag:s23], $0x1  }
0xa3: {  	[sflag:s23] =	ssyncset.done $0x0  }
0xa4: {  	s25 =	simm.s32 $0x1B8E;
	s24 =	sld [smem:$0x3FFE];
	[sflag:s23] =	ssyncadd.s32 $0xFFFFFFFF  }
0xa5: {  	s26 =	simm.s32 $execute0_lowered;
	[smem:$0x3FD2] =	sst s25  }
0xa6: {  	s5 =	sshll.u32 s26, $0x1;
	_ =	strace $0x80000046;
	[dreg:$0x1] =	wrdreg $0xFFFFFFFF  }
0xa7: {  	s28 =	simm.s32 $_size_execute0_lowered;
	s3 =	sadd.s32 s3, s5;
	[dreg:$0x0] =	wrdreg $0x0  }
0xa8: {  	s5 =	sshll.u32 s28, $0x1;
	[dreg:$0x2] =	wrdreg s3  }
0xa9: {  	[dreg:$0x3] =	wrdreg s5  }
0xaa: {  	[dreg:$0x4] =	wrdreg $0xC0  }
0xab: {  	_ =	task [dreg:s7], $0x5FFFF  }
0xac: {  	[dreg:$0x1] =	wrdreg $0xFFFFFFFF  }
0xad: {  	[dreg:$0x0] =	wrdreg $0x60  }
0xae: {  	[dreg:$0x2] =	wrdreg s24  }
0xaf: {  	[dreg:$0x3] =	wrdreg s2  }
0xb0: {  	[dreg:$0x4] =	wrdreg $0x96000  }
0xb1: {  	[dreg:$0x5] =	wrdreg $0x9  }
0xb2: {  	_ =	task.clear_ibuf [dreg:s7], $0x6FFFF;
	_ =	strace $0x90000046  }
0xb3: {  	s29 =	simm.s32 $0x9;
	_ =	strace $0x80000048  }
0xb4: {  	_ =	swait.ge [sflag:s29], $0x1  }
0xb5: {  	[sflag:s29] =	ssyncadd.s32 $0xFFFFFFFF  }
0xb6: {  	_ =	strace $0x90000048  }
0xb7: {  	_ =	sfence  }
0xb8: {  	s30 =	sld [smem:$0x0];
	_ =	sdelay $0x2  }
0xb9: {  	s31 =	sshll.u32 s1, $0xD;
	s1 =	sshrl.u32 s1, $0x2  }
0xba: {  	s3 =	sand.u32 $0x4000, s31;
	s1 =	sadd.s32 s1, s30  }
0xbb: {  	s0 =	sor.u32 s3, s0;
	s1 =	sshll.u32 s1, $0x11  }
0xbc: {  	s0 =	sor.u32 s1, s0  }
0xbd: {  	s0 =	sadd.s32 $0x8F2B, s0  }
0xbe: {  	[sflag:s0] =	ssyncadd.remote.s32 $0x1  }
0xbf: {  	_ =	sfence.sel $0xFFFF  }
0xc0: {  	[dreg:$0x0] =	wrdreg $0xFFFFFFFF;
	(pc) =	sbr.abs _section_cstart, $3  }
0xc1: {  	[dreg:$0x1] =	wrdreg $0xFFFFFFFF  }
0xc2: {  	_ =	task.clear_ibuf [dreg:s7], $0x2FFFF;
	_ =	strace $0x9FFFFFFF  }
0xc3: {  	(tm) =	ssettm $0x7FFFFFFF  }
tec
execute0_lowered:
.L_overlay_start_1:
0x0: {  	(tag) =	ssettag $0x1  }
0x1: {  	s0 =	rddreg [dreg:$0x0]  }
0x2: {  	s1 =	rddreg [dreg:$0x1]  }
0x3: {  	s2 =	rddreg [dreg:$0x2]  }
0x4: {  	s3 =	srdreg.scid;
	s10 =	stileid.u32  }
0x5: {  	s6 =	simm.s32 $0x0;
	s15 =	simm.s32 $0x80;
	s17 =	simm.s32 $0x19  }
0x6: {  	s19 =	simm.s32 $0xFA00;
	s20 =	simm.s32 $0x1;
	s28 =	simm.s32 $0x15  }
0x7: {  	s29 =	simm.s32 $0x16;
	s30 =	simm.s32 $0x17;
	s31 =	simm.s32 $0x18  }
0x8: {  	s3 =	sand.u32 $0x1, s3;
	s4 =	sshll.u32 s10, $0x8;
	[smem:$0x7FF] =	sst s6  }
0x9: {  	s8 =	smul.u32 $0xC8, s10;
	s9 =	sadd.s32 $0x800, s2;
	s26 =	sshll.u32 s10, $0xB  }
0xa: {  	s10 =	sadd.s32 $0x1000, s2;
	s11 =	sadd.s32 $0x1800, s2;
	s18 =	sadd.s32 $0x2000, s2  }
0xb: {  	s5 =	sshll.u32 s3, $0x7;
	_ =	strace $0x80000047;
	s21 =	ssub.s32 $0x2, s3  }
0xc: {  	s1 =	sadd.s32 s26, s1;
	s3 =	sshll.u32 s3, $0xA;
	s26 =	simm.s32 $0x14  }
0xd: {  	s4 =	sor.u32 s5, s4;
	s7 =	sshrl.u32 s21, $0x1;
	s25 =	sadd.s32 $0xC8, s8  }
0xe: {  	s3 =	sadd.s32 s3, s1;
	s4 =	sshrl.u32 s4, $0x3;
	s23 =	ssub.s32 s21, s7  }
0xf: {  	s7 =	sshrl.u32 s8, $0x4;
	s8 =	sshrl.u32 s25, $0x4;
	s21 =	simm.s32 $0x2  }
.Ltmp0:
0x10: {  	s25 =	simm.s32 $0x13;
	s22 =	sadd.s32 s4, s0;
	(pc) =	sbr.rel .LBB2_1-.Ltmp0, $4  }
0x11: {  	s4 =	sadd.s32 $0xF43000, s0;
	s0 =	sadd.s32 $0x19C00, s0;
	p0 =	sge.u32 s7, s8  }
0x12: {  	[dreg:$0x4] =	wrdreg s0;
	s24 =	sadd.s32 $0xC00, s22;
	s0 =	smax.u32 s23, $0x1  }
0x13: {  	s23 =	simm.s32 $0x11A00;
	s22 =	simm.s32 $0x11;
	[dreg:$0x5] =	wrdreg s24  }
0x14: {  	[dreg:$0x6] =	wrdreg s0;
	s24 =	simm.s32 $0x12;
	s0 =	simm.s32 $0x0  }
.LBB2_15:
0x15: {  	_ =	swait.ge [sflag:s22], $0x2000  }
0x16: {  	[sflag:s22] =	ssyncset.done $0x0  }
0x17: {  	[sflag:s22] =	ssyncadd.s32 $0xFFFFE000  }
0x18: {  	_ =	swait.ge [sflag:s24], $0x2000  }
0x19: {  	[sflag:s24] =	ssyncset.done $0x0  }
0x1a: {  	[sflag:s24] =	ssyncadd.s32 $0xFFFFE000  }
0x1b: {  	_ =	swait.ge [sflag:s25], $0x2000  }
0x1c: {  	[sflag:s25] =	ssyncset.done $0x0  }
0x1d: {  	[sflag:s25] =	ssyncadd.s32 $0xFFFFE000  }
0x1e: {  	_ =	swait.ge [sflag:s26], $0x2000  }
0x1f: {  	[sflag:s26] =	ssyncset.done $0x0  }
0x20: {  	[sflag:s26] =	ssyncadd.s32 $0xFFFFE000  }
0x21: {  	_ =	swait.ge [sflag:s28], $0x2000  }
0x22: {  	[sflag:s28] =	ssyncset.done $0x0  }
0x23: {  	[sflag:s28] =	ssyncadd.s32 $0xFFFFE000  }
0x24: {  	_ =	swait.ge [sflag:s29], $0x2000  }
0x25: {  	[sflag:s29] =	ssyncset.done $0x0  }
0x26: {  	[sflag:s29] =	ssyncadd.s32 $0xFFFFE000  }
0x27: {  	_ =	swait.ge [sflag:s30], $0x2000  }
0x28: {  	[sflag:s30] =	ssyncset.done $0x0  }
0x29: {  	[sflag:s30] =	ssyncadd.s32 $0xFFFFE000  }
0x2a: {  	_ =	swait.ge [sflag:s31], $0x2000  }
0x2b: {  	s0 =	sadd.s32 $0x1, s0;
	s1 =	rddreg [dreg:$0x6]  }
0x2c: {  	p1 =	sne.s32 s0, s1  }
.Ltmp1:
0x2d: {  	_ = 	snop;
	(pc) =	sbr.rel @!p1 .LBB2_16-.Ltmp1, $3  }
0x2e: {  	_ =	sdelay $0x1  }
0x2f: {  	[sflag:s31] =	ssyncset.done $0x0  }
0x30: {  	[sflag:s31] =	ssyncadd.s32 $0xFFFFE000  }
.LBB2_1:
0x31: {  	s1 =	simm.s32 $0x0;
	s5 =	rddreg [dreg:$0x5];
	s6 =	simm.s32 $0x1000  }
0x32: {  	[tilespmem:s1], [sflag:$0x19] =	stream.strided.gather [hbm4b:s5+s15], $0x6400, s6, s15, $0x38;
	[tilespmem:$0x1FA00] =	vst v63  }
0x33: {  	_ =	swait.ge [sflag:s17], $0x6400  }
0x34: {  	s16 =	simm.s32 $0x6400;
	[sflag:s17] =	ssyncset.done $0x0  }
.Ltmp2:
0x35: {  	s14 =	rddreg [dreg:$0x4];
	[sflag:s17] =	ssyncadd.s32 $0xFFFF9C00;
	(pc) =	sbr.rel @p0 .LBB2_5-.Ltmp2, $4  }
0x36: {  	[tilespmem:s16], [sflag:$0x19] =	stream.linear.gather [hbm4b:s14+s1], $0x3200, $0x38;
	[tilespmem:$0x1FA00] =	vst v63  }
0x37: {  	_ =	swait.ge [sflag:s17], $0x3200  }
0x38: {  	[sflag:s17] =	ssyncset.done $0x0  }
0x39: {  	s1 =	smov.u32 s7;
	[sflag:s17] =	ssyncadd.s32 $0xFFFFCE00  }
.LBB2_2:
0x3a: {  	s5 =	sshll.u32 s1, $0x8  }
0x3b: {  	s5 =	sshra.s32 s5, $0x2  }
0x3c: {  	v3 =	vld [tilespmem:s5+$0x6430]  }
0x3d: {  	v2 =	vld [tilespmem:s5+$0x6420]  }
0x3e: {  	v1 =	vld [tilespmem:s5+$0x6400]  }
0x3f: {  	v0 =	vld [tilespmem:s5+$0x6410]  }
0x40: {  	s13 =	simm.s32 $0x100;
	s5 =	simm.s32 $0x0  }
.LBB2_3:
0x41: {  	p1 =	sne.s32 s13, $0x1F00;
	[tilespmem:s5+$0xFA30] =	vst v3;
	s14 =	smov.u32 s13;
	s13 =	sadd.s32 $0x100, s13  }
.Ltmp3:
0x42: {  	[tilespmem:s5+$0xFA20] =	vst v2;
	(pc) =	sbr.rel @p1 .LBB2_3-.Ltmp3, $3  }
0x43: {  	[tilespmem:s5+$0xFA00] =	vst v1  }
0x44: {  	[tilespmem:s5+$0xFA10] =	vst v0;
	_ =	sdelay $0x1  }
0x45: {  	s5 =	sshra.s32 s14, $0x2  }
0x46: {  	[tilespmem:s5+$0xFA30] =	vst v3  }
0x47: {  	[tilespmem:s5+$0xFA20] =	vst v2;
	s13 =	sshll.u32 s1, $0xD;
	s1 =	sadd.s32 $0x1, s1  }
0x48: {  	[tilespmem:s5+$0xFA00] =	vst v1;
	s13 =	sshra.s32 s13, $0x2;
	p1 =	sne.s32 s1, s8  }
.Ltmp4:
0x49: {  	[tilespmem:s5+$0xFA10] =	vst v0;
	s16 =	sadd.s32 s13, s2;
	(pc) =	sbr.rel @p1 .LBB2_2-.Ltmp4, $4  }
0x4a: {  	[spmem:s16] =	stream.linear.scatter [tilespmem:s19], [sflag:$0x19], $0x800, $0x38;
	[tilespmem:$0x1FA00] =	vst v63  }
0x4b: {  	_ =	swait.ge [sflag:s17], $0x800  }
0x4c: {  	[sflag:s17] =	ssyncset.done $0x0  }
0x4d: {  	[sflag:s17] =	ssyncadd.s32 $0xFFFFF800  }
.LBB2_5:
0x4e: {  	[bflag:$0x0] =	sbarrier.arrive $0xFFFF  }
0x4f: {  	[tilespmem:s19], [sflag:$0x1] =	stream.linear.gather [spmem:s2], $0x800, $0x38;
	[tilespmem:$0x1FA00] =	vst v63  }
0x50: {  	s1 =	simm.s32 $0x10200  }
0x51: {  	[tilespmem:s1], [sflag:$0x1] =	stream.linear.gather [spmem:s2], $0x800, $0x38;
	[tilespmem:$0x1FA00] =	vst v63  }
0x52: {  	s16 =	simm.s32 $0x10A00  }
0x53: {  	[tilespmem:s16], [sflag:$0x1] =	stream.linear.gather [spmem:s2], $0x800, $0x38;
	[tilespmem:$0x1FA00] =	vst v63  }
0x54: {  	s5 =	simm.s32 $0x11200  }
0x55: {  	[tilespmem:s5], [sflag:$0x1] =	stream.linear.gather [spmem:s2], $0x800, $0x38;
	[tilespmem:$0x1FA00] =	vst v63  }
0x56: {  	_ = 	snop  }
0x57: {  	[tilespmem:s23], [sflag:$0x2] =	stream.linear.gather [spmem:s9], $0x800, $0x38;
	[tilespmem:$0x1FA00] =	vst v63  }
0x58: {  	s6 =	simm.s32 $0x12200  }
0x59: {  	[tilespmem:s6], [sflag:$0x2] =	stream.linear.gather [spmem:s9], $0x800, $0x38;
	[tilespmem:$0x1FA00] =	vst v63  }
0x5a: {  	s12 =	simm.s32 $0x12A00  }
0x5b: {  	[tilespmem:s12], [sflag:$0x2] =	stream.linear.gather [spmem:s9], $0x800, $0x38;
	[tilespmem:$0x1FA00] =	vst v63  }
0x5c: {  	s13 =	simm.s32 $0x13200  }
0x5d: {  	[tilespmem:s13], [sflag:$0x2] =	stream.linear.gather [spmem:s9], $0x800, $0x38;
	[tilespmem:$0x1FA00] =	vst v63  }
0x5e: {  	s14 =	simm.s32 $0x13A00  }
0x5f: {  	[tilespmem:s14], [sflag:$0x3] =	stream.linear.gather [spmem:s10], $0x800, $0x38;
	[tilespmem:$0x1FA00] =	vst v63  }
0x60: {  	s16 =	simm.s32 $0x14200  }
0x61: {  	[tilespmem:s16], [sflag:$0x3] =	stream.linear.gather [spmem:s10], $0x800, $0x38;
	[tilespmem:$0x1FA00] =	vst v63  }
0x62: {  	s5 =	simm.s32 $0x14A00  }
0x63: {  	[tilespmem:s5], [sflag:$0x3] =	stream.linear.gather [spmem:s10], $0x800, $0x38;
	[tilespmem:$0x1FA00] =	vst v63  }
0x64: {  	s6 =	simm.s32 $0x15200  }
0x65: {  	[tilespmem:s6], [sflag:$0x3] =	stream.linear.gather [spmem:s10], $0x800, $0x38;
	[tilespmem:$0x1FA00] =	vst v63  }
0x66: {  	s12 =	simm.s32 $0x15A00  }
0x67: {  	[tilespmem:s12], [sflag:$0x4] =	stream.linear.gather [spmem:s11], $0x800, $0x38;
	[tilespmem:$0x1FA00] =	vst v63  }
0x68: {  	s13 =	simm.s32 $0x16200  }
0x69: {  	[tilespmem:s13], [sflag:$0x4] =	stream.linear.gather [spmem:s11], $0x800, $0x38;
	[tilespmem:$0x1FA00] =	vst v63  }
0x6a: {  	s14 =	simm.s32 $0x16A00  }
0x6b: {  	[tilespmem:s14], [sflag:$0x4] =	stream.linear.gather [spmem:s11], $0x800, $0x38;
	[tilespmem:$0x1FA00] =	vst v63  }
0x6c: {  	s16 =	simm.s32 $0x17200  }
0x6d: {  	[tilespmem:s16], [sflag:$0x4] =	stream.linear.gather [spmem:s11], $0x800, $0x38;
	[tilespmem:$0x1FA00] =	vst v63  }
0x6e: {  	_ =	swait.ge [sflag:s20], $0x800  }
0x6f: {  	[sflag:s20] =	ssyncset.done $0x0  }
0x70: {  	[sflag:s20] =	ssyncadd.s32 $0xFFFFF800  }
0x71: {  	_ =	swait.ge [sflag:s20], $0x800  }
0x72: {  	[sflag:s20] =	ssyncset.done $0x0  }
0x73: {  	[sflag:s20] =	ssyncadd.s32 $0xFFFFF800  }
0x74: {  	_ =	swait.ge [sflag:s20], $0x800  }
0x75: {  	[sflag:s20] =	ssyncset.done $0x0  }
0x76: {  	[sflag:s20] =	ssyncadd.s32 $0xFFFFF800  }
0x77: {  	_ =	swait.ge [sflag:s20], $0x800  }
0x78: {  	[sflag:s20] =	ssyncset.done $0x0  }
0x79: {  	s1 =	simm.s32 $0x0;
	[sflag:s20] =	ssyncadd.s32 $0xFFFFF800  }
0x7a: {  	[tilespmem:s19], [sflag:$0x9] =	stream.indirect.gather.add.f32 [hbm:s4], $0x40, s1, s15, $0xb8;
	[tilespmem:$0x1FA00] =	vst v63  }
0x7b: {  	_ =	swait.ge [sflag:s21], $0x800  }
0x7c: {  	[sflag:s21] =	ssyncset.done $0x0  }
0x7d: {  	[sflag:s21] =	ssyncadd.s32 $0xFFFFF800  }
0x7e: {  	_ =	swait.ge [sflag:s21], $0x800  }
0x7f: {  	[sflag:s21] =	ssyncset.done $0x0  }
0x80: {  	[sflag:s21] =	ssyncadd.s32 $0xFFFFF800  }
0x81: {  	_ =	swait.ge [sflag:s21], $0x800  }
0x82: {  	[sflag:s21] =	ssyncset.done $0x0  }
.Ltmp5:
0x83: {  	[sflag:s21] =	ssyncadd.s32 $0xFFFFF800;
	(pc) =	sbr.rel .LBB2_6-.Ltmp5, $4  }
0x84: {  	_ =	swait.ge [sflag:s21], $0x800  }
0x85: {  	s13 =	smov.u32 s3;
	[sflag:s21] =	ssyncset.done $0x0  }
0x86: {  	s14 =	smov.u32 s18;
	s16 =	simm.s32 $0x100;
	[sflag:s21] =	ssyncadd.s32 $0xFFFFF800  }
0x87: {  	[tilespmem:s23], [sflag:$0xA] =	stream.indirect.gather.add.f32 [hbm:s4], $0x40, s15, s15, $0xb8;
	[tilespmem:$0x1FA00] =	vst v63  }
.LBB2_13:
0x88: {  	p1 =	sgt.s32 s5, $0x5  }
0x89: {  	p2 =	seq.s32 @p1 s5, $0x6  }
0x8a: {  	p3 =	por !p2, !p1  }
0x8b: {  	s6 =	simm.s32 @!p3 $0x7  }
0x8c: {  	_ =	swait.ge @!p3 [sflag:s6], $0x800  }
0x8d: {  	[sflag:s6] =	ssyncset.done @!p3 $0x0  }
0x8e: {  	[sflag:s6] =	ssyncadd.s32 @!p3 $0xFFFFF800  }
0x8f: {  	_ =	swait.ge @!p3 [sflag:s6], $0x800  }
0x90: {  	[sflag:s6] =	ssyncset.done @!p3 $0x0  }
0x91: {  	[sflag:s6] =	ssyncadd.s32 @!p3 $0xFFFFF800  }
0x92: {  	_ =	swait.ge @!p3 [sflag:s6], $0x800  }
0x93: {  	[sflag:s6] =	ssyncset.done @!p3 $0x0  }
0x94: {  	[sflag:s6] =	ssyncadd.s32 @!p3 $0xFFFFF800  }
0x95: {  	_ =	swait.ge @!p3 [sflag:s6], $0x800  }
0x96: {  	p2 =	por p2, !p1;
	[sflag:s6] =	ssyncset.done @!p3 $0x0  }
0x97: {  	s12 =	simm.s32 @!p3 $0x1BA00;
	[sflag:s6] =	ssyncadd.s32 @!p3 $0xFFFFF800;
	s6 =	simm.s32 @!p3 $0x80  }
0x98: {  	[tilespmem:s12], [sflag:$0xF] =	stream.indirect.gather.add.f32 @!p3 [hbm:s4], $0x40, s16, s6, $0xb8;
	[tilespmem:$0x1FA00] =	vst v63  }
0x99: {  	s6 =	simm.s32 @!p2 $0x8  }
0x9a: {  	_ =	swait.ge @!p2 [sflag:s6], $0x800  }
0x9b: {  	[sflag:s6] =	ssyncset.done @!p2 $0x0  }
0x9c: {  	[sflag:s6] =	ssyncadd.s32 @!p2 $0xFFFFF800  }
0x9d: {  	_ =	swait.ge @!p2 [sflag:s6], $0x800  }
0x9e: {  	[sflag:s6] =	ssyncset.done @!p2 $0x0  }
0x9f: {  	[sflag:s6] =	ssyncadd.s32 @!p2 $0xFFFFF800  }
0xa0: {  	_ =	swait.ge @!p2 [sflag:s6], $0x800  }
0xa1: {  	[sflag:s6] =	ssyncset.done @!p2 $0x0  }
0xa2: {  	[sflag:s6] =	ssyncadd.s32 @!p2 $0xFFFFF800  }
0xa3: {  	_ =	swait.ge @!p2 [sflag:s6], $0x800  }
0xa4: {  	[sflag:s6] =	ssyncset.done @!p2 $0x0  }
0xa5: {  	s12 =	simm.s32 @!p2 $0x1DA00;
	[sflag:s6] =	ssyncadd.s32 @!p2 $0xFFFFF800;
	s6 =	simm.s32 @!p2 $0x80  }
0xa6: {  	[tilespmem:s12], [sflag:$0x10] =	stream.indirect.gather.add.f32 @!p2 [hbm:s4], $0x40, s16, s6, $0xb8;
	[tilespmem:$0x1FA00] =	vst v63  }
0xa7: {  	p2 =	seq.s32 @!p1 s5, $0x4  }
0xa8: {  	p3 =	por !p2, p1  }
0xa9: {  	s5 =	simm.s32 @!p3 $0x5  }
0xaa: {  	_ =	swait.ge @!p3 [sflag:s5], $0x800  }
0xab: {  	[sflag:s5] =	ssyncset.done @!p3 $0x0  }
0xac: {  	[sflag:s5] =	ssyncadd.s32 @!p3 $0xFFFFF800  }
0xad: {  	_ =	swait.ge @!p3 [sflag:s5], $0x800  }
0xae: {  	[sflag:s5] =	ssyncset.done @!p3 $0x0  }
0xaf: {  	[sflag:s5] =	ssyncadd.s32 @!p3 $0xFFFFF800  }
0xb0: {  	_ =	swait.ge @!p3 [sflag:s5], $0x800  }
0xb1: {  	[sflag:s5] =	ssyncset.done @!p3 $0x0  }
0xb2: {  	[sflag:s5] =	ssyncadd.s32 @!p3 $0xFFFFF800  }
0xb3: {  	_ =	swait.ge @!p3 [sflag:s5], $0x800  }
0xb4: {  	p1 =	por p2, p1;
	[sflag:s5] =	ssyncset.done @!p3 $0x0  }
0xb5: {  	s6 =	simm.s32 @!p3 $0x17A00;
	[sflag:s5] =	ssyncadd.s32 @!p3 $0xFFFFF800;
	s5 =	simm.s32 @!p3 $0x80  }
0xb6: {  	[tilespmem:s6], [sflag:$0xD] =	stream.indirect.gather.add.f32 @!p3 [hbm:s4], $0x40, s16, s5, $0xb8;
	[tilespmem:$0x1FA00] =	vst v63  }
0xb7: {  	s5 =	simm.s32 @!p1 $0x6  }
0xb8: {  	_ =	swait.ge @!p1 [sflag:s5], $0x800  }
0xb9: {  	[sflag:s5] =	ssyncset.done @!p1 $0x0  }
0xba: {  	[sflag:s5] =	ssyncadd.s32 @!p1 $0xFFFFF800  }
0xbb: {  	_ =	swait.ge @!p1 [sflag:s5], $0x800  }
0xbc: {  	[sflag:s5] =	ssyncset.done @!p1 $0x0  }
0xbd: {  	[sflag:s5] =	ssyncadd.s32 @!p1 $0xFFFFF800  }
0xbe: {  	_ =	swait.ge @!p1 [sflag:s5], $0x800  }
0xbf: {  	[sflag:s5] =	ssyncset.done @!p1 $0x0  }
0xc0: {  	[sflag:s5] =	ssyncadd.s32 @!p1 $0xFFFFF800  }
0xc1: {  	_ =	swait.ge @!p1 [sflag:s5], $0x800  }
0xc2: {  	[sflag:s5] =	ssyncset.done @!p1 $0x0  }
0xc3: {  	s6 =	simm.s32 @!p1 $0x19A00;
	[sflag:s5] =	ssyncadd.s32 @!p1 $0xFFFFF800;
	s5 =	simm.s32 @!p1 $0x80  }
0xc4: {  	[tilespmem:s6], [sflag:$0xE] =	stream.indirect.gather.add.f32 @!p1 [hbm:s4], $0x40, s16, s5, $0xb8;
	[tilespmem:$0x1FA00] =	vst v63  }
.LBB2_14:
0xc5: {  	s5 =	sand.u32 $0x7, s1  }
0xc6: {  	p1 =	sgt.s32 s5, $0x3  }
0xc7: {  	p2 =	sgt.s32 @p1 s5, $0x5  }
0xc8: {  	p3 =	por !p2, !p1  }
0xc9: {  	p3 =	seq.s32 @!p3 s5, $0x6  }
0xca: {  	p4 =	por @p1 !p3, !p2  }
0xcb: {  	p4 =	por p4, !p1  }
0xcc: {  	s6 =	simm.s32 @!p4 $0xF  }
0xcd: {  	p3 =	por @p1 p3, !p2;
	_ =	swait.ge @!p4 [sflag:s6], $0x2000  }
0xce: {  	p3 =	por p3, !p1;
	[sflag:s6] =	ssyncset.done @!p4 $0x0  }
0xcf: {  	s12 =	simm.s32 @!p4 $0x1BA00;
	[sflag:s6] =	ssyncadd.s32 @!p4 $0xFFFFE000;
	s6 =	simm.s32 @!p4 $0x0  }
0xd0: {  	[hbm4b:s13+s6] =	stream.linear.scatter @!p4 [tilespmem:s12], [sflag:$0x17], $0x2000, $0x38;
	[tilespmem:$0x1FA00] =	vst v63  }
0xd1: {  	s6 =	simm.s32 @!p3 $0x10  }
0xd2: {  	_ =	swait.ge @!p3 [sflag:s6], $0x2000  }
0xd3: {  	[sflag:s6] =	ssyncset.done @!p3 $0x0  }
0xd4: {  	s12 =	simm.s32 @!p3 $0x1DA00;
	[sflag:s6] =	ssyncadd.s32 @!p3 $0xFFFFE000;
	s6 =	simm.s32 @!p3 $0x0  }
0xd5: {  	[hbm4b:s13+s6] =	stream.linear.scatter @!p3 [tilespmem:s12], [sflag:$0x18], $0x2000, $0x38;
	[tilespmem:$0x1FA00] =	vst v63  }
0xd6: {  	p3 =	por p2, !p1  }
0xd7: {  	p3 =	seq.s32 @!p3 s5, $0x4  }
0xd8: {  	p4 =	por @p1 !p3, p2  }
0xd9: {  	p4 =	por p4, !p1  }
0xda: {  	s6 =	simm.s32 @!p4 $0xD  }
0xdb: {  	p2 =	por @p1 p3, p2;
	_ =	swait.ge @!p4 [sflag:s6], $0x2000  }
0xdc: {  	p2 =	por p2, !p1;
	[sflag:s6] =	ssyncset.done @!p4 $0x0  }
0xdd: {  	s12 =	simm.s32 @!p4 $0x17A00;
	[sflag:s6] =	ssyncadd.s32 @!p4 $0xFFFFE000;
	s6 =	simm.s32 @!p4 $0x0  }
0xde: {  	[hbm4b:s13+s6] =	stream.linear.scatter @!p4 [tilespmem:s12], [sflag:$0x15], $0x2000, $0x38;
	[tilespmem:$0x1FA00] =	vst v63  }
0xdf: {  	s6 =	simm.s32 @!p2 $0xE  }
0xe0: {  	_ =	swait.ge @!p2 [sflag:s6], $0x2000  }
0xe1: {  	[sflag:s6] =	ssyncset.done @!p2 $0x0  }
0xe2: {  	s12 =	simm.s32 @!p2 $0x19A00;
	[sflag:s6] =	ssyncadd.s32 @!p2 $0xFFFFE000;
	s6 =	simm.s32 @!p2 $0x0  }
0xe3: {  	[hbm4b:s13+s6] =	stream.linear.scatter @!p2 [tilespmem:s12], [sflag:$0x16], $0x2000, $0x38;
	[tilespmem:$0x1FA00] =	vst v63  }
0xe4: {  	p2 =	sgt.s32 @!p1 s5, $0x1  }
0xe5: {  	p3 =	por !p2, p1  }
0xe6: {  	p3 =	seq.s32 @!p3 s5, $0x2  }
0xe7: {  	p4 =	por @!p1 !p3, !p2  }
0xe8: {  	p4 =	por p4, p1  }
0xe9: {  	s6 =	simm.s32 @!p4 $0xB  }
0xea: {  	p3 =	por @!p1 p3, !p2;
	_ =	swait.ge @!p4 [sflag:s6], $0x2000  }
0xeb: {  	p3 =	por p3, p1;
	[sflag:s6] =	ssyncset.done @!p4 $0x0  }
0xec: {  	s12 =	simm.s32 @!p4 $0x13A00;
	[sflag:s6] =	ssyncadd.s32 @!p4 $0xFFFFE000;
	s6 =	simm.s32 @!p4 $0x0  }
0xed: {  	[hbm4b:s13+s6] =	stream.linear.scatter @!p4 [tilespmem:s12], [sflag:$0x13], $0x2000, $0x38;
	[tilespmem:$0x1FA00] =	vst v63  }
0xee: {  	s6 =	simm.s32 @!p3 $0xC  }
0xef: {  	_ =	swait.ge @!p3 [sflag:s6], $0x2000  }
0xf0: {  	[sflag:s6] =	ssyncset.done @!p3 $0x0  }
0xf1: {  	s12 =	simm.s32 @!p3 $0x15A00;
	[sflag:s6] =	ssyncadd.s32 @!p3 $0xFFFFE000;
	s6 =	simm.s32 @!p3 $0x0  }
0xf2: {  	[hbm4b:s13+s6] =	stream.linear.scatter @!p3 [tilespmem:s12], [sflag:$0x14], $0x2000, $0x38;
	[tilespmem:$0x1FA00] =	vst v63  }
0xf3: {  	p3 =	por p2, p1  }
0xf4: {  	p3 =	seq.s32 @!p3 s5, $0x0  }
0xf5: {  	p4 =	por @!p1 !p3, p2  }
0xf6: {  	p4 =	por p4, p1  }
0xf7: {  	s5 =	simm.s32 @!p4 $0x9  }
0xf8: {  	p2 =	por @!p1 p3, p2;
	_ =	swait.ge @!p4 [sflag:s5], $0x2000  }
0xf9: {  	p1 =	por p2, p1;
	[sflag:s5] =	ssyncset.done @!p4 $0x0  }
0xfa: {  	s6 =	simm.s32 @!p4 $0xFA00;
	[sflag:s5] =	ssyncadd.s32 @!p4 $0xFFFFE000;
	s5 =	simm.s32 @!p4 $0x0  }
0xfb: {  	[hbm4b:s13+s5] =	stream.linear.scatter @!p4 [tilespmem:s6], [sflag:$0x11], $0x2000, $0x38;
	[tilespmem:$0x1FA00] =	vst v63  }
0xfc: {  	s5 =	simm.s32 @!p1 $0xA  }
0xfd: {  	_ =	swait.ge @!p1 [sflag:s5], $0x2000  }
0xfe: {  	s1 =	sadd.s32 $0x1, s1;
	[sflag:s5] =	ssyncset.done @!p1 $0x0  }
0xff: {  	s6 =	simm.s32 @!p1 $0x11A00;
	[sflag:s5] =	ssyncadd.s32 @!p1 $0xFFFFE000;
	s5 =	simm.s32 @!p1 $0x0  }
0x100: {  	[hbm4b:s13+s5] =	stream.linear.scatter @!p1 [tilespmem:s6], [sflag:$0x12], $0x2000, $0x38;
	[tilespmem:$0x1FA00] =	vst v63  }
0x101: {  	p1 =	sne.s32 s1, $0xC8  }
.Ltmp6:
0x102: {  	_ = 	snop;
	(pc) =	sbr.rel @!p1 .LBB2_15-.Ltmp6, $2  }
0x103: {  	_ =	sdelay $0x2  }
0x104: {  	s14 =	sadd.s32 $0x800, s14;
	s16 =	sadd.s32 $0x80, s16;
	s13 =	sadd.s32 $0x8000, s13  }
.LBB2_6:
0x105: {  	p1 =	sgt.u32 s1, $0xC3  }
.Ltmp7:
0x106: {  	_ = 	snop;
	(pc) =	sbr.rel @p1 .LBB2_10-.Ltmp7, $1  }
0x107: {  	_ =	sdelay $0x3  }
0x108: {  	s5 =	sadd.s32 $0x4, s1  }
0x109: {  	s5 =	sand.u32 $0x7, s5  }
0x10a: {  	p1 =	sgt.s32 s5, $0x3  }
.Ltmp8:
0x10b: {  	_ = 	snop;
	(pc) =	sbr.rel @p1 .LBB2_9-.Ltmp8, $1  }
0x10c: {  	_ =	sdelay $0x3  }
0x10d: {  	p1 =	sgt.s32 s5, $0x1  }
0x10e: {  	p2 =	seq.s32 @p1 s5, $0x2  }
0x10f: {  	p3 =	por !p2, !p1  }
0x110: {  	p4 =	slt.u32 @!p3 s1, $0x4  }
0x111: {  	p4 =	por @p1 p4, !p2  }
0x112: {  	p4 =	por p4, !p1  }
0x113: {  	s6 =	simm.s32 @!p4 $0x13  }
0x114: {  	_ =	swait.ge @!p4 [sflag:s6], $0x2000  }
0x115: {  	[sflag:s6] =	ssyncset.done @!p4 $0x0  }
0x116: {  	[sflag:s6] =	ssyncadd.s32 @!p4 $0xFFFFE000;
	s6 =	simm.s32 @!p3 $0x13A00  }
0x117: {  	[tilespmem:s6], [sflag:$0x3] =	stream.linear.gather @!p3 [spmem:s14], $0x800, $0x38;
	[tilespmem:$0x1FA00] =	vst v63  }
0x118: {  	s6 =	simm.s32 @!p3 $0x14200  }
0x119: {  	[tilespmem:s6], [sflag:$0x3] =	stream.linear.gather @!p3 [spmem:s14], $0x800, $0x38;
	[tilespmem:$0x1FA00] =	vst v63  }
0x11a: {  	s6 =	simm.s32 @!p3 $0x14A00  }
0x11b: {  	[tilespmem:s6], [sflag:$0x3] =	stream.linear.gather @!p3 [spmem:s14], $0x800, $0x38;
	[tilespmem:$0x1FA00] =	vst v63  }
0x11c: {  	s6 =	simm.s32 @!p3 $0x15200  }
0x11d: {  	[tilespmem:s6], [sflag:$0x3] =	stream.linear.gather @!p3 [spmem:s14], $0x800, $0x38;
	[tilespmem:$0x1FA00] =	vst v63  }
0x11e: {  	p3 =	por p2, !p1  }
0x11f: {  	p4 =	slt.u32 @!p3 s1, $0x4  }
0x120: {  	p2 =	por @p1 p4, p2  }
0x121: {  	p2 =	por p2, !p1  }
0x122: {  	s6 =	simm.s32 @!p2 $0x14  }
0x123: {  	_ =	swait.ge @!p2 [sflag:s6], $0x2000  }
0x124: {  	[sflag:s6] =	ssyncset.done @!p2 $0x0  }
0x125: {  	[sflag:s6] =	ssyncadd.s32 @!p2 $0xFFFFE000;
	s6 =	simm.s32 @!p3 $0x15A00  }
0x126: {  	[tilespmem:s6], [sflag:$0x4] =	stream.linear.gather @!p3 [spmem:s14], $0x800, $0x38;
	[tilespmem:$0x1FA00] =	vst v63  }
0x127: {  	s6 =	simm.s32 @!p3 $0x16200  }
0x128: {  	[tilespmem:s6], [sflag:$0x4] =	stream.linear.gather @!p3 [spmem:s14], $0x800, $0x38;
	[tilespmem:$0x1FA00] =	vst v63  }
0x129: {  	s6 =	simm.s32 @!p3 $0x16A00  }
0x12a: {  	[tilespmem:s6], [sflag:$0x4] =	stream.linear.gather @!p3 [spmem:s14], $0x800, $0x38;
	[tilespmem:$0x1FA00] =	vst v63  }
0x12b: {  	p2 =	seq.s32 @!p1 s5, $0x0;
	s6 =	simm.s32 @!p3 $0x17200  }
0x12c: {  	[tilespmem:s6], [sflag:$0x4] =	stream.linear.gather @!p3 [spmem:s14], $0x800, $0x38;
	[tilespmem:$0x1FA00] =	vst v63  }
0x12d: {  	p3 =	por !p2, p1  }
0x12e: {  	p4 =	slt.u32 @!p3 s1, $0x4  }
0x12f: {  	p4 =	por @!p1 p4, !p2  }
0x130: {  	p4 =	por p4, p1  }
0x131: {  	s5 =	simm.s32 @!p4 $0x11  }
0x132: {  	_ =	swait.ge @!p4 [sflag:s5], $0x2000  }
0x133: {  	[sflag:s5] =	ssyncset.done @!p4 $0x0  }
0x134: {  	[sflag:s5] =	ssyncadd.s32 @!p4 $0xFFFFE000;
	s5 =	simm.s32 @!p3 $0xFA00  }
0x135: {  	[tilespmem:s5], [sflag:$0x1] =	stream.linear.gather @!p3 [spmem:s14], $0x800, $0x38;
	[tilespmem:$0x1FA00] =	vst v63  }
0x136: {  	s5 =	simm.s32 @!p3 $0x10200  }
0x137: {  	[tilespmem:s5], [sflag:$0x1] =	stream.linear.gather @!p3 [spmem:s14], $0x800, $0x38;
	[tilespmem:$0x1FA00] =	vst v63  }
0x138: {  	s5 =	simm.s32 @!p3 $0x10A00  }
0x139: {  	[tilespmem:s5], [sflag:$0x1] =	stream.linear.gather @!p3 [spmem:s14], $0x800, $0x38;
	[tilespmem:$0x1FA00] =	vst v63  }
0x13a: {  	s5 =	simm.s32 @!p3 $0x11200  }
0x13b: {  	[tilespmem:s5], [sflag:$0x1] =	stream.linear.gather @!p3 [spmem:s14], $0x800, $0x38;
	[tilespmem:$0x1FA00] =	vst v63  }
0x13c: {  	p3 =	por p2, p1  }
0x13d: {  	p4 =	slt.u32 @!p3 s1, $0x4  }
0x13e: {  	p2 =	por @!p1 p4, p2  }
0x13f: {  	p1 =	por p2, p1  }
0x140: {  	s5 =	simm.s32 @!p1 $0x12  }
0x141: {  	_ =	swait.ge @!p1 [sflag:s5], $0x2000  }
0x142: {  	[sflag:s5] =	ssyncset.done @!p1 $0x0  }
0x143: {  	[sflag:s5] =	ssyncadd.s32 @!p1 $0xFFFFE000;
	s5 =	simm.s32 @!p3 $0x11A00  }
0x144: {  	[tilespmem:s5], [sflag:$0x2] =	stream.linear.gather @!p3 [spmem:s14], $0x800, $0x38;
	[tilespmem:$0x1FA00] =	vst v63  }
0x145: {  	s5 =	simm.s32 @!p3 $0x12200  }
0x146: {  	[tilespmem:s5], [sflag:$0x2] =	stream.linear.gather @!p3 [spmem:s14], $0x800, $0x38;
	[tilespmem:$0x1FA00] =	vst v63  }
.Ltmp9:
0x147: {  	_ = 	snop;
	(pc) =	sbr.rel .LBB2_11-.Ltmp9, $4  }
0x148: {  	s5 =	simm.s32 @!p3 $0x12A00  }
0x149: {  	[tilespmem:s5], [sflag:$0x2] =	stream.linear.gather @!p3 [spmem:s14], $0x800, $0x38;
	[tilespmem:$0x1FA00] =	vst v63  }
0x14a: {  	s5 =	simm.s32 @!p3 $0x13200  }
0x14b: {  	[tilespmem:s5], [sflag:$0x2] =	stream.linear.gather @!p3 [spmem:s14], $0x800, $0x38;
	[tilespmem:$0x1FA00] =	vst v63  }
.LBB2_10:
0x14c: {  	p1 =	sgt.u32 s1, $0xC5  }
.Ltmp10:
0x14d: {  	_ = 	snop;
	(pc) =	sbr.rel @p1 .LBB2_14-.Ltmp10, $4  }
.Ltmp11:
0x14e: {  	_ = 	snop;
	(pc) =	sbr.rel @!p1 .LBB2_11-.Ltmp11, $4  }
0x14f: {  	_ = 	snop  }
0x150: {  	_ = 	snop  }
0x151: {  	_ = 	snop  }
0x152: {  	_ = 	snop  }
.LBB2_9:
0x153: {  	p1 =	sgt.s32 s5, $0x5  }
0x154: {  	p2 =	seq.s32 @p1 s5, $0x6  }
0x155: {  	p3 =	por !p2, !p1  }
0x156: {  	p4 =	slt.u32 @!p3 s1, $0x4  }
0x157: {  	p4 =	por @p1 p4, !p2  }
0x158: {  	p4 =	por p4, !p1  }
0x159: {  	s6 =	simm.s32 @!p4 $0x17  }
0x15a: {  	_ =	swait.ge @!p4 [sflag:s6], $0x2000  }
0x15b: {  	[sflag:s6] =	ssyncset.done @!p4 $0x0  }
0x15c: {  	[sflag:s6] =	ssyncadd.s32 @!p4 $0xFFFFE000;
	s6 =	simm.s32 @!p3 $0x1BA00  }
0x15d: {  	[tilespmem:s6], [sflag:$0x7] =	stream.linear.gather @!p3 [spmem:s14], $0x800, $0x38;
	[tilespmem:$0x1FA00] =	vst v63  }
0x15e: {  	s6 =	simm.s32 @!p3 $0x1C200  }
0x15f: {  	[tilespmem:s6], [sflag:$0x7] =	stream.linear.gather @!p3 [spmem:s14], $0x800, $0x38;
	[tilespmem:$0x1FA00] =	vst v63  }
0x160: {  	s6 =	simm.s32 @!p3 $0x1CA00  }
0x161: {  	[tilespmem:s6], [sflag:$0x7] =	stream.linear.gather @!p3 [spmem:s14], $0x800, $0x38;
	[tilespmem:$0x1FA00] =	vst v63  }
0x162: {  	s6 =	simm.s32 @!p3 $0x1D200  }
0x163: {  	[tilespmem:s6], [sflag:$0x7] =	stream.linear.gather @!p3 [spmem:s14], $0x800, $0x38;
	[tilespmem:$0x1FA00] =	vst v63  }
0x164: {  	p3 =	por p2, !p1  }
0x165: {  	p4 =	slt.u32 @!p3 s1, $0x4  }
0x166: {  	p2 =	por @p1 p4, p2  }
0x167: {  	p2 =	por p2, !p1  }
0x168: {  	s6 =	simm.s32 @!p2 $0x18  }
0x169: {  	_ =	swait.ge @!p2 [sflag:s6], $0x2000  }
0x16a: {  	[sflag:s6] =	ssyncset.done @!p2 $0x0  }
0x16b: {  	[sflag:s6] =	ssyncadd.s32 @!p2 $0xFFFFE000;
	s6 =	simm.s32 @!p3 $0x1DA00  }
0x16c: {  	[tilespmem:s6], [sflag:$0x8] =	stream.linear.gather @!p3 [spmem:s14], $0x800, $0x38;
	[tilespmem:$0x1FA00] =	vst v63  }
0x16d: {  	s6 =	simm.s32 @!p3 $0x1E200  }
0x16e: {  	[tilespmem:s6], [sflag:$0x8] =	stream.linear.gather @!p3 [spmem:s14], $0x800, $0x38;
	[tilespmem:$0x1FA00] =	vst v63  }
0x16f: {  	s6 =	simm.s32 @!p3 $0x1EA00  }
0x170: {  	[tilespmem:s6], [sflag:$0x8] =	stream.linear.gather @!p3 [spmem:s14], $0x800, $0x38;
	[tilespmem:$0x1FA00] =	vst v63  }
0x171: {  	p2 =	seq.s32 @!p1 s5, $0x4;
	s6 =	simm.s32 @!p3 $0x1F200  }
0x172: {  	[tilespmem:s6], [sflag:$0x8] =	stream.linear.gather @!p3 [spmem:s14], $0x800, $0x38;
	[tilespmem:$0x1FA00] =	vst v63  }
0x173: {  	p3 =	por !p2, p1  }
0x174: {  	p4 =	slt.u32 @!p3 s1, $0x4  }
0x175: {  	p4 =	por @!p1 p4, !p2  }
0x176: {  	p4 =	por p4, p1  }
0x177: {  	s5 =	simm.s32 @!p4 $0x15  }
0x178: {  	_ =	swait.ge @!p4 [sflag:s5], $0x2000  }
0x179: {  	[sflag:s5] =	ssyncset.done @!p4 $0x0  }
0x17a: {  	[sflag:s5] =	ssyncadd.s32 @!p4 $0xFFFFE000;
	s5 =	simm.s32 @!p3 $0x17A00  }
0x17b: {  	[tilespmem:s5], [sflag:$0x5] =	stream.linear.gather @!p3 [spmem:s14], $0x800, $0x38;
	[tilespmem:$0x1FA00] =	vst v63  }
0x17c: {  	s5 =	simm.s32 @!p3 $0x18200  }
0x17d: {  	[tilespmem:s5], [sflag:$0x5] =	stream.linear.gather @!p3 [spmem:s14], $0x800, $0x38;
	[tilespmem:$0x1FA00] =	vst v63  }
0x17e: {  	s5 =	simm.s32 @!p3 $0x18A00  }
0x17f: {  	[tilespmem:s5], [sflag:$0x5] =	stream.linear.gather @!p3 [spmem:s14], $0x800, $0x38;
	[tilespmem:$0x1FA00] =	vst v63  }
0x180: {  	s5 =	simm.s32 @!p3 $0x19200  }
0x181: {  	[tilespmem:s5], [sflag:$0x5] =	stream.linear.gather @!p3 [spmem:s14], $0x800, $0x38;
	[tilespmem:$0x1FA00] =	vst v63  }
0x182: {  	p3 =	por p2, p1  }
0x183: {  	p4 =	slt.u32 @!p3 s1, $0x4  }
0x184: {  	p2 =	por @!p1 p4, p2  }
0x185: {  	p1 =	por p2, p1  }
0x186: {  	s5 =	simm.s32 @!p1 $0x16  }
0x187: {  	_ =	swait.ge @!p1 [sflag:s5], $0x2000  }
0x188: {  	[sflag:s5] =	ssyncset.done @!p1 $0x0  }
0x189: {  	[sflag:s5] =	ssyncadd.s32 @!p1 $0xFFFFE000;
	s5 =	simm.s32 @!p3 $0x19A00  }
0x18a: {  	[tilespmem:s5], [sflag:$0x6] =	stream.linear.gather @!p3 [spmem:s14], $0x800, $0x38;
	[tilespmem:$0x1FA00] =	vst v63  }
0x18b: {  	s5 =	simm.s32 @!p3 $0x1A200  }
0x18c: {  	[tilespmem:s5], [sflag:$0x6] =	stream.linear.gather @!p3 [spmem:s14], $0x800, $0x38;
	[tilespmem:$0x1FA00] =	vst v63  }
0x18d: {  	s5 =	simm.s32 @!p3 $0x1AA00  }
0x18e: {  	[tilespmem:s5], [sflag:$0x6] =	stream.linear.gather @!p3 [spmem:s14], $0x800, $0x38;
	[tilespmem:$0x1FA00] =	vst v63  }
0x18f: {  	s5 =	simm.s32 @!p3 $0x1B200  }
0x190: {  	[tilespmem:s5], [sflag:$0x6] =	stream.linear.gather @!p3 [spmem:s14], $0x800, $0x38;
	[tilespmem:$0x1FA00] =	vst v63  }
.LBB2_11:
0x191: {  	s5 =	sadd.s32 $0x2, s1  }
0x192: {  	s5 =	sand.u32 $0x7, s5  }
0x193: {  	p1 =	sgt.s32 s5, $0x3  }
.Ltmp12:
0x194: {  	_ = 	snop;
	(pc) =	sbr.rel @p1 .LBB2_13-.Ltmp12, $1  }
0x195: {  	_ =	sdelay $0x3  }
0x196: {  	p1 =	sgt.s32 s5, $0x1  }
0x197: {  	p2 =	seq.s32 @p1 s5, $0x2  }
0x198: {  	p3 =	por !p2, !p1  }
0x199: {  	s6 =	simm.s32 @!p3 $0x3  }
0x19a: {  	_ =	swait.ge @!p3 [sflag:s6], $0x800  }
0x19b: {  	[sflag:s6] =	ssyncset.done @!p3 $0x0  }
0x19c: {  	[sflag:s6] =	ssyncadd.s32 @!p3 $0xFFFFF800  }
0x19d: {  	_ =	swait.ge @!p3 [sflag:s6], $0x800  }
0x19e: {  	[sflag:s6] =	ssyncset.done @!p3 $0x0  }
0x19f: {  	[sflag:s6] =	ssyncadd.s32 @!p3 $0xFFFFF800  }
0x1a0: {  	_ =	swait.ge @!p3 [sflag:s6], $0x800  }
0x1a1: {  	[sflag:s6] =	ssyncset.done @!p3 $0x0  }
0x1a2: {  	[sflag:s6] =	ssyncadd.s32 @!p3 $0xFFFFF800  }
0x1a3: {  	_ =	swait.ge @!p3 [sflag:s6], $0x800  }
0x1a4: {  	p2 =	por p2, !p1;
	[sflag:s6] =	ssyncset.done @!p3 $0x0  }
0x1a5: {  	s12 =	simm.s32 @!p3 $0x13A00;
	[sflag:s6] =	ssyncadd.s32 @!p3 $0xFFFFF800;
	s6 =	simm.s32 @!p3 $0x80  }
0x1a6: {  	[tilespmem:s12], [sflag:$0xB] =	stream.indirect.gather.add.f32 @!p3 [hbm:s4], $0x40, s16, s6, $0xb8;
	[tilespmem:$0x1FA00] =	vst v63  }
0x1a7: {  	s6 =	simm.s32 @!p2 $0x4  }
0x1a8: {  	_ =	swait.ge @!p2 [sflag:s6], $0x800  }
0x1a9: {  	[sflag:s6] =	ssyncset.done @!p2 $0x0  }
0x1aa: {  	[sflag:s6] =	ssyncadd.s32 @!p2 $0xFFFFF800  }
0x1ab: {  	_ =	swait.ge @!p2 [sflag:s6], $0x800  }
0x1ac: {  	[sflag:s6] =	ssyncset.done @!p2 $0x0  }
0x1ad: {  	[sflag:s6] =	ssyncadd.s32 @!p2 $0xFFFFF800  }
0x1ae: {  	_ =	swait.ge @!p2 [sflag:s6], $0x800  }
0x1af: {  	[sflag:s6] =	ssyncset.done @!p2 $0x0  }
0x1b0: {  	[sflag:s6] =	ssyncadd.s32 @!p2 $0xFFFFF800  }
0x1b1: {  	_ =	swait.ge @!p2 [sflag:s6], $0x800  }
0x1b2: {  	[sflag:s6] =	ssyncset.done @!p2 $0x0  }
0x1b3: {  	s12 =	simm.s32 @!p2 $0x15A00;
	[sflag:s6] =	ssyncadd.s32 @!p2 $0xFFFFF800;
	s6 =	simm.s32 @!p2 $0x80  }
0x1b4: {  	[tilespmem:s12], [sflag:$0xC] =	stream.indirect.gather.add.f32 @!p2 [hbm:s4], $0x40, s16, s6, $0xb8;
	[tilespmem:$0x1FA00] =	vst v63  }
0x1b5: {  	p2 =	seq.s32 @!p1 s5, $0x0  }
0x1b6: {  	p3 =	por !p2, p1  }
0x1b7: {  	s5 =	simm.s32 @!p3 $0x1  }
0x1b8: {  	_ =	swait.ge @!p3 [sflag:s5], $0x800  }
0x1b9: {  	[sflag:s5] =	ssyncset.done @!p3 $0x0  }
0x1ba: {  	[sflag:s5] =	ssyncadd.s32 @!p3 $0xFFFFF800  }
0x1bb: {  	_ =	swait.ge @!p3 [sflag:s5], $0x800  }
0x1bc: {  	[sflag:s5] =	ssyncset.done @!p3 $0x0  }
0x1bd: {  	[sflag:s5] =	ssyncadd.s32 @!p3 $0xFFFFF800  }
0x1be: {  	_ =	swait.ge @!p3 [sflag:s5], $0x800  }
0x1bf: {  	[sflag:s5] =	ssyncset.done @!p3 $0x0  }
0x1c0: {  	[sflag:s5] =	ssyncadd.s32 @!p3 $0xFFFFF800  }
0x1c1: {  	_ =	swait.ge @!p3 [sflag:s5], $0x800  }
0x1c2: {  	p1 =	por p2, p1;
	[sflag:s5] =	ssyncset.done @!p3 $0x0  }
0x1c3: {  	s6 =	simm.s32 @!p3 $0xFA00;
	[sflag:s5] =	ssyncadd.s32 @!p3 $0xFFFFF800;
	s5 =	simm.s32 @!p3 $0x80  }
0x1c4: {  	[tilespmem:s6], [sflag:$0x9] =	stream.indirect.gather.add.f32 @!p3 [hbm:s4], $0x40, s16, s5, $0xb8;
	[tilespmem:$0x1FA00] =	vst v63  }
0x1c5: {  	s5 =	simm.s32 @!p1 $0x2  }
0x1c6: {  	_ =	swait.ge @!p1 [sflag:s5], $0x800  }
0x1c7: {  	[sflag:s5] =	ssyncset.done @!p1 $0x0  }
0x1c8: {  	[sflag:s5] =	ssyncadd.s32 @!p1 $0xFFFFF800  }
0x1c9: {  	_ =	swait.ge @!p1 [sflag:s5], $0x800  }
0x1ca: {  	[sflag:s5] =	ssyncset.done @!p1 $0x0  }
0x1cb: {  	[sflag:s5] =	ssyncadd.s32 @!p1 $0xFFFFF800  }
0x1cc: {  	_ =	swait.ge @!p1 [sflag:s5], $0x800  }
0x1cd: {  	[sflag:s5] =	ssyncset.done @!p1 $0x0  }
.Ltmp13:
0x1ce: {  	[sflag:s5] =	ssyncadd.s32 @!p1 $0xFFFFF800;
	(pc) =	sbr.rel .LBB2_14-.Ltmp13, $4  }
0x1cf: {  	_ =	swait.ge @!p1 [sflag:s5], $0x800  }
0x1d0: {  	[sflag:s5] =	ssyncset.done @!p1 $0x0  }
0x1d1: {  	s6 =	simm.s32 @!p1 $0x11A00;
	[sflag:s5] =	ssyncadd.s32 @!p1 $0xFFFFF800;
	s5 =	simm.s32 @!p1 $0x80  }
0x1d2: {  	[tilespmem:s6], [sflag:$0xA] =	stream.indirect.gather.add.f32 @!p1 [hbm:s4], $0x40, s16, s5, $0xb8;
	[tilespmem:$0x1FA00] =	vst v63  }
.LBB2_16:
0x1d3: {  	_ =	sfence.sel $0x180000  }
0x1d4: {  	[bflag:$0x0] =	sbarrier.arrive $0xFFFF  }
0x1d5: {  	_ =	strace $0x90000047  }
0x1d6: {  	s0 =	stileid.u32;
	[bflag:$0x2] =	sbarrier.arrive $0xFFFF  }
0x1d7: {  	p0 =	sne.s32 s0, $0x0;
	s0 =	rddreg [dreg:$0x3]  }
0x1d8: {  	s0 =	sadd.s32 @!p0 $0x100000, s0  }
0x1d9: {  	[sflag:s0] =	ssyncadd.tile.s32 @!p0 $0x1;
	_ =	shalt  }
.Lfunc_end2:
_tile_overlayer_lowered:
.L_overlay_start_2:
0x1da: {  	(tag) =	ssettag $0x2  }
0x1db: {  	s0 =	rddreg [dreg:$0x0];
	s2 =	stileid.u32  }
0x1dc: {  	s1 =	rddreg [dreg:$0x1];
	p0 =	sne.s32 s2, $0x0  }
0x1dd: {  	s3 =	rddreg [dreg:$0x2];
	[bflag:$0x3] =	sbarrier.arrive $0xFFFF;
	s2 =	simm.s32 @!p0 $0x1C19  }
0x1de: {  	[timem:s3], [sflag:s2] =	dma.local @!p0 [hbm:s0], s1  }
0x1df: {  	s0 =	simm.s32 @!p0 $0x19  }
0x1e0: {  	_ =	swait.ge @!p0 [sflag:s0], s1  }
0x1e1: {  	s1 =	ssub.s32 @!p0 $0x0, s1;
	[sflag:s0] =	ssyncset.done @!p0 $0x0  }
0x1e2: {  	[sflag:s0] =	ssyncadd.s32 @!p0 s1  }
0x1e3: {  	[bflag:$0x3] =	sbarrier.arrive $0xFFFF  }
0x1e4: {  	_ =	shalt  }

// kernel: sparse-core-data-format-call.cloned.1.call-start
scs
called_computation_lowered:
.L_overlay_start_0:
0x0: {  	s2 =	sld [smem:$0x3FD9]  }
0x1: {  	s3 =	sld [smem:$0x3FFE];
	_ =	sdelay $0x1  }
0x2: {  	s1 =	srdreg.scid  }
0x3: {  	s0 =	sand.u32 $0x1, s1  }
0x4: {  	s18 =	sshll.u32 s0, $0xA;
	s2 =	sadd.s32 s3, s2  }
0x5: {  	s2 =	sadd.s32 s2, s18  }
0x6: {  	[smem:$0x3FC5] =	sst s2  }
0x7: {  	_ = 	snop  }
0x8: {  	s2 =	sld [smem:$0x3FD0];
	(tm) =	ssettm $0x1  }
0x9: {  	s19 =	sld [smem:$0x3FFB];
	_ =	sdelay $0x3  }
0xa: {  	_ =	strace s19  }
0xb: {  	s3 =	sld [smem:$0x3FFC];
	_ =	sdelay $0x3  }
0xc: {  	_ =	strace s3  }
0xd: {  	s3 =	sld [smem:$0x3FFD];
	_ =	sdelay $0x3  }
0xe: {  	_ =	strace s3  }
0xf: {  	_ =	strace $0x8FFFFFFF  }
0x10: {  	s20 =	sld [smem:$0x3FDB];
	_ =	sdelay $0x1  }
0x11: {  	s4 =	simm.s32 $_scs_section_size  }
0x12: {  	s5 =	simm.s32 $_size__tile_overlayer_lowered;
	s6 =	simm.s32 $_tile_overlayer_lowered  }
0x13: {  	s23 =	simm.s32 $0x1BFF;
	s22 =	sshll.u32 s6, $0x1;
	s3 =	sadd.s32 s4, s20  }
0x14: {  	s7 =	simm.s32 $0x0;
	s21 =	sshll.u32 s5, $0x1;
	s5 =	sadd.s32 s22, s3  }
0x15: {  	[timem:s7], [sflag:s23] =	dma.local [hbm:s5], s21  }
0x16: {  	_ =	swait.ge [sflag:s23], s21  }
0x17: {  	s4 =	ssub.s32 $0x0, s21;
	[sflag:s23] =	ssyncset.done $0x0  }
0x18: {  	[sflag:s23] =	ssyncadd.s32 s4;
	_ =	sdelay $0x1  }
0x19: {  	s24 =	simm.s32 $0x1B8B  }
0x1a: {  	_ =	swait.ge [sflag:s24], $0x1  }
0x1b: {  	[sflag:s24] =	ssyncset.done $0x0  }
0x1c: {  	s26 =	simm.s32 $0x1B8E;
	s25 =	sld [smem:$0x3FFE];
	[sflag:s24] =	ssyncadd.s32 $0xFFFFFFFF  }
0x1d: {  	s27 =	simm.s32 $execute0_lowered;
	[smem:$0x3FD2] =	sst s26  }
0x1e: {  	s5 =	sshll.u32 s27, $0x1;
	_ =	strace $0x80000049;
	[dreg:$0x1] =	wrdreg $0xFFFFFFFF  }
0x1f: {  	s28 =	simm.s32 $_size_execute0_lowered;
	s3 =	sadd.s32 s3, s5;
	[dreg:$0x0] =	wrdreg $0x0  }
0x20: {  	s5 =	sshll.u32 s28, $0x1;
	[dreg:$0x2] =	wrdreg s3  }
0x21: {  	[dreg:$0x3] =	wrdreg s5  }
0x22: {  	[dreg:$0x4] =	wrdreg $0xC0  }
0x23: {  	_ =	task [dreg:s7], $0x5FFFF  }
0x24: {  	[dreg:$0x1] =	wrdreg $0xFFFFFFFF  }
0x25: {  	[dreg:$0x0] =	wrdreg $0x60  }
0x26: {  	[dreg:$0x2] =	wrdreg s25  }
0x27: {  	[dreg:$0x3] =	wrdreg s2  }
0x28: {  	[dreg:$0x4] =	wrdreg $0x9  }
0x29: {  	_ =	task.clear_ibuf [dreg:s7], $0x5FFFF;
	_ =	strace $0x90000049  }
0x2a: {  	s29 =	simm.s32 $0x9;
	_ =	strace $0x8000004B  }
0x2b: {  	_ =	swait.ge [sflag:s29], $0x1  }
0x2c: {  	[sflag:s29] =	ssyncadd.s32 $0xFFFFFFFF  }
0x2d: {  	_ =	strace $0x9000004B  }
0x2e: {  	_ =	sfence  }
0x2f: {  	s30 =	sld [smem:$0x0];
	_ =	sdelay $0x2  }
0x30: {  	s31 =	sshll.u32 s1, $0xD;
	s1 =	sshrl.u32 s1, $0x2  }
0x31: {  	s3 =	sand.u32 $0x4000, s31;
	s1 =	sadd.s32 s1, s30  }
0x32: {  	s0 =	sor.u32 s3, s0;
	s1 =	sshll.u32 s1, $0x11  }
0x33: {  	s0 =	sor.u32 s1, s0  }
0x34: {  	s0 =	sadd.s32 $0x8F2B, s0  }
0x35: {  	[sflag:s0] =	ssyncadd.remote.s32 $0x1  }
0x36: {  	_ =	sfence.sel $0xFFFF  }
0x37: {  	[dreg:$0x0] =	wrdreg $0xFFFFFFFF;
	(pc) =	sbr.abs _section_cstart, $3  }
0x38: {  	[dreg:$0x1] =	wrdreg $0xFFFFFFFF  }
0x39: {  	_ =	task.clear_ibuf [dreg:s7], $0x2FFFF;
	_ =	strace $0x9FFFFFFF  }
0x3a: {  	(tm) =	ssettm $0x7FFFFFFF  }
0x3b: {  	_ =	shalt  }
tec
execute0_lowered:
.L_overlay_start_1:
0x0: {  	(tag) =	ssettag $0x1  }
0x1: {  	s0 =	srdreg.scid  }
0x2: {  	s1 =	sshll.u32 s0, $0x4  }
0x3: {  	s5 =	rddreg [dreg:$0x0];
	s0 =	stileid.u32;
	s1 =	sand.u32 $0x10, s1  }
0x4: {  	s3 =	rddreg [dreg:$0x1];
	s31 =	simm.s32 $0x2;
	s4 =	sor.u32 s0, s1  }
0x5: {  	s13 =	simm.s32 $0x0;
	s9 =	simm.s32 $0x400;
	s2 =	sshll.u32 s4, $0x7  }
0x6: {  	s10 =	simm.s32 $0x8000;
	s14 =	simm.s32 $0x0;
	s6 =	ssub.s32 $0x1000, s2  }
0x7: {  	s1 =	rddreg [dreg:$0x2];
	_ =	strace $0x8000004A;
	s7 =	sand.u32 $0xF80, s6  }
0x8: {  	s4 =	sshll.u32 s4, $0xB;
	p0 =	sne.s32 s7, $0x0;
	s7 =	simm.s32 $0x1  }
.Ltmp0:
0x9: {  	s6 =	sshrl.u32 s6, $0xC;
	s7 =	simm.s32 @!p0 $0x0;
	(pc) =	sbr.rel .LBB1_1-.Ltmp0, $4  }
0xa: {  	s8 =	sadd.s32 s4, s5;
	s4 =	simm.s32 $0x1;
	s30 =	sadd.s32 s7, s6  }
0xb: {  	s11 =	simm.s32 $0x0;
	[sflag:s4] =	ssyncpa.u1 $0x0;
	s5 =	smul.u32 $0x64, s30  }
0xc: {  	s12 =	simm.s32 $0x0;
	[sflag:s31] =	ssyncpa.u1 $0x0;
	p0 =	por $0x0, $0x0  }
0xd: {  	s6 =	sadd.s32 $0xC00, s8;
	s7 =	sadd.s32 $0x10C00, s8;
	s8 =	sor.u32 $0x1, s5  }
.LBB1_7:
0xe: {  	s15 =	sadd.s32 $0x2, s11  }
0xf: {  	p2 =	sgt.s32 s15, $0xC7  }
0x10: {  	s15 =	simm.s32 @p2 $0x0;
	p2 =	sne.s32 s12, s8  }
.Ltmp1:
0x11: {  	p1 =	slt.u32 s12, $0x2;
	(pc) =	sbr.rel @!p2 .LBB1_8-.Ltmp1, $4  }
0x12: {  	s13 =	simm.s32 @!p1 $0x2  }
0x13: {  	s16 =	sadd.s32 $0x1, s12;
	s14 =	smov.u32 s11;
	_ =	swait.ge @!p1 [sflag:s13], $0x4000  }
0x14: {  	p0 =	por !p0, !p0;
	s12 =	smov.u32 s16;
	[sflag:s13] =	ssyncset.done @!p1 $0x0  }
0x15: {  	s11 =	smov.u32 s15;
	[sflag:s13] =	ssyncadd.s32 @!p1 $0xFFFFC000;
	s13 =	smov.u32 s2  }
.LBB1_1:
0x16: {  	p1 =	sge.u32 s12, s5  }
0x17: {  	s15 =	sxor.u32 @!p1 $0xFFFFFFFF, s12  }
0x18: {  	s16 =	sshll.u32 @!p1 s11, $0x10;
	s18 =	simm.s32 @!p1 $0x40;
	s15 =	sshll.u32 @!p1 s15, $0xE  }
0x19: {  	s19 =	simm.s32 @!p1 $0x80;
	s17 =	sadd.s32 @!p1 s16, s6;
	s15 =	sand.u32 @!p1 $0x4000, s15  }
0x1a: {  	[tilespmem:s15], [sflag:$0x1] =	stream.strided.gather @!p1 [hbm4b:s17+s18], $0x2000, s19, s18, $0x38;
	[tilespmem:$0x10100] =	vst v63  }
0x1b: {  	s31 =	sadd.s32 $0xFFFFFFFF, s12;
	s16 =	sadd.s32 @!p1 s16, s7;
	s15 =	sor.u32 @!p1 $0x2000, s15  }
0x1c: {  	[tilespmem:s15], [sflag:$0x1] =	stream.strided.gather @!p1 [hbm4b:s16+s18], $0x2000, s19, s18, $0x38;
	[tilespmem:$0x10100] =	vst v63  }
0x1d: {  	p1 =	sge.u32 s31, s5  }
.Ltmp2:
0x1e: {  	_ = 	snop;
	(pc) =	sbr.rel @p1 .LBB1_7-.Ltmp2, $1  }
0x1f: {  	_ =	sdelay $0x3  }
0x20: {  	s15 =	simm.s32 $0x1;
	s17 =	sand.u32 $0x1, s12  }
0x21: {  	_ =	swait.ge [sflag:s4], $0x4000;
	s15 =	simm.s32 @!p0 $0x0;
	s17 =	smul.u32 $0x10200, s17  }
0x22: {  	p2 =	por $0x1, $0x1;
	[sflag:s4] =	ssyncset.done $0x0;
	s16 =	smul.u32 $0x10200, s15  }
0x23: {  	s18 =	sshll.u32 s15, $0x10;
	[sflag:s4] =	ssyncadd.s32 $0xFFFFC000;
	s30 =	sshrl.u32 s17, $0x2  }
0x24: {  	s31 =	sshrl.u32 s18, $0x2;
	s18 =	simm.s32 $0x0;
	s16 =	sshrl.u32 s16, $0x2  }
0x25: {  	s15 =	sor.u32 $0x8000, s30;
	s17 =	sadd.s32 $0x20, s31;
	s16 =	sor.u32 $0x8000, s16  }
.LBB1_3:
0x26: {  	s19 =	sshll.u32 s18, $0xD  }
0x27: {  	s19 =	sand.u32 $0x3FFFE000, s19  }
0x28: {  	s21 =	sadd.s32 s19, s17  }
0x29: {  	s31 =	smul.u32 $0x8100, s18;
	v3 =	vld [tilespmem:s21+$0x10]  }
0x2a: {  	v1 =	vld [tilespmem:s21+$0xFFFFFFF0]  }
0x2b: {  	s18 =	sshra.s32 s31, $0x2;
	v0 =	vld [tilespmem:s21+$0x0]  }
0x2c: {  	s18 =	sadd.s32 s18, s16;
	v2 =	vld [tilespmem:s21+$0xFFFFFFE0]  }
0x2d: {  	s19 =	sadd.s32 $0x0, s18  }
0x2e: {  	p1 =	por p2, p2;
	s20 =	simm.s32 $0x4;
	s21 =	sadd.s32 $0x40, s21;
	[tilespmem:s19+$0x1830 ss:$0x81] =	vst.msk $0xffff, v3  }
.LBB1_4:
0x2f: {  	v3 =	vld [tilespmem:s21+$0x10];
	p2 =	sne.s32 s20, $0x1FC;
	[tilespmem:s19+$0x810 ss:$0x81] =	vst.msk $0xffff, v1;
	s22 =	smov.u32 s20;
	s20 =	sadd.s32 $0x4, s20  }
.Ltmp3:
0x30: {  	v1 =	vld [tilespmem:s21+$0xFFFFFFF0];
	[tilespmem:s19+$0x1020 ss:$0x81] =	vst.msk $0xffff, v0;
	(pc) =	sbr.rel @p2 .LBB1_4-.Ltmp3, $4  }
0x31: {  	v0 =	vld [tilespmem:s21+$0x0];
	[tilespmem:s19+$0x0 ss:$0x81] =	vst.msk $0xffff, v2  }
0x32: {  	s19 =	sshra.s32 s22, $0x2;
	v2 =	vld [tilespmem:s21+$0xFFFFFFE0]  }
0x33: {  	s19 =	sadd.s32 s19, s18  }
0x34: {  	s21 =	sadd.s32 $0x40, s21;
	[tilespmem:s19+$0x1830 ss:$0x81] =	vst.msk $0xffff, v3  }
.Ltmp4:
0x35: {  	(pc) =	sbr.rel @p1 .LBB1_3-.Ltmp4, $4  }
0x36: {  	_ = 	snop  }
0x37: {  	[tilespmem:s19+$0x810 ss:$0x81] =	vst.msk $0xffff, v1  }
0x38: {  	[tilespmem:s19+$0x1020 ss:$0x81] =	vst.msk $0xffff, v0  }
0x39: {  	s18 =	simm.s32 $0x1;
	p2 =	por $0x0, $0x0;
	[tilespmem:s19+$0x0 ss:$0x81] =	vst.msk $0xffff, v2  }
.Ltmp5:
0x3a: {  	(pc) =	sbr.rel .LBB1_7-.Ltmp5, $4  }
0x3b: {  	s14 =	sshll.u32 s14, $0xF  }
0x3c: {  	s14 =	sadd.s32 s3, s14  }
0x3d: {  	s13 =	sadd.s32 s13, s14  }
0x3e: {  	[hbm4b:s13+s9] =	stream.strided.scatter [tilespmem:s15], [sflag:$0x2], $0x4000, s10, s9, $0x20;
	[tilespmem:$0x10100] =	vst v63  }
.LBB1_8:
0x3f: {  	_ =	sfence.sel $0x180000  }
0x40: {  	s2 =	simm.s32 $0x1;
	[bflag:$0x0] =	sbarrier.arrive $0xFFFF  }
0x41: {  	s31 =	simm.s32 $0x2;
	[sflag:s2] =	ssyncpa.u1 $0x1  }
0x42: {  	[sflag:s31] =	ssyncpa.u1 $0x1  }
0x43: {  	p0 =	sne.s32 s0, $0x0;
	_ =	strace $0x9000004A  }
0x44: {  	s0 =	sadd.s32 @!p0 $0x100000, s1;
	[bflag:$0x2] =	sbarrier.arrive $0xFFFF  }
0x45: {  	[sflag:s0] =	ssyncadd.tile.s32 @!p0 $0x1;
	_ =	shalt  }
.Lfunc_end1:
_tile_overlayer_lowered:
.L_overlay_start_2:
0x46: {  	(tag) =	ssettag $0x2  }
0x47: {  	s0 =	rddreg [dreg:$0x0];
	s2 =	stileid.u32  }
0x48: {  	s1 =	rddreg [dreg:$0x1];
	p0 =	sne.s32 s2, $0x0  }
0x49: {  	s3 =	rddreg [dreg:$0x2];
	[bflag:$0x3] =	sbarrier.arrive $0xFFFF;
	s2 =	simm.s32 @!p0 $0x1C01  }
0x4a: {  	[timem:s3], [sflag:s2] =	dma.local @!p0 [hbm:s0], s1  }
0x4b: {  	s0 =	simm.s32 @!p0 $0x1  }
0x4c: {  	_ =	swait.ge @!p0 [sflag:s0], s1  }
0x4d: {  	s1 =	ssub.s32 @!p0 $0x0, s1;
	[sflag:s0] =	ssyncset.done @!p0 $0x0  }
0x4e: {  	[sflag:s0] =	ssyncadd.s32 @!p0 s1  }
0x4f: {  	[bflag:$0x3] =	sbarrier.arrive $0xFFFF  }
0x50: {  	_ =	shalt  }

</sc_bundles>
